<compile_context>
chip_gen: v7x
topology: tpu7x:2x2x1
jax: 0.10.2.dev20260603
libtpu: 0.0.44.dev20260713+nightly
codegen_flags: <defaults>
</compile_context>

<pallas_src>
import functools

import jax
import jax.numpy as jnp
from jax import lax
from jax.experimental import pallas as pl
from jax.experimental.pallas import tpu as pltpu
from jax.experimental.pallas import tpu_sc as plsc

N = 10000
E = 320000
D = 128
NE = 8
NGT = 20
H = 2 * D

NP = 10240
NC = 2
NS = 16
NW = NC * NS
EW = E // NW
ROWS = (EW + 127) // 128
HB = NGT * NP
ZB = HB // NS
TRASH = N


def _sc_hist_body(dst_hbm, egt_hbm, zeros_hbm, out_hbm,
                  dst_v, egt_v, idx_v, ones_v, zbuf_v, hist_sh, sem):
    cid = lax.axis_index("c")
    sid = lax.axis_index("s")
    wid = cid * NS + sid

    pltpu.sync_copy(zeros_hbm, zbuf_v)
    pltpu.sync_copy(zbuf_v, hist_sh.at[pl.ds(sid * ZB, ZB)])

    base = wid * EW
    cp_d = pltpu.async_copy(dst_hbm.at[pl.ds(base, EW)], dst_v, sem)
    cp_g = pltpu.async_copy(egt_hbm.at[pl.ds(base, EW)], egt_v, sem)

    for j in range(8):
        ones_v[pl.ds(j * 16, 16)] = jnp.ones((16,), jnp.float32)
    cp_d.wait()
    cp_g.wait()

    def body(r, carry):
        for j in range(8):
            off = r * 128 + j * 16
            d = dst_v[pl.ds(off, 16)]
            g = egt_v[pl.ds(off, 16)]
            idx_v[r, pl.ds(j * 16, 16)] = g * NP + d
        return carry

    lax.fori_loop(0, ROWS - 1, body, 0)
    off = (ROWS - 1) * 128
    idx_v[ROWS - 1, pl.ds(0, 16)] = (egt_v[pl.ds(off, 16)] * NP
                                     + dst_v[pl.ds(off, 16)])
    for j in range(7):
        idx_v[ROWS - 1, pl.ds(16 + j * 16, 16)] = jnp.full(
            (16,), TRASH, jnp.int32)

    plsc.subcore_barrier()
    copies = [pltpu.async_copy(ones_v, hist_sh.at[idx_v.at[r]], sem, add=True)
              for r in range(ROWS)]
    for c in copies:
        c.wait()
    plsc.subcore_barrier()

    off0 = sid * ZB
    pltpu.sync_copy(hist_sh.at[pl.ds(off0, ZB)], zbuf_v)
    pltpu.sync_copy(zbuf_v, out_hbm.at[pl.ds(cid * HB + off0, ZB)])


@functools.cache
def _sc_hist():
    return pl.kernel(
        _sc_hist_body,
        out_type=jax.ShapeDtypeStruct((NC * HB,), jnp.float32),
        mesh=plsc.VectorSubcoreMesh(core_axis_name="c", subcore_axis_name="s",
                                    num_cores=NC, num_subcores=NS),
        scratch_types=[
            pltpu.VMEM((EW,), jnp.int32),
            pltpu.VMEM((EW,), jnp.int32),
            pltpu.VMEM((ROWS, 128), jnp.int32),
            pltpu.VMEM((128,), jnp.float32),
            pltpu.VMEM((ZB,), jnp.float32),
            pltpu.VMEM_SHARED((HB,), jnp.float32),
            pltpu.SemaphoreType.DMA,
        ],
    )


def _tc_body(x_ref, ht_ref, gte_ref, wr_ref, br_ref, w1_ref, b1c_ref,
             w2c_ref, b2_ref, sel_ref, gamma_ref, beta_ref, o_ref):
    x = x_ref[...]
    ct = ht_ref[0:NGT] + ht_ref[NGT:2 * NGT]
    gl_aug = lax.dot_general(
        ct, gte_ref[...], (((0,), (0,)), ((), ())),
        precision=lax.Precision.HIGHEST,
        preferred_element_type=jnp.float32)
    deg = gl_aug[:, NE:NE + 1]
    gate_logits = gl_aug[:, 0:NE] / jnp.maximum(deg, 1.0)
    logits = (jnp.dot(x, wr_ref[...], preferred_element_type=jnp.float32)
              + br_ref[...] + gate_logits)

    iota = lax.broadcasted_iota(jnp.int32, logits.shape, 1)
    m1 = jnp.max(logits, axis=1, keepdims=True)
    idx1 = jnp.min(jnp.where(logits == m1, iota, NE), axis=1, keepdims=True)
    masked = jnp.where(iota == idx1, -jnp.inf, logits)
    m2 = jnp.max(masked, axis=1, keepdims=True)
    idx2 = jnp.min(jnp.where(masked == m2, iota, NE), axis=1, keepdims=True)
    g1 = 1.0 / (1.0 + jnp.exp(m2 - m1))
    w = (jnp.where(iota == idx1, g1, 0.0)
         + jnp.where(iota == idx2, 1.0 - g1, 0.0))

    xb = x.astype(jnp.bfloat16)
    hc = jnp.concatenate(
        [jnp.dot(xb, w1_ref[e], preferred_element_type=jnp.float32)
         for e in range(NE)], axis=1) + b1c_ref[...]
    wrep = jnp.dot(w, sel_ref[...],
                   preferred_element_type=jnp.float32)
    g = (hc * wrep) * (1.0 + lax.erf(hc))
    acc = (jnp.dot(g.astype(jnp.bfloat16), w2c_ref[...],
                   preferred_element_type=jnp.float32)
           + jnp.dot(w, b2_ref[...], preferred_element_type=jnp.float32))

    mu = jnp.mean(acc, axis=1, keepdims=True)
    var = jnp.mean((acc - mu) ** 2, axis=1, keepdims=True)
    o_ref[...] = ((acc - mu) * lax.rsqrt(var + 1e-5) * gamma_ref[...]
                  + beta_ref[...])


def kernel(x, edge_gate_type, edge_index, gate_type_embed, Wr, br,
           W1, b1, W2, b2, gamma, beta):
    dst = edge_index[1].astype(jnp.int32)
    egt = edge_gate_type.astype(jnp.int32)
    zeros = jnp.zeros((ZB,), jnp.float32)

    hist = _sc_hist()(dst, egt, zeros)
    ht = hist.reshape(NC * NGT, NP)

    HH = NE * H
    inv_sqrt2 = 0.7071067811865476
    W1b = (W1 * inv_sqrt2).astype(jnp.bfloat16)
    b1c = (b1 * inv_sqrt2).reshape(1, HH)
    W2cb = W2.reshape(HH, D).astype(jnp.bfloat16)
    sel = (0.5 / inv_sqrt2) * jnp.repeat(jnp.eye(NE, dtype=jnp.float32),
                                         H, axis=1)
    gte_aug = jnp.concatenate(
        [gate_type_embed, jnp.ones((NGT, 1), jnp.float32)], axis=1)

    Bn = 1024
    grid = ((N + Bn - 1) // Bn,)
    out = pl.pallas_call(
        _tc_body,
        grid=grid,
        in_specs=[
            pl.BlockSpec((Bn, D), lambda i: (i, 0)),
            pl.BlockSpec((NC * NGT, Bn), lambda i: (0, i)),
            pl.BlockSpec((NGT, NE + 1), lambda i: (0, 0)),
            pl.BlockSpec((D, NE), lambda i: (0, 0)),
            pl.BlockSpec((1, NE), lambda i: (0, 0)),
            pl.BlockSpec((NE, D, H), lambda i: (0, 0, 0)),
            pl.BlockSpec((1, HH), lambda i: (0, 0)),
            pl.BlockSpec((HH, D), lambda i: (0, 0)),
            pl.BlockSpec((NE, D), lambda i: (0, 0)),
            pl.BlockSpec((NE, HH), lambda i: (0, 0)),
            pl.BlockSpec((1, D), lambda i: (0, 0)),
            pl.BlockSpec((1, D), lambda i: (0, 0)),
        ],
        out_specs=pl.BlockSpec((Bn, D), lambda i: (i, 0)),
        out_shape=jax.ShapeDtypeStruct((N, D), jnp.float32),
        compiler_params=pltpu.CompilerParams(
            dimension_semantics=("arbitrary",)),
    )(x, ht, gte_aug, Wr, br.reshape(1, NE), W1b, b1c,
      W2cb, b2, sel, gamma.reshape(1, D), beta.reshape(1, D))
    return out

# --- scband reference (transcript-rebuilt; emitter-appended) ---
"""Pipeline reference for scband-gate-type-expert-layer-38654705664486 (READ-ONLY COPY).

The authoritative reference and input builder live on the scoring server;
editing this copy changes nothing except your own understanding.
"""

import jax, jax.numpy as jnp
import numpy as np

N = 10000
E = 320000
D = 128
NUM_EXPERTS = 8
NUM_GATE_TYPES = 20
TOP_K = 2


def setup_inputs(seed: int = 0) -> dict:
    key = jax.random.key(seed)
    ks = jax.random.split(key, 12)
    x = jax.random.normal(ks[0], (N, D), dtype=jnp.float32)
    edge_gate_type = jax.random.randint(ks[1], (E,), 0, NUM_GATE_TYPES, dtype=jnp.int64)
    edge_index = jax.random.randint(ks[2], (2, E), 0, N, dtype=jnp.int64)
    gate_type_embed = jax.random.normal(ks[3], (NUM_GATE_TYPES, NUM_EXPERTS), dtype=jnp.float32)
    Wr = jax.random.normal(ks[4], (D, NUM_EXPERTS), dtype=jnp.float32) * (1.0 / np.sqrt(D))
    br = jnp.zeros((NUM_EXPERTS,), dtype=jnp.float32)
    W1 = jax.random.normal(ks[5], (NUM_EXPERTS, D, 2 * D), dtype=jnp.float32) * (1.0 / np.sqrt(D))
    b1 = jnp.zeros((NUM_EXPERTS, 2 * D), dtype=jnp.float32)
    W2 = jax.random.normal(ks[6], (NUM_EXPERTS, 2 * D, D), dtype=jnp.float32) * (1.0 / np.sqrt(2 * D))
    b2 = jnp.zeros((NUM_EXPERTS, D), dtype=jnp.float32)
    gamma = jnp.ones((D,), dtype=jnp.float32)
    beta = jnp.zeros((D,), dtype=jnp.float32)
    return {"x": x, "edge_gate_type": edge_gate_type, "edge_index": edge_index,
            "gate_type_embed": gate_type_embed, "Wr": Wr, "br": br,
            "W1": W1, "b1": b1, "W2": W2, "b2": b2, "gamma": gamma, "beta": beta}


def reference(x, edge_gate_type, edge_index, gate_type_embed, Wr, br, W1, b1, W2, b2, gamma, beta):
    n = x.shape[0]
    # content router logits
    content_logits = x @ Wr + br  # [N, E_exp]
    # gate-type embedding per edge, scatter-mean to dst nodes
    dst = edge_index[1]
    gate_embeds = jnp.take(gate_type_embed, edge_gate_type, axis=0)  # [E, E_exp]
    sums = jax.ops.segment_sum(gate_embeds, dst, num_segments=n)
    cnt = jax.ops.segment_sum(jnp.ones((gate_embeds.shape[0], 1), dtype=x.dtype), dst, num_segments=n)
    node_gate_logits = sums / jnp.maximum(cnt, 1.0)
    router_logits = content_logits + node_gate_logits
    top_k_logits, top_k_indices = jax.lax.top_k(router_logits, TOP_K)
    top_k_gates = jax.nn.softmax(top_k_logits, axis=-1)
    # all experts computed densely then gathered (matches torch.stack of experts)
    h = jnp.einsum('nd,edh->neh', x, W1) + b1[None, :, :]
    h = jax.nn.gelu(h, approximate=False)
    expert_outputs = jnp.einsum('neh,ehd->ned', h, W2) + b2[None, :, :]  # [N, E_exp, D]
    selected = jnp.take_along_axis(expert_outputs, top_k_indices[:, :, None], axis=1)  # [N, K, D]
    out = jnp.sum(selected * top_k_gates[:, :, None], axis=1)  # [N, D]
    # LayerNorm (eps=1e-5)
    mu = jnp.mean(out, axis=-1, keepdims=True)
    var = jnp.mean((out - mu) ** 2, axis=-1, keepdims=True)
    normed = (out - mu) / jnp.sqrt(var + 1e-5) * gamma + beta
    return normed

if __name__ == "__main__":
    import jax
    _d = setup_inputs()
    print(jax.jit(kernel)(*tuple(_d.values())))

</pallas_src>

<mosaic_0001>
#map = affine_map<(d0, d1) -> (0)>
module attributes {stable_mosaic.version = 14 : i64} {
  func.func @_sc_hist_body(%arg0: i32, %arg1: i32, %arg2: memref<320000xi32, #tpu.memory_space<hbm>>, %arg3: memref<320000xi32, #tpu.memory_space<hbm>>, %arg4: memref<12800xf32, #tpu.memory_space<hbm>>, %arg5: memref<409600xf32, #tpu.memory_space<hbm>>, %arg6: memref<10000xi32, #tpu.memory_space<vmem>>, %arg7: memref<10000xi32, #tpu.memory_space<vmem>>, %arg8: memref<79x128xi32, #tpu.memory_space<vmem>>, %arg9: memref<128xf32, #tpu.memory_space<vmem>>, %arg10: memref<12800xf32, #tpu.memory_space<vmem>>, %arg11: memref<204800xf32, #tpu.memory_space<vmem_shared>>, %arg12: memref<!tpu.dma_semaphore, #tpu.memory_space<semaphore_mem>>) attributes {dimension_semantics = [#tpu.dimension_semantics<core_parallel>, #tpu.dimension_semantics<subcore_parallel>], iteration_bounds = array<i64: 2, 16>, scalar_prefetch = 0 : i64, scratch_operands = 7 : i64, tpu.core_type = #tpu.core_type<sc_vector_subcore>, window_params = [{transform_indices = #map}, {transform_indices = #map}, {transform_indices = #map}, {transform_indices = #map}]} {
    %mul3A = arith.constant 16 : i32
    %mul3A_0 = arith.muli %arg0, %mul3A : i32
    %add3A = arith.addi %mul3A_0, %arg1 : i32
    "tpu.region"() ({
      %run_scoped3A = tpu.sem_alloc : memref<!tpu.dma_semaphore, #tpu.memory_space<semaphore_mem>>
      tpu.enqueue_dma source(%arg4 : memref<12800xf32, #tpu.memory_space<hbm>>) target(%arg10 : memref<12800xf32, #tpu.memory_space<vmem>>) target_semaphore(%run_scoped3A : memref<!tpu.dma_semaphore, #tpu.memory_space<semaphore_mem>>)
      tpu.wait_dma2 semaphore(%run_scoped3A : memref<!tpu.dma_semaphore, #tpu.memory_space<semaphore_mem>>) src(%arg4 : memref<12800xf32, #tpu.memory_space<hbm>>) dst(%arg10 : memref<12800xf32, #tpu.memory_space<vmem>>)
      tpu.yield
    }) : () -> ()
    %mul3A_1 = arith.constant 12800 : i32
    %mul3A_2 = arith.muli %arg1, %mul3A_1 : i32
    "tpu.region"() ({
      %run_scoped3A = tpu.sem_alloc : memref<!tpu.dma_semaphore, #tpu.memory_space<semaphore_mem>>
      %dma_start3A_1087 = tpu.memref_slice %arg11[%mul3A_2] : memref<204800xf32, #tpu.memory_space<vmem_shared>> -> memref<12800xf32, #tpu.memory_space<vmem_shared>>
      %dma_start3A_1088 = tpu.memref_slice %arg11[%mul3A_2] : memref<204800xf32, #tpu.memory_space<vmem_shared>> -> memref<12800xf32, #tpu.memory_space<vmem_shared>>
      tpu.enqueue_dma source(%arg10 : memref<12800xf32, #tpu.memory_space<vmem>>) target(%dma_start3A_1088 : memref<12800xf32, #tpu.memory_space<vmem_shared>>) target_semaphore(%run_scoped3A : memref<!tpu.dma_semaphore, #tpu.memory_space<semaphore_mem>>)
      %dma_wait3A_1089 = tpu.memref_slice %arg11[%mul3A_2] : memref<204800xf32, #tpu.memory_space<vmem_shared>> -> memref<12800xf32, #tpu.memory_space<vmem_shared>>
      %dma_wait3A_1090 = tpu.memref_slice %arg11[%mul3A_2] : memref<204800xf32, #tpu.memory_space<vmem_shared>> -> memref<12800xf32, #tpu.memory_space<vmem_shared>>
      tpu.wait_dma2 semaphore(%run_scoped3A : memref<!tpu.dma_semaphore, #tpu.memory_space<semaphore_mem>>) src(%arg10 : memref<12800xf32, #tpu.memory_space<vmem>>) dst(%dma_wait3A_1090 : memref<12800xf32, #tpu.memory_space<vmem_shared>>)
      tpu.yield
    }) : () -> ()
    %mul3A_3 = arith.constant 10000 : i32
    %mul3A_4 = arith.muli %add3A, %mul3A_3 : i32
    %dma_start3A = tpu.memref_slice %arg2[%mul3A_4] : memref<320000xi32, #tpu.memory_space<hbm>> -> memref<10000xi32, #tpu.memory_space<hbm>>
    %dma_start3A_5 = tpu.memref_slice %arg2[%mul3A_4] : memref<320000xi32, #tpu.memory_space<hbm>> -> memref<10000xi32, #tpu.memory_space<hbm>>
    tpu.enqueue_dma source(%dma_start3A_5 : memref<10000xi32, #tpu.memory_space<hbm>>) target(%arg6 : memref<10000xi32, #tpu.memory_space<vmem>>) target_semaphore(%arg12 : memref<!tpu.dma_semaphore, #tpu.memory_space<semaphore_mem>>)
    %dma_start3A_6 = tpu.memref_slice %arg3[%mul3A_4] : memref<320000xi32, #tpu.memory_space<hbm>> -> memref<10000xi32, #tpu.memory_space<hbm>>
    %dma_start3A_7 = tpu.memref_slice %arg3[%mul3A_4] : memref<320000xi32, #tpu.memory_space<hbm>> -> memref<10000xi32, #tpu.memory_space<hbm>>
    tpu.enqueue_dma source(%dma_start3A_7 : memref<10000xi32, #tpu.memory_space<hbm>>) target(%arg7 : memref<10000xi32, #tpu.memory_space<vmem>>) target_semaphore(%arg12 : memref<!tpu.dma_semaphore, #tpu.memory_space<semaphore_mem>>)
    %broadcast_in_dim3A = arith.constant 1.000000e+00 : f32
    %broadcast_in_dim3A_8 = vector.broadcast %broadcast_in_dim3A : f32 to vector<16xf32>
    %swap3A = arith.constant 0 : index
    %swap3A_9 = tpu.vector_load %arg9[%swap3A] {strides = array<i32>} : memref<128xf32, #tpu.memory_space<vmem>>, vector<16xf32>,
    %swap3A_10 = vector.shape_cast %swap3A_9 : vector<16xf32> to vector<16xf32>
    %swap3A_11 = vector.shape_cast %broadcast_in_dim3A_8 : vector<16xf32> to vector<16xf32>
    tpu.vector_store %arg9[%swap3A], %swap3A_11 {strides = array<i32>} : memref<128xf32, #tpu.memory_space<vmem>>, vector<16xf32>,
    %broadcast_in_dim3A_12 = arith.constant 1.000000e+00 : f32
    %broadcast_in_dim3A_13 = vector.broadcast %broadcast_in_dim3A_12 : f32 to vector<16xf32>
    %swap3A_14 = arith.constant 16 : index
    %swap3A_15 = tpu.vector_load %arg9[%swap3A_14] {strides = array<i32>} : memref<128xf32, #tpu.memory_space<vmem>>, vector<16xf32>,
    %swap3A_16 = vector.shape_cast %swap3A_15 : vector<16xf32> to vector<16xf32>
    %swap3A_17 = vector.shape_cast %broadcast_in_dim3A_13 : vector<16xf32> to vector<16xf32>
    tpu.vector_store %arg9[%swap3A_14], %swap3A_17 {strides = array<i32>} : memref<128xf32, #tpu.memory_space<vmem>>, vector<16xf32>,
    %broadcast_in_dim3A_18 = arith.constant 1.000000e+00 : f32
    %broadcast_in_dim3A_19 = vector.broadcast %broadcast_in_dim3A_18 : f32 to vector<16xf32>
    %swap3A_20 = arith.constant 32 : index
    %swap3A_21 = tpu.vector_load %arg9[%swap3A_20] {strides = array<i32>} : memref<128xf32, #tpu.memory_space<vmem>>, vector<16xf32>,
    %swap3A_22 = vector.shape_cast %swap3A_21 : vector<16xf32> to vector<16xf32>
    %swap3A_23 = vector.shape_cast %broadcast_in_dim3A_19 : vector<16xf32> to vector<16xf32>
    tpu.vector_store %arg9[%swap3A_20], %swap3A_23 {strides = array<i32>} : memref<128xf32, #tpu.memory_space<vmem>>, vector<16xf32>,
    %broadcast_in_dim3A_24 = arith.constant 1.000000e+00 : f32
    %broadcast_in_dim3A_25 = vector.broadcast %broadcast_in_dim3A_24 : f32 to vector<16xf32>
    %swap3A_26 = arith.constant 48 : index
    %swap3A_27 = tpu.vector_load %arg9[%swap3A_26] {strides = array<i32>} : memref<128xf32, #tpu.memory_space<vmem>>, vector<16xf32>,
    %swap3A_28 = vector.shape_cast %swap3A_27 : vector<16xf32> to vector<16xf32>
    %swap3A_29 = vector.shape_cast %broadcast_in_dim3A_25 : vector<16xf32> to vector<16xf32>
    tpu.vector_store %arg9[%swap3A_26], %swap3A_29 {strides = array<i32>} : memref<128xf32, #tpu.memory_space<vmem>>, vector<16xf32>,
    %broadcast_in_dim3A_30 = arith.constant 1.000000e+00 : f32
    %broadcast_in_dim3A_31 = vector.broadcast %broadcast_in_dim3A_30 : f32 to vector<16xf32>
    %swap3A_32 = arith.constant 64 : index
    %swap3A_33 = tpu.vector_load %arg9[%swap3A_32] {strides = array<i32>} : memref<128xf32, #tpu.memory_space<vmem>>, vector<16xf32>,
    %swap3A_34 = vector.shape_cast %swap3A_33 : vector<16xf32> to vector<16xf32>
    %swap3A_35 = vector.shape_cast %broadcast_in_dim3A_31 : vector<16xf32> to vector<16xf32>
    tpu.vector_store %arg9[%swap3A_32], %swap3A_35 {strides = array<i32>} : memref<128xf32, #tpu.memory_space<vmem>>, vector<16xf32>,
    %broadcast_in_dim3A_36 = arith.constant 1.000000e+00 : f32
    %broadcast_in_dim3A_37 = vector.broadcast %broadcast_in_dim3A_36 : f32 to vector<16xf32>
    %swap3A_38 = arith.constant 80 : index
    %swap3A_39 = tpu.vector_load %arg9[%swap3A_38] {strides = array<i32>} : memref<128xf32, #tpu.memory_space<vmem>>, vector<16xf32>,
    %swap3A_40 = vector.shape_cast %swap3A_39 : vector<16xf32> to vector<16xf32>
    %swap3A_41 = vector.shape_cast %broadcast_in_dim3A_37 : vector<16xf32> to vector<16xf32>
    tpu.vector_store %arg9[%swap3A_38], %swap3A_41 {strides = array<i32>} : memref<128xf32, #tpu.memory_space<vmem>>, vector<16xf32>,
    %broadcast_in_dim3A_42 = arith.constant 1.000000e+00 : f32
    %broadcast_in_dim3A_43 = vector.broadcast %broadcast_in_dim3A_42 : f32 to vector<16xf32>
    %swap3A_44 = arith.constant 96 : index
    %swap3A_45 = tpu.vector_load %arg9[%swap3A_44] {strides = array<i32>} : memref<128xf32, #tpu.memory_space<vmem>>, vector<16xf32>,
    %swap3A_46 = vector.shape_cast %swap3A_45 : vector<16xf32> to vector<16xf32>
    %swap3A_47 = vector.shape_cast %broadcast_in_dim3A_43 : vector<16xf32> to vector<16xf32>
    tpu.vector_store %arg9[%swap3A_44], %swap3A_47 {strides = array<i32>} : memref<128xf32, #tpu.memory_space<vmem>>, vector<16xf32>,
    %broadcast_in_dim3A_48 = arith.constant 1.000000e+00 : f32
    %broadcast_in_dim3A_49 = vector.broadcast %broadcast_in_dim3A_48 : f32 to vector<16xf32>
    %swap3A_50 = arith.constant 112 : index
    %swap3A_51 = tpu.vector_load %arg9[%swap3A_50] {strides = array<i32>} : memref<128xf32, #tpu.memory_space<vmem>>, vector<16xf32>,
    %swap3A_52 = vector.shape_cast %swap3A_51 : vector<16xf32> to vector<16xf32>
    %swap3A_53 = vector.shape_cast %broadcast_in_dim3A_49 : vector<16xf32> to vector<16xf32>
    tpu.vector_store %arg9[%swap3A_50], %swap3A_53 {strides = array<i32>} : memref<128xf32, #tpu.memory_space<vmem>>, vector<16xf32>,
    %dma_wait3A = tpu.memref_slice %arg2[%mul3A_4] : memref<320000xi32, #tpu.memory_space<hbm>> -> memref<10000xi32, #tpu.memory_space<hbm>>
    %dma_wait3A_54 = tpu.memref_slice %arg2[%mul3A_4] : memref<320000xi32, #tpu.memory_space<hbm>> -> memref<10000xi32, #tpu.memory_space<hbm>>
    tpu.wait_dma2 semaphore(%arg12 : memref<!tpu.dma_semaphore, #tpu.memory_space<semaphore_mem>>) src(%dma_wait3A_54 : memref<10000xi32, #tpu.memory_space<hbm>>) dst(%arg6 : memref<10000xi32, #tpu.memory_space<vmem>>)
    %dma_wait3A_55 = tpu.memref_slice %arg3[%mul3A_4] : memref<320000xi32, #tpu.memory_space<hbm>> -> memref<10000xi32, #tpu.memory_space<hbm>>
    %dma_wait3A_56 = tpu.memref_slice %arg3[%mul3A_4] : memref<320000xi32, #tpu.memory_space<hbm>> -> memref<10000xi32, #tpu.memory_space<hbm>>
    tpu.wait_dma2 semaphore(%arg12 : memref<!tpu.dma_semaphore, #tpu.memory_space<semaphore_mem>>) src(%dma_wait3A_56 : memref<10000xi32, #tpu.memory_space<hbm>>) dst(%arg7 : memref<10000xi32, #tpu.memory_space<vmem>>)
    %scan3A = arith.constant 0 : i32
    %scan3A_57 = arith.constant 0 : i32
    %scan3A_58 = arith.constant 78 : i32
    %scan3A_59 = arith.addi %scan3A_57, %scan3A_58 : i32
    %scan3A_60 = arith.constant 1 : i32
    scf.for %scan3A_1087 = %scan3A_57 to %scan3A_59 step %scan3A_60  : i32 {
      %mul3A_1088 = arith.constant 128 : i32
      %mul3A_1089 = arith.muli %scan3A_1087, %mul3A_1088 : i32
      %add3A_1090 = arith.constant 0 : i32
      %add3A_1091 = arith.addi %mul3A_1089, %add3A_1090 : i32
      %get3A_1092 = arith.index_cast %add3A_1091 : i32 to index
      %get3A_1093 = tpu.vector_load %arg6[%get3A_1092] {strides = array<i32>} : memref<10000xi32, #tpu.memory_space<vmem>>, vector<16xi32>,
      %get3A_1094 = vector.shape_cast %get3A_1093 : vector<16xi32> to vector<16xi32>
      %get3A_1095 = arith.index_cast %add3A_1091 : i32 to index
      %get3A_1096 = tpu.vector_load %arg7[%get3A_1095] {strides = array<i32>} : memref<10000xi32, #tpu.memory_space<vmem>>, vector<16xi32>,
      %get3A_1097 = vector.shape_cast %get3A_1096 : vector<16xi32> to vector<16xi32>
      %mul3A_1098 = arith.constant 10240 : i32
      %mul3A_1099 = vector.broadcast %mul3A_1098 : i32 to vector<16xi32>
      %mul3A_1100 = arith.muli %get3A_1097, %mul3A_1099 : vector<16xi32>
      %add3A_1101 = arith.addi %mul3A_1100, %get3A_1094 : vector<16xi32>
      %swap3A_1102 = arith.index_cast %scan3A_1087 : i32 to index
      %swap3A_1103 = arith.constant 0 : index
      %swap3A_1104 = tpu.vector_load %arg8[%swap3A_1102, %swap3A_1103] {strides = array<i32>} : memref<79x128xi32, #tpu.memory_space<vmem>>, vector<1x16xi32>,
      %swap3A_1105 = vector.shape_cast %swap3A_1104 : vector<1x16xi32> to vector<16xi32>
      %swap3A_1106 = vector.shape_cast %add3A_1101 : vector<16xi32> to vector<1x16xi32>
      tpu.vector_store %arg8[%swap3A_1102, %swap3A_1103], %swap3A_1106 {strides = array<i32>} : memref<79x128xi32, #tpu.memory_space<vmem>>, vector<1x16xi32>,
      %mul3A_1107 = arith.constant 128 : i32
      %mul3A_1108 = arith.muli %scan3A_1087, %mul3A_1107 : i32
      %add3A_1109 = arith.constant 16 : i32
      %add3A_1110 = arith.addi %mul3A_1108, %add3A_1109 : i32
      %get3A_1111 = arith.index_cast %add3A_1110 : i32 to index
      %get3A_1112 = tpu.vector_load %arg6[%get3A_1111] {strides = array<i32>} : memref<10000xi32, #tpu.memory_space<vmem>>, vector<16xi32>,
      %get3A_1113 = vector.shape_cast %get3A_1112 : vector<16xi32> to vector<16xi32>
      %get3A_1114 = arith.index_cast %add3A_1110 : i32 to index
      %get3A_1115 = tpu.vector_load %arg7[%get3A_1114] {strides = array<i32>} : memref<10000xi32, #tpu.memory_space<vmem>>, vector<16xi32>,
      %get3A_1116 = vector.shape_cast %get3A_1115 : vector<16xi32> to vector<16xi32>
      %mul3A_1117 = arith.constant 10240 : i32
      %mul3A_1118 = vector.broadcast %mul3A_1117 : i32 to vector<16xi32>
      %mul3A_1119 = arith.muli %get3A_1116, %mul3A_1118 : vector<16xi32>
      %add3A_1120 = arith.addi %mul3A_1119, %get3A_1113 : vector<16xi32>
      %swap3A_1121 = arith.index_cast %scan3A_1087 : i32 to index
      %swap3A_1122 = arith.constant 16 : index
      %swap3A_1123 = tpu.vector_load %arg8[%swap3A_1121, %swap3A_1122] {strides = array<i32>} : memref<79x128xi32, #tpu.memory_space<vmem>>, vector<1x16xi32>,
      %swap3A_1124 = vector.shape_cast %swap3A_1123 : vector<1x16xi32> to vector<16xi32>
      %swap3A_1125 = vector.shape_cast %add3A_1120 : vector<16xi32> to vector<1x16xi32>
      tpu.vector_store %arg8[%swap3A_1121, %swap3A_1122], %swap3A_1125 {strides = array<i32>} : memref<79x128xi32, #tpu.memory_space<vmem>>, vector<1x16xi32>,
      %mul3A_1126 = arith.constant 128 : i32
      %mul3A_1127 = arith.muli %scan3A_1087, %mul3A_1126 : i32
      %add3A_1128 = arith.constant 32 : i32
      %add3A_1129 = arith.addi %mul3A_1127, %add3A_1128 : i32
      %get3A_1130 = arith.index_cast %add3A_1129 : i32 to index
      %get3A_1131 = tpu.vector_load %arg6[%get3A_1130] {strides = array<i32>} : memref<10000xi32, #tpu.memory_space<vmem>>, vector<16xi32>,
      %get3A_1132 = vector.shape_cast %get3A_1131 : vector<16xi32> to vector<16xi32>
      %get3A_1133 = arith.index_cast %add3A_1129 : i32 to index
      %get3A_1134 = tpu.vector_load %arg7[%get3A_1133] {strides = array<i32>} : memref<10000xi32, #tpu.memory_space<vmem>>, vector<16xi32>,
      %get3A_1135 = vector.shape_cast %get3A_1134 : vector<16xi32> to vector<16xi32>
      %mul3A_1136 = arith.constant 10240 : i32
      %mul3A_1137 = vector.broadcast %mul3A_1136 : i32 to vector<16xi32>
      %mul3A_1138 = arith.muli %get3A_1135, %mul3A_1137 : vector<16xi32>
      %add3A_1139 = arith.addi %mul3A_1138, %get3A_1132 : vector<16xi32>
      %swap3A_1140 = arith.index_cast %scan3A_1087 : i32 to index
      %swap3A_1141 = arith.constant 32 : index
      %swap3A_1142 = tpu.vector_load %arg8[%swap3A_1140, %swap3A_1141] {strides = array<i32>} : memref<79x128xi32, #tpu.memory_space<vmem>>, vector<1x16xi32>,
      %swap3A_1143 = vector.shape_cast %swap3A_1142 : vector<1x16xi32> to vector<16xi32>
      %swap3A_1144 = vector.shape_cast %add3A_1139 : vector<16xi32> to vector<1x16xi32>
      tpu.vector_store %arg8[%swap3A_1140, %swap3A_1141], %swap3A_1144 {strides = array<i32>} : memref<79x128xi32, #tpu.memory_space<vmem>>, vector<1x16xi32>,
      %mul3A_1145 = arith.constant 128 : i32
      %mul3A_1146 = arith.muli %scan3A_1087, %mul3A_1145 : i32
      %add3A_1147 = arith.constant 48 : i32
      %add3A_1148 = arith.addi %mul3A_1146, %add3A_1147 : i32
      %get3A_1149 = arith.index_cast %add3A_1148 : i32 to index
      %get3A_1150 = tpu.vector_load %arg6[%get3A_1149] {strides = array<i32>} : memref<10000xi32, #tpu.memory_space<vmem>>, vector<16xi32>,
      %get3A_1151 = vector.shape_cast %get3A_1150 : vector<16xi32> to vector<16xi32>
      %get3A_1152 = arith.index_cast %add3A_1148 : i32 to index
      %get3A_1153 = tpu.vector_load %arg7[%get3A_1152] {strides = array<i32>} : memref<10000xi32, #tpu.memory_space<vmem>>, vector<16xi32>,
      %get3A_1154 = vector.shape_cast %get3A_1153 : vector<16xi32> to vector<16xi32>
      %mul3A_1155 = arith.constant 10240 : i32
      %mul3A_1156 = vector.broadcast %mul3A_1155 : i32 to vector<16xi32>
      %mul3A_1157 = arith.muli %get3A_1154, %mul3A_1156 : vector<16xi32>
      %add3A_1158 = arith.addi %mul3A_1157, %get3A_1151 : vector<16xi32>
      %swap3A_1159 = arith.index_cast %scan3A_1087 : i32 to index
      %swap3A_1160 = arith.constant 48 : index
      %swap3A_1161 = tpu.vector_load %arg8[%swap3A_1159, %swap3A_1160] {strides = array<i32>} : memref<79x128xi32, #tpu.memory_space<vmem>>, vector<1x16xi32>,
      %swap3A_1162 = vector.shape_cast %swap3A_1161 : vector<1x16xi32> to vector<16xi32>
      %swap3A_1163 = vector.shape_cast %add3A_1158 : vector<16xi32> to vector<1x16xi32>
      tpu.vector_store %arg8[%swap3A_1159, %swap3A_1160], %swap3A_1163 {strides = array<i32>} : memref<79x128xi32, #tpu.memory_space<vmem>>, vector<1x16xi32>,
      %mul3A_1164 = arith.constant 128 : i32
      %mul3A_1165 = arith.muli %scan3A_1087, %mul3A_1164 : i32
      %add3A_1166 = arith.constant 64 : i32
      %add3A_1167 = arith.addi %mul3A_1165, %add3A_1166 : i32
      %get3A_1168 = arith.index_cast %add3A_1167 : i32 to index
      %get3A_1169 = tpu.vector_load %arg6[%get3A_1168] {strides = array<i32>} : memref<10000xi32, #tpu.memory_space<vmem>>, vector<16xi32>,
      %get3A_1170 = vector.shape_cast %get3A_1169 : vector<16xi32> to vector<16xi32>
      %get3A_1171 = arith.index_cast %add3A_1167 : i32 to index
      %get3A_1172 = tpu.vector_load %arg7[%get3A_1171] {strides = array<i32>} : memref<10000xi32, #tpu.memory_space<vmem>>, vector<16xi32>,
      %get3A_1173 = vector.shape_cast %get3A_1172 : vector<16xi32> to vector<16xi32>
      %mul3A_1174 = arith.constant 10240 : i32
      %mul3A_1175 = vector.broadcast %mul3A_1174 : i32 to vector<16xi32>
      %mul3A_1176 = arith.muli %get3A_1173, %mul3A_1175 : vector<16xi32>
      %add3A_1177 = arith.addi %mul3A_1176, %get3A_1170 : vector<16xi32>
      %swap3A_1178 = arith.index_cast %scan3A_1087 : i32 to index
      %swap3A_1179 = arith.constant 64 : index
      %swap3A_1180 = tpu.vector_load %arg8[%swap3A_1178, %swap3A_1179] {strides = array<i32>} : memref<79x128xi32, #tpu.memory_space<vmem>>, vector<1x16xi32>,
      %swap3A_1181 = vector.shape_cast %swap3A_1180 : vector<1x16xi32> to vector<16xi32>
      %swap3A_1182 = vector.shape_cast %add3A_1177 : vector<16xi32> to vector<1x16xi32>
      tpu.vector_store %arg8[%swap3A_1178, %swap3A_1179], %swap3A_1182 {strides = array<i32>} : memref<79x128xi32, #tpu.memory_space<vmem>>, vector<1x16xi32>,
      %mul3A_1183 = arith.constant 128 : i32
      %mul3A_1184 = arith.muli %scan3A_1087, %mul3A_1183 : i32
      %add3A_1185 = arith.constant 80 : i32
      %add3A_1186 = arith.addi %mul3A_1184, %add3A_1185 : i32
      %get3A_1187 = arith.index_cast %add3A_1186 : i32 to index
      %get3A_1188 = tpu.vector_load %arg6[%get3A_1187] {strides = array<i32>} : memref<10000xi32, #tpu.memory_space<vmem>>, vector<16xi32>,
      %get3A_1189 = vector.shape_cast %get3A_1188 : vector<16xi32> to vector<16xi32>
      %get3A_1190 = arith.index_cast %add3A_1186 : i32 to index
      %get3A_1191 = tpu.vector_load %arg7[%get3A_1190] {strides = array<i32>} : memref<10000xi32, #tpu.memory_space<vmem>>, vector<16xi32>,
      %get3A_1192 = vector.shape_cast %get3A_1191 : vector<16xi32> to vector<16xi32>
      %mul3A_1193 = arith.constant 10240 : i32
      %mul3A_1194 = vector.broadcast %mul3A_1193 : i32 to vector<16xi32>
      %mul3A_1195 = arith.muli %get3A_1192, %mul3A_1194 : vector<16xi32>
      %add3A_1196 = arith.addi %mul3A_1195, %get3A_1189 : vector<16xi32>
      %swap3A_1197 = arith.index_cast %scan3A_1087 : i32 to index
      %swap3A_1198 = arith.constant 80 : index
      %swap3A_1199 = tpu.vector_load %arg8[%swap3A_1197, %swap3A_1198] {strides = array<i32>} : memref<79x128xi32, #tpu.memory_space<vmem>>, vector<1x16xi32>,
      %swap3A_1200 = vector.shape_cast %swap3A_1199 : vector<1x16xi32> to vector<16xi32>
      %swap3A_1201 = vector.shape_cast %add3A_1196 : vector<16xi32> to vector<1x16xi32>
      tpu.vector_store %arg8[%swap3A_1197, %swap3A_1198], %swap3A_1201 {strides = array<i32>} : memref<79x128xi32, #tpu.memory_space<vmem>>, vector<1x16xi32>,
      %mul3A_1202 = arith.constant 128 : i32
      %mul3A_1203 = arith.muli %scan3A_1087, %mul3A_1202 : i32
      %add3A_1204 = arith.constant 96 : i32
      %add3A_1205 = arith.addi %mul3A_1203, %add3A_1204 : i32
      %get3A_1206 = arith.index_cast %add3A_1205 : i32 to index
      %get3A_1207 = tpu.vector_load %arg6[%get3A_1206] {strides = array<i32>} : memref<10000xi32, #tpu.memory_space<vmem>>, vector<16xi32>,
      %get3A_1208 = vector.shape_cast %get3A_1207 : vector<16xi32> to vector<16xi32>
      %get3A_1209 = arith.index_cast %add3A_1205 : i32 to index
      %get3A_1210 = tpu.vector_load %arg7[%get3A_1209] {strides = array<i32>} : memref<10000xi32, #tpu.memory_space<vmem>>, vector<16xi32>,
      %get3A_1211 = vector.shape_cast %get3A_1210 : vector<16xi32> to vector<16xi32>
      %mul3A_1212 = arith.constant 10240 : i32
      %mul3A_1213 = vector.broadcast %mul3A_1212 : i32 to vector<16xi32>
      %mul3A_1214 = arith.muli %get3A_1211, %mul3A_1213 : vector<16xi32>
      %add3A_1215 = arith.addi %mul3A_1214, %get3A_1208 : vector<16xi32>
      %swap3A_1216 = arith.index_cast %scan3A_1087 : i32 to index
      %swap3A_1217 = arith.constant 96 : index
      %swap3A_1218 = tpu.vector_load %arg8[%swap3A_1216, %swap3A_1217] {strides = array<i32>} : memref<79x128xi32, #tpu.memory_space<vmem>>, vector<1x16xi32>,
      %swap3A_1219 = vector.shape_cast %swap3A_1218 : vector<1x16xi32> to vector<16xi32>
      %swap3A_1220 = vector.shape_cast %add3A_1215 : vector<16xi32> to vector<1x16xi32>
      tpu.vector_store %arg8[%swap3A_1216, %swap3A_1217], %swap3A_1220 {strides = array<i32>} : memref<79x128xi32, #tpu.memory_space<vmem>>, vector<1x16xi32>,
      %mul3A_1221 = arith.constant 128 : i32
      %mul3A_1222 = arith.muli %scan3A_1087, %mul3A_1221 : i32
      %add3A_1223 = arith.constant 112 : i32
      %add3A_1224 = arith.addi %mul3A_1222, %add3A_1223 : i32
      %get3A_1225 = arith.index_cast %add3A_1224 : i32 to index
      %get3A_1226 = tpu.vector_load %arg6[%get3A_1225] {strides = array<i32>} : memref<10000xi32, #tpu.memory_space<vmem>>, vector<16xi32>,
      %get3A_1227 = vector.shape_cast %get3A_1226 : vector<16xi32> to vector<16xi32>
      %get3A_1228 = arith.index_cast %add3A_1224 : i32 to index
      %get3A_1229 = tpu.vector_load %arg7[%get3A_1228] {strides = array<i32>} : memref<10000xi32, #tpu.memory_space<vmem>>, vector<16xi32>,
      %get3A_1230 = vector.shape_cast %get3A_1229 : vector<16xi32> to vector<16xi32>
      %mul3A_1231 = arith.constant 10240 : i32
      %mul3A_1232 = vector.broadcast %mul3A_1231 : i32 to vector<16xi32>
      %mul3A_1233 = arith.muli %get3A_1230, %mul3A_1232 : vector<16xi32>
      %add3A_1234 = arith.addi %mul3A_1233, %get3A_1227 : vector<16xi32>
      %swap3A_1235 = arith.index_cast %scan3A_1087 : i32 to index
      %swap3A_1236 = arith.constant 112 : index
      %swap3A_1237 = tpu.vector_load %arg8[%swap3A_1235, %swap3A_1236] {strides = array<i32>} : memref<79x128xi32, #tpu.memory_space<vmem>>, vector<1x16xi32>,
      %swap3A_1238 = vector.shape_cast %swap3A_1237 : vector<1x16xi32> to vector<16xi32>
      %swap3A_1239 = vector.shape_cast %add3A_1234 : vector<16xi32> to vector<1x16xi32>
      tpu.vector_store %arg8[%swap3A_1235, %swap3A_1236], %swap3A_1239 {strides = array<i32>} : memref<79x128xi32, #tpu.memory_space<vmem>>, vector<1x16xi32>,
    }
    %scan3A_61 = arith.constant 78 : i32
    %get3A = arith.constant 9984 : index
    %get3A_62 = tpu.vector_load %arg7[%get3A] {strides = array<i32>} : memref<10000xi32, #tpu.memory_space<vmem>>, vector<16xi32>,
    %get3A_63 = vector.shape_cast %get3A_62 : vector<16xi32> to vector<16xi32>
    %mul3A_64 = arith.constant 10240 : i32
    %mul3A_65 = vector.broadcast %mul3A_64 : i32 to vector<16xi32>
    %mul3A_66 = arith.muli %get3A_63, %mul3A_65 : vector<16xi32>
    %get3A_67 = arith.constant 9984 : index
    %get3A_68 = tpu.vector_load %arg6[%get3A_67] {strides = array<i32>} : memref<10000xi32, #tpu.memory_space<vmem>>, vector<16xi32>,
    %get3A_69 = vector.shape_cast %get3A_68 : vector<16xi32> to vector<16xi32>
    %add3A_70 = arith.addi %mul3A_66, %get3A_69 : vector<16xi32>
    %swap3A_71 = arith.constant 78 : i32
    %swap3A_72 = arith.index_cast %swap3A_71 : i32 to index
    %swap3A_73 = arith.constant 0 : index
    %swap3A_74 = tpu.vector_load %arg8[%swap3A_72, %swap3A_73] {strides = array<i32>} : memref<79x128xi32, #tpu.memory_space<vmem>>, vector<1x16xi32>,
    %swap3A_75 = vector.shape_cast %swap3A_74 : vector<1x16xi32> to vector<16xi32>
    %swap3A_76 = vector.shape_cast %add3A_70 : vector<16xi32> to vector<1x16xi32>
    tpu.vector_store %arg8[%swap3A_72, %swap3A_73], %swap3A_76 {strides = array<i32>} : memref<79x128xi32, #tpu.memory_space<vmem>>, vector<1x16xi32>,
    %broadcast_in_dim3A_77 = arith.constant 10000 : i32
    %broadcast_in_dim3A_78 = vector.broadcast %broadcast_in_dim3A_77 : i32 to vector<16xi32>
    %swap3A_79 = arith.constant 78 : i32
    %swap3A_80 = arith.index_cast %swap3A_79 : i32 to index
    %swap3A_81 = arith.constant 16 : index
    %swap3A_82 = tpu.vector_load %arg8[%swap3A_80, %swap3A_81] {strides = array<i32>} : memref<79x128xi32, #tpu.memory_space<vmem>>, vector<1x16xi32>,
    %swap3A_83 = vector.shape_cast %swap3A_82 : vector<1x16xi32> to vector<16xi32>
    %swap3A_84 = vector.shape_cast %broadcast_in_dim3A_78 : vector<16xi32> to vector<1x16xi32>
    tpu.vector_store %arg8[%swap3A_80, %swap3A_81], %swap3A_84 {strides = array<i32>} : memref<79x128xi32, #tpu.memory_space<vmem>>, vector<1x16xi32>,
    %broadcast_in_dim3A_85 = arith.constant 10000 : i32
    %broadcast_in_dim3A_86 = vector.broadcast %broadcast_in_dim3A_85 : i32 to vector<16xi32>
    %swap3A_87 = arith.constant 78 : i32
    %swap3A_88 = arith.index_cast %swap3A_87 : i32 to index
    %swap3A_89 = arith.constant 32 : index
    %swap3A_90 = tpu.vector_load %arg8[%swap3A_88, %swap3A_89] {strides = array<i32>} : memref<79x128xi32, #tpu.memory_space<vmem>>, vector<1x16xi32>,
    %swap3A_91 = vector.shape_cast %swap3A_90 : vector<1x16xi32> to vector<16xi32>
    %swap3A_92 = vector.shape_cast %broadcast_in_dim3A_86 : vector<16xi32> to vector<1x16xi32>
    tpu.vector_store %arg8[%swap3A_88, %swap3A_89], %swap3A_92 {strides = array<i32>} : memref<79x128xi32, #tpu.memory_space<vmem>>, vector<1x16xi32>,
    %broadcast_in_dim3A_93 = arith.constant 10000 : i32
    %broadcast_in_dim3A_94 = vector.broadcast %broadcast_in_dim3A_93 : i32 to vector<16xi32>
    %swap3A_95 = arith.constant 78 : i32
    %swap3A_96 = arith.index_cast %swap3A_95 : i32 to index
    %swap3A_97 = arith.constant 48 : index
    %swap3A_98 = tpu.vector_load %arg8[%swap3A_96, %swap3A_97] {strides = array<i32>} : memref<79x128xi32, #tpu.memory_space<vmem>>, vector<1x16xi32>,
    %swap3A_99 = vector.shape_cast %swap3A_98 : vector<1x16xi32> to vector<16xi32>
    %swap3A_100 = vector.shape_cast %broadcast_in_dim3A_94 : vector<16xi32> to vector<1x16xi32>
    tpu.vector_store %arg8[%swap3A_96, %swap3A_97], %swap3A_100 {strides = array<i32>} : memref<79x128xi32, #tpu.memory_space<vmem>>, vector<1x16xi32>,
    %broadcast_in_dim3A_101 = arith.constant 10000 : i32
    %broadcast_in_dim3A_102 = vector.broadcast %broadcast_in_dim3A_101 : i32 to vector<16xi32>
    %swap3A_103 = arith.constant 78 : i32
    %swap3A_104 = arith.index_cast %swap3A_103 : i32 to index
    %swap3A_105 = arith.constant 64 : index
    %swap3A_106 = tpu.vector_load %arg8[%swap3A_104, %swap3A_105] {strides = array<i32>} : memref<79x128xi32, #tpu.memory_space<vmem>>, vector<1x16xi32>,
    %swap3A_107 = vector.shape_cast %swap3A_106 : vector<1x16xi32> to vector<16xi32>
    %swap3A_108 = vector.shape_cast %broadcast_in_dim3A_102 : vector<16xi32> to vector<1x16xi32>
    tpu.vector_store %arg8[%swap3A_104, %swap3A_105], %swap3A_108 {strides = array<i32>} : memref<79x128xi32, #tpu.memory_space<vmem>>, vector<1x16xi32>,
    %broadcast_in_dim3A_109 = arith.constant 10000 : i32
    %broadcast_in_dim3A_110 = vector.broadcast %broadcast_in_dim3A_109 : i32 to vector<16xi32>
    %swap3A_111 = arith.constant 78 : i32
    %swap3A_112 = arith.index_cast %swap3A_111 : i32 to index
    %swap3A_113 = arith.constant 80 : index
    %swap3A_114 = tpu.vector_load %arg8[%swap3A_112, %swap3A_113] {strides = array<i32>} : memref<79x128xi32, #tpu.memory_space<vmem>>, vector<1x16xi32>,
    %swap3A_115 = vector.shape_cast %swap3A_114 : vector<1x16xi32> to vector<16xi32>
    %swap3A_116 = vector.shape_cast %broadcast_in_dim3A_110 : vector<16xi32> to vector<1x16xi32>
    tpu.vector_store %arg8[%swap3A_112, %swap3A_113], %swap3A_116 {strides = array<i32>} : memref<79x128xi32, #tpu.memory_space<vmem>>, vector<1x16xi32>,
    %broadcast_in_dim3A_117 = arith.constant 10000 : i32
    %broadcast_in_dim3A_118 = vector.broadcast %broadcast_in_dim3A_117 : i32 to vector<16xi32>
    %swap3A_119 = arith.constant 78 : i32
    %swap3A_120 = arith.index_cast %swap3A_119 : i32 to index
    %swap3A_121 = arith.constant 96 : index
    %swap3A_122 = tpu.vector_load %arg8[%swap3A_120, %swap3A_121] {strides = array<i32>} : memref<79x128xi32, #tpu.memory_space<vmem>>, vector<1x16xi32>,
    %swap3A_123 = vector.shape_cast %swap3A_122 : vector<1x16xi32> to vector<16xi32>
    %swap3A_124 = vector.shape_cast %broadcast_in_dim3A_118 : vector<16xi32> to vector<1x16xi32>
    tpu.vector_store %arg8[%swap3A_120, %swap3A_121], %swap3A_124 {strides = array<i32>} : memref<79x128xi32, #tpu.memory_space<vmem>>, vector<1x16xi32>,
    %broadcast_in_dim3A_125 = arith.constant 10000 : i32
    %broadcast_in_dim3A_126 = vector.broadcast %broadcast_in_dim3A_125 : i32 to vector<16xi32>
    %swap3A_127 = arith.constant 78 : i32
    %swap3A_128 = arith.index_cast %swap3A_127 : i32 to index
    %swap3A_129 = arith.constant 112 : index
    %swap3A_130 = tpu.vector_load %arg8[%swap3A_128, %swap3A_129] {strides = array<i32>} : memref<79x128xi32, #tpu.memory_space<vmem>>, vector<1x16xi32>,
    %swap3A_131 = vector.shape_cast %swap3A_130 : vector<1x16xi32> to vector<16xi32>
    %swap3A_132 = vector.shape_cast %broadcast_in_dim3A_126 : vector<16xi32> to vector<1x16xi32>
    tpu.vector_store %arg8[%swap3A_128, %swap3A_129], %swap3A_132 {strides = array<i32>} : memref<79x128xi32, #tpu.memory_space<vmem>>, vector<1x16xi32>,
    %barrier3A = arith.constant 0 : index
    tpu.barrier barrier_id(%barrier3A)
    %dma_start3A_133 = arith.constant 0 : i32
    %dma_start3A_134 = arith.constant 0 : i32
    %dma_start3A_135 = tpu.memref_slice %arg8[%dma_start3A_133, %dma_start3A_134] : memref<79x128xi32, #tpu.memory_space<vmem>> -> memref<1x128xi32, #tpu.memory_space<vmem>>
    %dma_start3A_136 = tpu.memref_squeeze %dma_start3A_135 : memref<1x128xi32, #tpu.memory_space<vmem>> -> memref<128xi32, #tpu.memory_space<vmem>>
    %dma_start3A_137 = arith.constant 0 : i32
    %dma_start3A_138 = tpu.memref_slice %arg11[%dma_start3A_137] : memref<204800xf32, #tpu.memory_space<vmem_shared>> -> memref<204800xf32, #tpu.memory_space<vmem_shared>>
    tpu.enqueue_indirect_dma source(%arg9 : memref<128xf32, #tpu.memory_space<vmem>>) target(%dma_start3A_138 : memref<204800xf32, #tpu.memory_space<vmem_shared>>) offsets(%dma_start3A_136 : memref<128xi32, #tpu.memory_space<vmem>>) semaphore(%arg12 : memref<!tpu.dma_semaphore, #tpu.memory_space<semaphore_mem>>) {add = true}
    %dma_start3A_139 = arith.constant 1 : i32
    %dma_start3A_140 = arith.constant 0 : i32
    %dma_start3A_141 = tpu.memref_slice %arg8[%dma_start3A_139, %dma_start3A_140] : memref<79x128xi32, #tpu.memory_space<vmem>> -> memref<1x128xi32, #tpu.memory_space<vmem>>
    %dma_start3A_142 = tpu.memref_squeeze %dma_start3A_141 : memref<1x128xi32, #tpu.memory_space<vmem>> -> memref<128xi32, #tpu.memory_space<vmem>>
    %dma_start3A_143 = arith.constant 0 : i32
    %dma_start3A_144 = tpu.memref_slice %arg11[%dma_start3A_143] : memref<204800xf32, #tpu.memory_space<vmem_shared>> -> memref<204800xf32, #tpu.memory_space<vmem_shared>>
    tpu.enqueue_indirect_dma source(%arg9 : memref<128xf32, #tpu.memory_space<vmem>>) target(%dma_start3A_144 : memref<204800xf32, #tpu.memory_space<vmem_shared>>) offsets(%dma_start3A_142 : memref<128xi32, #tpu.memory_space<vmem>>) semaphore(%arg12 : memref<!tpu.dma_semaphore, #tpu.memory_space<semaphore_mem>>) {add = true}
    %dma_start3A_145 = arith.constant 2 : i32
    %dma_start3A_146 = arith.constant 0 : i32
    %dma_start3A_147 = tpu.memref_slice %arg8[%dma_start3A_145, %dma_start3A_146] : memref<79x128xi32, #tpu.memory_space<vmem>> -> memref<1x128xi32, #tpu.memory_space<vmem>>
    %dma_start3A_148 = tpu.memref_squeeze %dma_start3A_147 : memref<1x128xi32, #tpu.memory_space<vmem>> -> memref<128xi32, #tpu.memory_space<vmem>>
    %dma_start3A_149 = arith.constant 0 : i32
    %dma_start3A_150 = tpu.memref_slice %arg11[%dma_start3A_149] : memref<204800xf32, #tpu.memory_space<vmem_shared>> -> memref<204800xf32, #tpu.memory_space<vmem_shared>>
    tpu.enqueue_indirect_dma source(%arg9 : memref<128xf32, #tpu.memory_space<vmem>>) target(%dma_start3A_150 : memref<204800xf32, #tpu.memory_space<vmem_shared>>) offsets(%dma_start3A_148 : memref<128xi32, #tpu.memory_space<vmem>>) semaphore(%arg12 : memref<!tpu.dma_semaphore, #tpu.memory_space<semaphore_mem>>) {add = true}
    %dma_start3A_151 = arith.constant 3 : i32
    %dma_start3A_152 = arith.constant 0 : i32
    %dma_start3A_153 = tpu.memref_slice %arg8[%dma_start3A_151, %dma_start3A_152] : memref<79x128xi32, #tpu.memory_space<vmem>> -> memref<1x128xi32, #tpu.memory_space<vmem>>
    %dma_start3A_154 = tpu.memref_squeeze %dma_start3A_153 : memref<1x128xi32, #tpu.memory_space<vmem>> -> memref<128xi32, #tpu.memory_space<vmem>>
    %dma_start3A_155 = arith.constant 0 : i32
    %dma_start3A_156 = tpu.memref_slice %arg11[%dma_start3A_155] : memref<204800xf32, #tpu.memory_space<vmem_shared>> -> memref<204800xf32, #tpu.memory_space<vmem_shared>>
    tpu.enqueue_indirect_dma source(%arg9 : memref<128xf32, #tpu.memory_space<vmem>>) target(%dma_start3A_156 : memref<204800xf32, #tpu.memory_space<vmem_shared>>) offsets(%dma_start3A_154 : memref<128xi32, #tpu.memory_space<vmem>>) semaphore(%arg12 : memref<!tpu.dma_semaphore, #tpu.memory_space<semaphore_mem>>) {add = true}
    %dma_start3A_157 = arith.constant 4 : i32
    %dma_start3A_158 = arith.constant 0 : i32
    %dma_start3A_159 = tpu.memref_slice %arg8[%dma_start3A_157, %dma_start3A_158] : memref<79x128xi32, #tpu.memory_space<vmem>> -> memref<1x128xi32, #tpu.memory_space<vmem>>
    %dma_start3A_160 = tpu.memref_squeeze %dma_start3A_159 : memref<1x128xi32, #tpu.memory_space<vmem>> -> memref<128xi32, #tpu.memory_space<vmem>>
    %dma_start3A_161 = arith.constant 0 : i32
    %dma_start3A_162 = tpu.memref_slice %arg11[%dma_start3A_161] : memref<204800xf32, #tpu.memory_space<vmem_shared>> -> memref<204800xf32, #tpu.memory_space<vmem_shared>>
    tpu.enqueue_indirect_dma source(%arg9 : memref<128xf32, #tpu.memory_space<vmem>>) target(%dma_start3A_162 : memref<204800xf32, #tpu.memory_space<vmem_shared>>) offsets(%dma_start3A_160 : memref<128xi32, #tpu.memory_space<vmem>>) semaphore(%arg12 : memref<!tpu.dma_semaphore, #tpu.memory_space<semaphore_mem>>) {add = true}
    %dma_start3A_163 = arith.constant 5 : i32
    %dma_start3A_164 = arith.constant 0 : i32
    %dma_start3A_165 = tpu.memref_slice %arg8[%dma_start3A_163, %dma_start3A_164] : memref<79x128xi32, #tpu.memory_space<vmem>> -> memref<1x128xi32, #tpu.memory_space<vmem>>
    %dma_start3A_166 = tpu.memref_squeeze %dma_start3A_165 : memref<1x128xi32, #tpu.memory_space<vmem>> -> memref<128xi32, #tpu.memory_space<vmem>>
    %dma_start3A_167 = arith.constant 0 : i32
    %dma_start3A_168 = tpu.memref_slice %arg11[%dma_start3A_167] : memref<204800xf32, #tpu.memory_space<vmem_shared>> -> memref<204800xf32, #tpu.memory_space<vmem_shared>>
    tpu.enqueue_indirect_dma source(%arg9 : memref<128xf32, #tpu.memory_space<vmem>>) target(%dma_start3A_168 : memref<204800xf32, #tpu.memory_space<vmem_shared>>) offsets(%dma_start3A_166 : memref<128xi32, #tpu.memory_space<vmem>>) semaphore(%arg12 : memref<!tpu.dma_semaphore, #tpu.memory_space<semaphore_mem>>) {add = true}
    %dma_start3A_169 = arith.constant 6 : i32
    %dma_start3A_170 = arith.constant 0 : i32
    %dma_start3A_171 = tpu.memref_slice %arg8[%dma_start3A_169, %dma_start3A_170] : memref<79x128xi32, #tpu.memory_space<vmem>> -> memref<1x128xi32, #tpu.memory_space<vmem>>
    %dma_start3A_172 = tpu.memref_squeeze %dma_start3A_171 : memref<1x128xi32, #tpu.memory_space<vmem>> -> memref<128xi32, #tpu.memory_space<vmem>>
    %dma_start3A_173 = arith.constant 0 : i32
    %dma_start3A_174 = tpu.memref_slice %arg11[%dma_start3A_173] : memref<204800xf32, #tpu.memory_space<vmem_shared>> -> memref<204800xf32, #tpu.memory_space<vmem_shared>>
    tpu.enqueue_indirect_dma source(%arg9 : memref<128xf32, #tpu.memory_space<vmem>>) target(%dma_start3A_174 : memref<204800xf32, #tpu.memory_space<vmem_shared>>) offsets(%dma_start3A_172 : memref<128xi32, #tpu.memory_space<vmem>>) semaphore(%arg12 : memref<!tpu.dma_semaphore, #tpu.memory_space<semaphore_mem>>) {add = true}
    %dma_start3A_175 = arith.constant 7 : i32
    %dma_start3A_176 = arith.constant 0 : i32
    %dma_start3A_177 = tpu.memref_slice %arg8[%dma_start3A_175, %dma_start3A_176] : memref<79x128xi32, #tpu.memory_space<vmem>> -> memref<1x128xi32, #tpu.memory_space<vmem>>
    %dma_start3A_178 = tpu.memref_squeeze %dma_start3A_177 : memref<1x128xi32, #tpu.memory_space<vmem>> -> memref<128xi32, #tpu.memory_space<vmem>>
    %dma_start3A_179 = arith.constant 0 : i32
    %dma_start3A_180 = tpu.memref_slice %arg11[%dma_start3A_179] : memref<204800xf32, #tpu.memory_space<vmem_shared>> -> memref<204800xf32, #tpu.memory_space<vmem_shared>>
    tpu.enqueue_indirect_dma source(%arg9 : memref<128xf32, #tpu.memory_space<vmem>>) target(%dma_start3A_180 : memref<204800xf32, #tpu.memory_space<vmem_shared>>) offsets(%dma_start3A_178 : memref<128xi32, #tpu.memory_space<vmem>>) semaphore(%arg12 : memref<!tpu.dma_semaphore, #tpu.memory_space<semaphore_mem>>) {add = true}
    %dma_start3A_181 = arith.constant 8 : i32
    %dma_start3A_182 = arith.constant 0 : i32
    %dma_start3A_183 = tpu.memref_slice %arg8[%dma_start3A_181, %dma_start3A_182] : memref<79x128xi32, #tpu.memory_space<vmem>> -> memref<1x128xi32, #tpu.memory_space<vmem>>
    %dma_start3A_184 = tpu.memref_squeeze %dma_start3A_183 : memref<1x128xi32, #tpu.memory_space<vmem>> -> memref<128xi32, #tpu.memory_space<vmem>>
    %dma_start3A_185 = arith.constant 0 : i32
    %dma_start3A_186 = tpu.memref_slice %arg11[%dma_start3A_185] : memref<204800xf32, #tpu.memory_space<vmem_shared>> -> memref<204800xf32, #tpu.memory_space<vmem_shared>>
    tpu.enqueue_indirect_dma source(%arg9 : memref<128xf32, #tpu.memory_space<vmem>>) target(%dma_start3A_186 : memref<204800xf32, #tpu.memory_space<vmem_shared>>) offsets(%dma_start3A_184 : memref<128xi32, #tpu.memory_space<vmem>>) semaphore(%arg12 : memref<!tpu.dma_semaphore, #tpu.memory_space<semaphore_mem>>) {add = true}
    %dma_start3A_187 = arith.constant 9 : i32
    %dma_start3A_188 = arith.constant 0 : i32
    %dma_start3A_189 = tpu.memref_slice %arg8[%dma_start3A_187, %dma_start3A_188] : memref<79x128xi32, #tpu.memory_space<vmem>> -> memref<1x128xi32, #tpu.memory_space<vmem>>
    %dma_start3A_190 = tpu.memref_squeeze %dma_start3A_189 : memref<1x128xi32, #tpu.memory_space<vmem>> -> memref<128xi32, #tpu.memory_space<vmem>>
    %dma_start3A_191 = arith.constant 0 : i32
    %dma_start3A_192 = tpu.memref_slice %arg11[%dma_start3A_191] : memref<204800xf32, #tpu.memory_space<vmem_shared>> -> memref<204800xf32, #tpu.memory_space<vmem_shared>>
    tpu.enqueue_indirect_dma source(%arg9 : memref<128xf32, #tpu.memory_space<vmem>>) target(%dma_start3A_192 : memref<204800xf32, #tpu.memory_space<vmem_shared>>) offsets(%dma_start3A_190 : memref<128xi32, #tpu.memory_space<vmem>>) semaphore(%arg12 : memref<!tpu.dma_semaphore, #tpu.memory_space<semaphore_mem>>) {add = true}
    %dma_start3A_193 = arith.constant 10 : i32
    %dma_start3A_194 = arith.constant 0 : i32
    %dma_start3A_195 = tpu.memref_slice %arg8[%dma_start3A_193, %dma_start3A_194] : memref<79x128xi32, #tpu.memory_space<vmem>> -> memref<1x128xi32, #tpu.memory_space<vmem>>
    %dma_start3A_196 = tpu.memref_squeeze %dma_start3A_195 : memref<1x128xi32, #tpu.memory_space<vmem>> -> memref<128xi32, #tpu.memory_space<vmem>>
    %dma_start3A_197 = arith.constant 0 : i32
    %dma_start3A_198 = tpu.memref_slice %arg11[%dma_start3A_197] : memref<204800xf32, #tpu.memory_space<vmem_shared>> -> memref<204800xf32, #tpu.memory_space<vmem_shared>>
    tpu.enqueue_indirect_dma source(%arg9 : memref<128xf32, #tpu.memory_space<vmem>>) target(%dma_start3A_198 : memref<204800xf32, #tpu.memory_space<vmem_shared>>) offsets(%dma_start3A_196 : memref<128xi32, #tpu.memory_space<vmem>>) semaphore(%arg12 : memref<!tpu.dma_semaphore, #tpu.memory_space<semaphore_mem>>) {add = true}
    %dma_start3A_199 = arith.constant 11 : i32
    %dma_start3A_200 = arith.constant 0 : i32
    %dma_start3A_201 = tpu.memref_slice %arg8[%dma_start3A_199, %dma_start3A_200] : memref<79x128xi32, #tpu.memory_space<vmem>> -> memref<1x128xi32, #tpu.memory_space<vmem>>
    %dma_start3A_202 = tpu.memref_squeeze %dma_start3A_201 : memref<1x128xi32, #tpu.memory_space<vmem>> -> memref<128xi32, #tpu.memory_space<vmem>>
    %dma_start3A_203 = arith.constant 0 : i32
    %dma_start3A_204 = tpu.memref_slice %arg11[%dma_start3A_203] : memref<204800xf32, #tpu.memory_space<vmem_shared>> -> memref<204800xf32, #tpu.memory_space<vmem_shared>>
    tpu.enqueue_indirect_dma source(%arg9 : memref<128xf32, #tpu.memory_space<vmem>>) target(%dma_start3A_204 : memref<204800xf32, #tpu.memory_space<vmem_shared>>) offsets(%dma_start3A_202 : memref<128xi32, #tpu.memory_space<vmem>>) semaphore(%arg12 : memref<!tpu.dma_semaphore, #tpu.memory_space<semaphore_mem>>) {add = true}
    %dma_start3A_205 = arith.constant 12 : i32
    %dma_start3A_206 = arith.constant 0 : i32
    %dma_start3A_207 = tpu.memref_slice %arg8[%dma_start3A_205, %dma_start3A_206] : memref<79x128xi32, #tpu.memory_space<vmem>> -> memref<1x128xi32, #tpu.memory_space<vmem>>
    %dma_start3A_208 = tpu.memref_squeeze %dma_start3A_207 : memref<1x128xi32, #tpu.memory_space<vmem>> -> memref<128xi32, #tpu.memory_space<vmem>>
    %dma_start3A_209 = arith.constant 0 : i32
    %dma_start3A_210 = tpu.memref_slice %arg11[%dma_start3A_209] : memref<204800xf32, #tpu.memory_space<vmem_shared>> -> memref<204800xf32, #tpu.memory_space<vmem_shared>>
    tpu.enqueue_indirect_dma source(%arg9 : memref<128xf32, #tpu.memory_space<vmem>>) target(%dma_start3A_210 : memref<204800xf32, #tpu.memory_space<vmem_shared>>) offsets(%dma_start3A_208 : memref<128xi32, #tpu.memory_space<vmem>>) semaphore(%arg12 : memref<!tpu.dma_semaphore, #tpu.memory_space<semaphore_mem>>) {add = true}
    %dma_start3A_211 = arith.constant 13 : i32
    %dma_start3A_212 = arith.constant 0 : i32
    %dma_start3A_213 = tpu.memref_slice %arg8[%dma_start3A_211, %dma_start3A_212] : memref<79x128xi32, #tpu.memory_space<vmem>> -> memref<1x128xi32, #tpu.memory_space<vmem>>
    %dma_start3A_214 = tpu.memref_squeeze %dma_start3A_213 : memref<1x128xi32, #tpu.memory_space<vmem>> -> memref<128xi32, #tpu.memory_space<vmem>>
    %dma_start3A_215 = arith.constant 0 : i32
    %dma_start3A_216 = tpu.memref_slice %arg11[%dma_start3A_215] : memref<204800xf32, #tpu.memory_space<vmem_shared>> -> memref<204800xf32, #tpu.memory_space<vmem_shared>>
    tpu.enqueue_indirect_dma source(%arg9 : memref<128xf32, #tpu.memory_space<vmem>>) target(%dma_start3A_216 : memref<204800xf32, #tpu.memory_space<vmem_shared>>) offsets(%dma_start3A_214 : memref<128xi32, #tpu.memory_space<vmem>>) semaphore(%arg12 : memref<!tpu.dma_semaphore, #tpu.memory_space<semaphore_mem>>) {add = true}
    %dma_start3A_217 = arith.constant 14 : i32
    %dma_start3A_218 = arith.constant 0 : i32
    %dma_start3A_219 = tpu.memref_slice %arg8[%dma_start3A_217, %dma_start3A_218] : memref<79x128xi32, #tpu.memory_space<vmem>> -> memref<1x128xi32, #tpu.memory_space<vmem>>
    %dma_start3A_220 = tpu.memref_squeeze %dma_start3A_219 : memref<1x128xi32, #tpu.memory_space<vmem>> -> memref<128xi32, #tpu.memory_space<vmem>>
    %dma_start3A_221 = arith.constant 0 : i32
    %dma_start3A_222 = tpu.memref_slice %arg11[%dma_start3A_221] : memref<204800xf32, #tpu.memory_space<vmem_shared>> -> memref<204800xf32, #tpu.memory_space<vmem_shared>>
    tpu.enqueue_indirect_dma source(%arg9 : memref<128xf32, #tpu.memory_space<vmem>>) target(%dma_start3A_222 : memref<204800xf32, #tpu.memory_space<vmem_shared>>) offsets(%dma_start3A_220 : memref<128xi32, #tpu.memory_space<vmem>>) semaphore(%arg12 : memref<!tpu.dma_semaphore, #tpu.memory_space<semaphore_mem>>) {add = true}
    %dma_start3A_223 = arith.constant 15 : i32
    %dma_start3A_224 = arith.constant 0 : i32
    %dma_start3A_225 = tpu.memref_slice %arg8[%dma_start3A_223, %dma_start3A_224] : memref<79x128xi32, #tpu.memory_space<vmem>> -> memref<1x128xi32, #tpu.memory_space<vmem>>
    %dma_start3A_226 = tpu.memref_squeeze %dma_start3A_225 : memref<1x128xi32, #tpu.memory_space<vmem>> -> memref<128xi32, #tpu.memory_space<vmem>>
    %dma_start3A_227 = arith.constant 0 : i32
    %dma_start3A_228 = tpu.memref_slice %arg11[%dma_start3A_227] : memref<204800xf32, #tpu.memory_space<vmem_shared>> -> memref<204800xf32, #tpu.memory_space<vmem_shared>>
    tpu.enqueue_indirect_dma source(%arg9 : memref<128xf32, #tpu.memory_space<vmem>>) target(%dma_start3A_228 : memref<204800xf32, #tpu.memory_space<vmem_shared>>) offsets(%dma_start3A_226 : memref<128xi32, #tpu.memory_space<vmem>>) semaphore(%arg12 : memref<!tpu.dma_semaphore, #tpu.memory_space<semaphore_mem>>) {add = true}
    %dma_start3A_229 = arith.constant 16 : i32
    %dma_start3A_230 = arith.constant 0 : i32
    %dma_start3A_231 = tpu.memref_slice %arg8[%dma_start3A_229, %dma_start3A_230] : memref<79x128xi32, #tpu.memory_space<vmem>> -> memref<1x128xi32, #tpu.memory_space<vmem>>
    %dma_start3A_232 = tpu.memref_squeeze %dma_start3A_231 : memref<1x128xi32, #tpu.memory_space<vmem>> -> memref<128xi32, #tpu.memory_space<vmem>>
    %dma_start3A_233 = arith.constant 0 : i32
    %dma_start3A_234 = tpu.memref_slice %arg11[%dma_start3A_233] : memref<204800xf32, #tpu.memory_space<vmem_shared>> -> memref<204800xf32, #tpu.memory_space<vmem_shared>>
    tpu.enqueue_indirect_dma source(%arg9 : memref<128xf32, #tpu.memory_space<vmem>>) target(%dma_start3A_234 : memref<204800xf32, #tpu.memory_space<vmem_shared>>) offsets(%dma_start3A_232 : memref<128xi32, #tpu.memory_space<vmem>>) semaphore(%arg12 : memref<!tpu.dma_semaphore, #tpu.memory_space<semaphore_mem>>) {add = true}
    %dma_start3A_235 = arith.constant 17 : i32
    %dma_start3A_236 = arith.constant 0 : i32
    %dma_start3A_237 = tpu.memref_slice %arg8[%dma_start3A_235, %dma_start3A_236] : memref<79x128xi32, #tpu.memory_space<vmem>> -> memref<1x128xi32, #tpu.memory_space<vmem>>
    %dma_start3A_238 = tpu.memref_squeeze %dma_start3A_237 : memref<1x128xi32, #tpu.memory_space<vmem>> -> memref<128xi32, #tpu.memory_space<vmem>>
    %dma_start3A_239 = arith.constant 0 : i32
    %dma_start3A_240 = tpu.memref_slice %arg11[%dma_start3A_239] : memref<204800xf32, #tpu.memory_space<vmem_shared>> -> memref<204800xf32, #tpu.memory_space<vmem_shared>>
    tpu.enqueue_indirect_dma source(%arg9 : memref<128xf32, #tpu.memory_space<vmem>>) target(%dma_start3A_240 : memref<204800xf32, #tpu.memory_space<vmem_shared>>) offsets(%dma_start3A_238 : memref<128xi32, #tpu.memory_space<vmem>>) semaphore(%arg12 : memref<!tpu.dma_semaphore, #tpu.memory_space<semaphore_mem>>) {add = true}
    %dma_start3A_241 = arith.constant 18 : i32
    %dma_start3A_242 = arith.constant 0 : i32
    %dma_start3A_243 = tpu.memref_slice %arg8[%dma_start3A_241, %dma_start3A_242] : memref<79x128xi32, #tpu.memory_space<vmem>> -> memref<1x128xi32, #tpu.memory_space<vmem>>
    %dma_start3A_244 = tpu.memref_squeeze %dma_start3A_243 : memref<1x128xi32, #tpu.memory_space<vmem>> -> memref<128xi32, #tpu.memory_space<vmem>>
    %dma_start3A_245 = arith.constant 0 : i32
    %dma_start3A_246 = tpu.memref_slice %arg11[%dma_start3A_245] : memref<204800xf32, #tpu.memory_space<vmem_shared>> -> memref<204800xf32, #tpu.memory_space<vmem_shared>>
    tpu.enqueue_indirect_dma source(%arg9 : memref<128xf32, #tpu.memory_space<vmem>>) target(%dma_start3A_246 : memref<204800xf32, #tpu.memory_space<vmem_shared>>) offsets(%dma_start3A_244 : memref<128xi32, #tpu.memory_space<vmem>>) semaphore(%arg12 : memref<!tpu.dma_semaphore, #tpu.memory_space<semaphore_mem>>) {add = true}
    %dma_start3A_247 = arith.constant 19 : i32
    %dma_start3A_248 = arith.constant 0 : i32
    %dma_start3A_249 = tpu.memref_slice %arg8[%dma_start3A_247, %dma_start3A_248] : memref<79x128xi32, #tpu.memory_space<vmem>> -> memref<1x128xi32, #tpu.memory_space<vmem>>
    %dma_start3A_250 = tpu.memref_squeeze %dma_start3A_249 : memref<1x128xi32, #tpu.memory_space<vmem>> -> memref<128xi32, #tpu.memory_space<vmem>>
    %dma_start3A_251 = arith.constant 0 : i32
    %dma_start3A_252 = tpu.memref_slice %arg11[%dma_start3A_251] : memref<204800xf32, #tpu.memory_space<vmem_shared>> -> memref<204800xf32, #tpu.memory_space<vmem_shared>>
    tpu.enqueue_indirect_dma source(%arg9 : memref<128xf32, #tpu.memory_space<vmem>>) target(%dma_start3A_252 : memref<204800xf32, #tpu.memory_space<vmem_shared>>) offsets(%dma_start3A_250 : memref<128xi32, #tpu.memory_space<vmem>>) semaphore(%arg12 : memref<!tpu.dma_semaphore, #tpu.memory_space<semaphore_mem>>) {add = true}
    %dma_start3A_253 = arith.constant 20 : i32
    %dma_start3A_254 = arith.constant 0 : i32
    %dma_start3A_255 = tpu.memref_slice %arg8[%dma_start3A_253, %dma_start3A_254] : memref<79x128xi32, #tpu.memory_space<vmem>> -> memref<1x128xi32, #tpu.memory_space<vmem>>
    %dma_start3A_256 = tpu.memref_squeeze %dma_start3A_255 : memref<1x128xi32, #tpu.memory_space<vmem>> -> memref<128xi32, #tpu.memory_space<vmem>>
    %dma_start3A_257 = arith.constant 0 : i32
    %dma_start3A_258 = tpu.memref_slice %arg11[%dma_start3A_257] : memref<204800xf32, #tpu.memory_space<vmem_shared>> -> memref<204800xf32, #tpu.memory_space<vmem_shared>>
    tpu.enqueue_indirect_dma source(%arg9 : memref<128xf32, #tpu.memory_space<vmem>>) target(%dma_start3A_258 : memref<204800xf32, #tpu.memory_space<vmem_shared>>) offsets(%dma_start3A_256 : memref<128xi32, #tpu.memory_space<vmem>>) semaphore(%arg12 : memref<!tpu.dma_semaphore, #tpu.memory_space<semaphore_mem>>) {add = true}
    %dma_start3A_259 = arith.constant 21 : i32
    %dma_start3A_260 = arith.constant 0 : i32
    %dma_start3A_261 = tpu.memref_slice %arg8[%dma_start3A_259, %dma_start3A_260] : memref<79x128xi32, #tpu.memory_space<vmem>> -> memref<1x128xi32, #tpu.memory_space<vmem>>
    %dma_start3A_262 = tpu.memref_squeeze %dma_start3A_261 : memref<1x128xi32, #tpu.memory_space<vmem>> -> memref<128xi32, #tpu.memory_space<vmem>>
    %dma_start3A_263 = arith.constant 0 : i32
    %dma_start3A_264 = tpu.memref_slice %arg11[%dma_start3A_263] : memref<204800xf32, #tpu.memory_space<vmem_shared>> -> memref<204800xf32, #tpu.memory_space<vmem_shared>>
    tpu.enqueue_indirect_dma source(%arg9 : memref<128xf32, #tpu.memory_space<vmem>>) target(%dma_start3A_264 : memref<204800xf32, #tpu.memory_space<vmem_shared>>) offsets(%dma_start3A_262 : memref<128xi32, #tpu.memory_space<vmem>>) semaphore(%arg12 : memref<!tpu.dma_semaphore, #tpu.memory_space<semaphore_mem>>) {add = true}
    %dma_start3A_265 = arith.constant 22 : i32
    %dma_start3A_266 = arith.constant 0 : i32
    %dma_start3A_267 = tpu.memref_slice %arg8[%dma_start3A_265, %dma_start3A_266] : memref<79x128xi32, #tpu.memory_space<vmem>> -> memref<1x128xi32, #tpu.memory_space<vmem>>
    %dma_start3A_268 = tpu.memref_squeeze %dma_start3A_267 : memref<1x128xi32, #tpu.memory_space<vmem>> -> memref<128xi32, #tpu.memory_space<vmem>>
    %dma_start3A_269 = arith.constant 0 : i32
    %dma_start3A_270 = tpu.memref_slice %arg11[%dma_start3A_269] : memref<204800xf32, #tpu.memory_space<vmem_shared>> -> memref<204800xf32, #tpu.memory_space<vmem_shared>>
    tpu.enqueue_indirect_dma source(%arg9 : memref<128xf32, #tpu.memory_space<vmem>>) target(%dma_start3A_270 : memref<204800xf32, #tpu.memory_space<vmem_shared>>) offsets(%dma_start3A_268 : memref<128xi32, #tpu.memory_space<vmem>>) semaphore(%arg12 : memref<!tpu.dma_semaphore, #tpu.memory_space<semaphore_mem>>) {add = true}
    %dma_start3A_271 = arith.constant 23 : i32
    %dma_start3A_272 = arith.constant 0 : i32
    %dma_start3A_273 = tpu.memref_slice %arg8[%dma_start3A_271, %dma_start3A_272] : memref<79x128xi32, #tpu.memory_space<vmem>> -> memref<1x128xi32, #tpu.memory_space<vmem>>
    %dma_start3A_274 = tpu.memref_squeeze %dma_start3A_273 : memref<1x128xi32, #tpu.memory_space<vmem>> -> memref<128xi32, #tpu.memory_space<vmem>>
    %dma_start3A_275 = arith.constant 0 : i32
    %dma_start3A_276 = tpu.memref_slice %arg11[%dma_start3A_275] : memref<204800xf32, #tpu.memory_space<vmem_shared>> -> memref<204800xf32, #tpu.memory_space<vmem_shared>>
    tpu.enqueue_indirect_dma source(%arg9 : memref<128xf32, #tpu.memory_space<vmem>>) target(%dma_start3A_276 : memref<204800xf32, #tpu.memory_space<vmem_shared>>) offsets(%dma_start3A_274 : memref<128xi32, #tpu.memory_space<vmem>>) semaphore(%arg12 : memref<!tpu.dma_semaphore, #tpu.memory_space<semaphore_mem>>) {add = true}
    %dma_start3A_277 = arith.constant 24 : i32
    %dma_start3A_278 = arith.constant 0 : i32
    %dma_start3A_279 = tpu.memref_slice %arg8[%dma_start3A_277, %dma_start3A_278] : memref<79x128xi32, #tpu.memory_space<vmem>> -> memref<1x128xi32, #tpu.memory_space<vmem>>
    %dma_start3A_280 = tpu.memref_squeeze %dma_start3A_279 : memref<1x128xi32, #tpu.memory_space<vmem>> -> memref<128xi32, #tpu.memory_space<vmem>>
    %dma_start3A_281 = arith.constant 0 : i32
    %dma_start3A_282 = tpu.memref_slice %arg11[%dma_start3A_281] : memref<204800xf32, #tpu.memory_space<vmem_shared>> -> memref<204800xf32, #tpu.memory_space<vmem_shared>>
    tpu.enqueue_indirect_dma source(%arg9 : memref<128xf32, #tpu.memory_space<vmem>>) target(%dma_start3A_282 : memref<204800xf32, #tpu.memory_space<vmem_shared>>) offsets(%dma_start3A_280 : memref<128xi32, #tpu.memory_space<vmem>>) semaphore(%arg12 : memref<!tpu.dma_semaphore, #tpu.memory_space<semaphore_mem>>) {add = true}
    %dma_start3A_283 = arith.constant 25 : i32
    %dma_start3A_284 = arith.constant 0 : i32
    %dma_start3A_285 = tpu.memref_slice %arg8[%dma_start3A_283, %dma_start3A_284] : memref<79x128xi32, #tpu.memory_space<vmem>> -> memref<1x128xi32, #tpu.memory_space<vmem>>
    %dma_start3A_286 = tpu.memref_squeeze %dma_start3A_285 : memref<1x128xi32, #tpu.memory_space<vmem>> -> memref<128xi32, #tpu.memory_space<vmem>>
    %dma_start3A_287 = arith.constant 0 : i32
    %dma_start3A_288 = tpu.memref_slice %arg11[%dma_start3A_287] : memref<204800xf32, #tpu.memory_space<vmem_shared>> -> memref<204800xf32, #tpu.memory_space<vmem_shared>>
    tpu.enqueue_indirect_dma source(%arg9 : memref<128xf32, #tpu.memory_space<vmem>>) target(%dma_start3A_288 : memref<204800xf32, #tpu.memory_space<vmem_shared>>) offsets(%dma_start3A_286 : memref<128xi32, #tpu.memory_space<vmem>>) semaphore(%arg12 : memref<!tpu.dma_semaphore, #tpu.memory_space<semaphore_mem>>) {add = true}
    %dma_start3A_289 = arith.constant 26 : i32
    %dma_start3A_290 = arith.constant 0 : i32
    %dma_start3A_291 = tpu.memref_slice %arg8[%dma_start3A_289, %dma_start3A_290] : memref<79x128xi32, #tpu.memory_space<vmem>> -> memref<1x128xi32, #tpu.memory_space<vmem>>
    %dma_start3A_292 = tpu.memref_squeeze %dma_start3A_291 : memref<1x128xi32, #tpu.memory_space<vmem>> -> memref<128xi32, #tpu.memory_space<vmem>>
    %dma_start3A_293 = arith.constant 0 : i32
    %dma_start3A_294 = tpu.memref_slice %arg11[%dma_start3A_293] : memref<204800xf32, #tpu.memory_space<vmem_shared>> -> memref<204800xf32, #tpu.memory_space<vmem_shared>>
    tpu.enqueue_indirect_dma source(%arg9 : memref<128xf32, #tpu.memory_space<vmem>>) target(%dma_start3A_294 : memref<204800xf32, #tpu.memory_space<vmem_shared>>) offsets(%dma_start3A_292 : memref<128xi32, #tpu.memory_space<vmem>>) semaphore(%arg12 : memref<!tpu.dma_semaphore, #tpu.memory_space<semaphore_mem>>) {add = true}
    %dma_start3A_295 = arith.constant 27 : i32
    %dma_start3A_296 = arith.constant 0 : i32
    %dma_start3A_297 = tpu.memref_slice %arg8[%dma_start3A_295, %dma_start3A_296] : memref<79x128xi32, #tpu.memory_space<vmem>> -> memref<1x128xi32, #tpu.memory_space<vmem>>
    %dma_start3A_298 = tpu.memref_squeeze %dma_start3A_297 : memref<1x128xi32, #tpu.memory_space<vmem>> -> memref<128xi32, #tpu.memory_space<vmem>>
    %dma_start3A_299 = arith.constant 0 : i32
    %dma_start3A_300 = tpu.memref_slice %arg11[%dma_start3A_299] : memref<204800xf32, #tpu.memory_space<vmem_shared>> -> memref<204800xf32, #tpu.memory_space<vmem_shared>>
    tpu.enqueue_indirect_dma source(%arg9 : memref<128xf32, #tpu.memory_space<vmem>>) target(%dma_start3A_300 : memref<204800xf32, #tpu.memory_space<vmem_shared>>) offsets(%dma_start3A_298 : memref<128xi32, #tpu.memory_space<vmem>>) semaphore(%arg12 : memref<!tpu.dma_semaphore, #tpu.memory_space<semaphore_mem>>) {add = true}
    %dma_start3A_301 = arith.constant 28 : i32
    %dma_start3A_302 = arith.constant 0 : i32
    %dma_start3A_303 = tpu.memref_slice %arg8[%dma_start3A_301, %dma_start3A_302] : memref<79x128xi32, #tpu.memory_space<vmem>> -> memref<1x128xi32, #tpu.memory_space<vmem>>
    %dma_start3A_304 = tpu.memref_squeeze %dma_start3A_303 : memref<1x128xi32, #tpu.memory_space<vmem>> -> memref<128xi32, #tpu.memory_space<vmem>>
    %dma_start3A_305 = arith.constant 0 : i32
    %dma_start3A_306 = tpu.memref_slice %arg11[%dma_start3A_305] : memref<204800xf32, #tpu.memory_space<vmem_shared>> -> memref<204800xf32, #tpu.memory_space<vmem_shared>>
    tpu.enqueue_indirect_dma source(%arg9 : memref<128xf32, #tpu.memory_space<vmem>>) target(%dma_start3A_306 : memref<204800xf32, #tpu.memory_space<vmem_shared>>) offsets(%dma_start3A_304 : memref<128xi32, #tpu.memory_space<vmem>>) semaphore(%arg12 : memref<!tpu.dma_semaphore, #tpu.memory_space<semaphore_mem>>) {add = true}
    %dma_start3A_307 = arith.constant 29 : i32
    %dma_start3A_308 = arith.constant 0 : i32
    %dma_start3A_309 = tpu.memref_slice %arg8[%dma_start3A_307, %dma_start3A_308] : memref<79x128xi32, #tpu.memory_space<vmem>> -> memref<1x128xi32, #tpu.memory_space<vmem>>
    %dma_start3A_310 = tpu.memref_squeeze %dma_start3A_309 : memref<1x128xi32, #tpu.memory_space<vmem>> -> memref<128xi32, #tpu.memory_space<vmem>>
    %dma_start3A_311 = arith.constant 0 : i32
    %dma_start3A_312 = tpu.memref_slice %arg11[%dma_start3A_311] : memref<204800xf32, #tpu.memory_space<vmem_shared>> -> memref<204800xf32, #tpu.memory_space<vmem_shared>>
    tpu.enqueue_indirect_dma source(%arg9 : memref<128xf32, #tpu.memory_space<vmem>>) target(%dma_start3A_312 : memref<204800xf32, #tpu.memory_space<vmem_shared>>) offsets(%dma_start3A_310 : memref<128xi32, #tpu.memory_space<vmem>>) semaphore(%arg12 : memref<!tpu.dma_semaphore, #tpu.memory_space<semaphore_mem>>) {add = true}
    %dma_start3A_313 = arith.constant 30 : i32
    %dma_start3A_314 = arith.constant 0 : i32
    %dma_start3A_315 = tpu.memref_slice %arg8[%dma_start3A_313, %dma_start3A_314] : memref<79x128xi32, #tpu.memory_space<vmem>> -> memref<1x128xi32, #tpu.memory_space<vmem>>
    %dma_start3A_316 = tpu.memref_squeeze %dma_start3A_315 : memref<1x128xi32, #tpu.memory_space<vmem>> -> memref<128xi32, #tpu.memory_space<vmem>>
    %dma_start3A_317 = arith.constant 0 : i32
    %dma_start3A_318 = tpu.memref_slice %arg11[%dma_start3A_317] : memref<204800xf32, #tpu.memory_space<vmem_shared>> -> memref<204800xf32, #tpu.memory_space<vmem_shared>>
    tpu.enqueue_indirect_dma source(%arg9 : memref<128xf32, #tpu.memory_space<vmem>>) target(%dma_start3A_318 : memref<204800xf32, #tpu.memory_space<vmem_shared>>) offsets(%dma_start3A_316 : memref<128xi32, #tpu.memory_space<vmem>>) semaphore(%arg12 : memref<!tpu.dma_semaphore, #tpu.memory_space<semaphore_mem>>) {add = true}
    %dma_start3A_319 = arith.constant 31 : i32
    %dma_start3A_320 = arith.constant 0 : i32
    %dma_start3A_321 = tpu.memref_slice %arg8[%dma_start3A_319, %dma_start3A_320] : memref<79x128xi32, #tpu.memory_space<vmem>> -> memref<1x128xi32, #tpu.memory_space<vmem>>
    %dma_start3A_322 = tpu.memref_squeeze %dma_start3A_321 : memref<1x128xi32, #tpu.memory_space<vmem>> -> memref<128xi32, #tpu.memory_space<vmem>>
    %dma_start3A_323 = arith.constant 0 : i32
    %dma_start3A_324 = tpu.memref_slice %arg11[%dma_start3A_323] : memref<204800xf32, #tpu.memory_space<vmem_shared>> -> memref<204800xf32, #tpu.memory_space<vmem_shared>>
    tpu.enqueue_indirect_dma source(%arg9 : memref<128xf32, #tpu.memory_space<vmem>>) target(%dma_start3A_324 : memref<204800xf32, #tpu.memory_space<vmem_shared>>) offsets(%dma_start3A_322 : memref<128xi32, #tpu.memory_space<vmem>>) semaphore(%arg12 : memref<!tpu.dma_semaphore, #tpu.memory_space<semaphore_mem>>) {add = true}
    %dma_start3A_325 = arith.constant 32 : i32
    %dma_start3A_326 = arith.constant 0 : i32
    %dma_start3A_327 = tpu.memref_slice %arg8[%dma_start3A_325, %dma_start3A_326] : memref<79x128xi32, #tpu.memory_space<vmem>> -> memref<1x128xi32, #tpu.memory_space<vmem>>
    %dma_start3A_328 = tpu.memref_squeeze %dma_start3A_327 : memref<1x128xi32, #tpu.memory_space<vmem>> -> memref<128xi32, #tpu.memory_space<vmem>>
    %dma_start3A_329 = arith.constant 0 : i32
    %dma_start3A_330 = tpu.memref_slice %arg11[%dma_start3A_329] : memref<204800xf32, #tpu.memory_space<vmem_shared>> -> memref<204800xf32, #tpu.memory_space<vmem_shared>>
    tpu.enqueue_indirect_dma source(%arg9 : memref<128xf32, #tpu.memory_space<vmem>>) target(%dma_start3A_330 : memref<204800xf32, #tpu.memory_space<vmem_shared>>) offsets(%dma_start3A_328 : memref<128xi32, #tpu.memory_space<vmem>>) semaphore(%arg12 : memref<!tpu.dma_semaphore, #tpu.memory_space<semaphore_mem>>) {add = true}
    %dma_start3A_331 = arith.constant 33 : i32
    %dma_start3A_332 = arith.constant 0 : i32
    %dma_start3A_333 = tpu.memref_slice %arg8[%dma_start3A_331, %dma_start3A_332] : memref<79x128xi32, #tpu.memory_space<vmem>> -> memref<1x128xi32, #tpu.memory_space<vmem>>
    %dma_start3A_334 = tpu.memref_squeeze %dma_start3A_333 : memref<1x128xi32, #tpu.memory_space<vmem>> -> memref<128xi32, #tpu.memory_space<vmem>>
    %dma_start3A_335 = arith.constant 0 : i32
    %dma_start3A_336 = tpu.memref_slice %arg11[%dma_start3A_335] : memref<204800xf32, #tpu.memory_space<vmem_shared>> -> memref<204800xf32, #tpu.memory_space<vmem_shared>>
    tpu.enqueue_indirect_dma source(%arg9 : memref<128xf32, #tpu.memory_space<vmem>>) target(%dma_start3A_336 : memref<204800xf32, #tpu.memory_space<vmem_shared>>) offsets(%dma_start3A_334 : memref<128xi32, #tpu.memory_space<vmem>>) semaphore(%arg12 : memref<!tpu.dma_semaphore, #tpu.memory_space<semaphore_mem>>) {add = true}
    %dma_start3A_337 = arith.constant 34 : i32
    %dma_start3A_338 = arith.constant 0 : i32
    %dma_start3A_339 = tpu.memref_slice %arg8[%dma_start3A_337, %dma_start3A_338] : memref<79x128xi32, #tpu.memory_space<vmem>> -> memref<1x128xi32, #tpu.memory_space<vmem>>
    %dma_start3A_340 = tpu.memref_squeeze %dma_start3A_339 : memref<1x128xi32, #tpu.memory_space<vmem>> -> memref<128xi32, #tpu.memory_space<vmem>>
    %dma_start3A_341 = arith.constant 0 : i32
    %dma_start3A_342 = tpu.memref_slice %arg11[%dma_start3A_341] : memref<204800xf32, #tpu.memory_space<vmem_shared>> -> memref<204800xf32, #tpu.memory_space<vmem_shared>>
    tpu.enqueue_indirect_dma source(%arg9 : memref<128xf32, #tpu.memory_space<vmem>>) target(%dma_start3A_342 : memref<204800xf32, #tpu.memory_space<vmem_shared>>) offsets(%dma_start3A_340 : memref<128xi32, #tpu.memory_space<vmem>>) semaphore(%arg12 : memref<!tpu.dma_semaphore, #tpu.memory_space<semaphore_mem>>) {add = true}
    %dma_start3A_343 = arith.constant 35 : i32
    %dma_start3A_344 = arith.constant 0 : i32
    %dma_start3A_345 = tpu.memref_slice %arg8[%dma_start3A_343, %dma_start3A_344] : memref<79x128xi32, #tpu.memory_space<vmem>> -> memref<1x128xi32, #tpu.memory_space<vmem>>
    %dma_start3A_346 = tpu.memref_squeeze %dma_start3A_345 : memref<1x128xi32, #tpu.memory_space<vmem>> -> memref<128xi32, #tpu.memory_space<vmem>>
    %dma_start3A_347 = arith.constant 0 : i32
    %dma_start3A_348 = tpu.memref_slice %arg11[%dma_start3A_347] : memref<204800xf32, #tpu.memory_space<vmem_shared>> -> memref<204800xf32, #tpu.memory_space<vmem_shared>>
    tpu.enqueue_indirect_dma source(%arg9 : memref<128xf32, #tpu.memory_space<vmem>>) target(%dma_start3A_348 : memref<204800xf32, #tpu.memory_space<vmem_shared>>) offsets(%dma_start3A_346 : memref<128xi32, #tpu.memory_space<vmem>>) semaphore(%arg12 : memref<!tpu.dma_semaphore, #tpu.memory_space<semaphore_mem>>) {add = true}
    %dma_start3A_349 = arith.constant 36 : i32
    %dma_start3A_350 = arith.constant 0 : i32
    %dma_start3A_351 = tpu.memref_slice %arg8[%dma_start3A_349, %dma_start3A_350] : memref<79x128xi32, #tpu.memory_space<vmem>> -> memref<1x128xi32, #tpu.memory_space<vmem>>
    %dma_start3A_352 = tpu.memref_squeeze %dma_start3A_351 : memref<1x128xi32, #tpu.memory_space<vmem>> -> memref<128xi32, #tpu.memory_space<vmem>>
    %dma_start3A_353 = arith.constant 0 : i32
    %dma_start3A_354 = tpu.memref_slice %arg11[%dma_start3A_353] : memref<204800xf32, #tpu.memory_space<vmem_shared>> -> memref<204800xf32, #tpu.memory_space<vmem_shared>>
    tpu.enqueue_indirect_dma source(%arg9 : memref<128xf32, #tpu.memory_space<vmem>>) target(%dma_start3A_354 : memref<204800xf32, #tpu.memory_space<vmem_shared>>) offsets(%dma_start3A_352 : memref<128xi32, #tpu.memory_space<vmem>>) semaphore(%arg12 : memref<!tpu.dma_semaphore, #tpu.memory_space<semaphore_mem>>) {add = true}
    %dma_start3A_355 = arith.constant 37 : i32
    %dma_start3A_356 = arith.constant 0 : i32
    %dma_start3A_357 = tpu.memref_slice %arg8[%dma_start3A_355, %dma_start3A_356] : memref<79x128xi32, #tpu.memory_space<vmem>> -> memref<1x128xi32, #tpu.memory_space<vmem>>
    %dma_start3A_358 = tpu.memref_squeeze %dma_start3A_357 : memref<1x128xi32, #tpu.memory_space<vmem>> -> memref<128xi32, #tpu.memory_space<vmem>>
    %dma_start3A_359 = arith.constant 0 : i32
    %dma_start3A_360 = tpu.memref_slice %arg11[%dma_start3A_359] : memref<204800xf32, #tpu.memory_space<vmem_shared>> -> memref<204800xf32, #tpu.memory_space<vmem_shared>>
    tpu.enqueue_indirect_dma source(%arg9 : memref<128xf32, #tpu.memory_space<vmem>>) target(%dma_start3A_360 : memref<204800xf32, #tpu.memory_space<vmem_shared>>) offsets(%dma_start3A_358 : memref<128xi32, #tpu.memory_space<vmem>>) semaphore(%arg12 : memref<!tpu.dma_semaphore, #tpu.memory_space<semaphore_mem>>) {add = true}
    %dma_start3A_361 = arith.constant 38 : i32
    %dma_start3A_362 = arith.constant 0 : i32
    %dma_start3A_363 = tpu.memref_slice %arg8[%dma_start3A_361, %dma_start3A_362] : memref<79x128xi32, #tpu.memory_space<vmem>> -> memref<1x128xi32, #tpu.memory_space<vmem>>
    %dma_start3A_364 = tpu.memref_squeeze %dma_start3A_363 : memref<1x128xi32, #tpu.memory_space<vmem>> -> memref<128xi32, #tpu.memory_space<vmem>>
    %dma_start3A_365 = arith.constant 0 : i32
    %dma_start3A_366 = tpu.memref_slice %arg11[%dma_start3A_365] : memref<204800xf32, #tpu.memory_space<vmem_shared>> -> memref<204800xf32, #tpu.memory_space<vmem_shared>>
    tpu.enqueue_indirect_dma source(%arg9 : memref<128xf32, #tpu.memory_space<vmem>>) target(%dma_start3A_366 : memref<204800xf32, #tpu.memory_space<vmem_shared>>) offsets(%dma_start3A_364 : memref<128xi32, #tpu.memory_space<vmem>>) semaphore(%arg12 : memref<!tpu.dma_semaphore, #tpu.memory_space<semaphore_mem>>) {add = true}
    %dma_start3A_367 = arith.constant 39 : i32
    %dma_start3A_368 = arith.constant 0 : i32
    %dma_start3A_369 = tpu.memref_slice %arg8[%dma_start3A_367, %dma_start3A_368] : memref<79x128xi32, #tpu.memory_space<vmem>> -> memref<1x128xi32, #tpu.memory_space<vmem>>
    %dma_start3A_370 = tpu.memref_squeeze %dma_start3A_369 : memref<1x128xi32, #tpu.memory_space<vmem>> -> memref<128xi32, #tpu.memory_space<vmem>>
    %dma_start3A_371 = arith.constant 0 : i32
    %dma_start3A_372 = tpu.memref_slice %arg11[%dma_start3A_371] : memref<204800xf32, #tpu.memory_space<vmem_shared>> -> memref<204800xf32, #tpu.memory_space<vmem_shared>>
    tpu.enqueue_indirect_dma source(%arg9 : memref<128xf32, #tpu.memory_space<vmem>>) target(%dma_start3A_372 : memref<204800xf32, #tpu.memory_space<vmem_shared>>) offsets(%dma_start3A_370 : memref<128xi32, #tpu.memory_space<vmem>>) semaphore(%arg12 : memref<!tpu.dma_semaphore, #tpu.memory_space<semaphore_mem>>) {add = true}
    %dma_start3A_373 = arith.constant 40 : i32
    %dma_start3A_374 = arith.constant 0 : i32
    %dma_start3A_375 = tpu.memref_slice %arg8[%dma_start3A_373, %dma_start3A_374] : memref<79x128xi32, #tpu.memory_space<vmem>> -> memref<1x128xi32, #tpu.memory_space<vmem>>
    %dma_start3A_376 = tpu.memref_squeeze %dma_start3A_375 : memref<1x128xi32, #tpu.memory_space<vmem>> -> memref<128xi32, #tpu.memory_space<vmem>>
    %dma_start3A_377 = arith.constant 0 : i32
    %dma_start3A_378 = tpu.memref_slice %arg11[%dma_start3A_377] : memref<204800xf32, #tpu.memory_space<vmem_shared>> -> memref<204800xf32, #tpu.memory_space<vmem_shared>>
    tpu.enqueue_indirect_dma source(%arg9 : memref<128xf32, #tpu.memory_space<vmem>>) target(%dma_start3A_378 : memref<204800xf32, #tpu.memory_space<vmem_shared>>) offsets(%dma_start3A_376 : memref<128xi32, #tpu.memory_space<vmem>>) semaphore(%arg12 : memref<!tpu.dma_semaphore, #tpu.memory_space<semaphore_mem>>) {add = true}
    %dma_start3A_379 = arith.constant 41 : i32
    %dma_start3A_380 = arith.constant 0 : i32
    %dma_start3A_381 = tpu.memref_slice %arg8[%dma_start3A_379, %dma_start3A_380] : memref<79x128xi32, #tpu.memory_space<vmem>> -> memref<1x128xi32, #tpu.memory_space<vmem>>
    %dma_start3A_382 = tpu.memref_squeeze %dma_start3A_381 : memref<1x128xi32, #tpu.memory_space<vmem>> -> memref<128xi32, #tpu.memory_space<vmem>>
    %dma_start3A_383 = arith.constant 0 : i32
    %dma_start3A_384 = tpu.memref_slice %arg11[%dma_start3A_383] : memref<204800xf32, #tpu.memory_space<vmem_shared>> -> memref<204800xf32, #tpu.memory_space<vmem_shared>>
    tpu.enqueue_indirect_dma source(%arg9 : memref<128xf32, #tpu.memory_space<vmem>>) target(%dma_start3A_384 : memref<204800xf32, #tpu.memory_space<vmem_shared>>) offsets(%dma_start3A_382 : memref<128xi32, #tpu.memory_space<vmem>>) semaphore(%arg12 : memref<!tpu.dma_semaphore, #tpu.memory_space<semaphore_mem>>) {add = true}
    %dma_start3A_385 = arith.constant 42 : i32
    %dma_start3A_386 = arith.constant 0 : i32
    %dma_start3A_387 = tpu.memref_slice %arg8[%dma_start3A_385, %dma_start3A_386] : memref<79x128xi32, #tpu.memory_space<vmem>> -> memref<1x128xi32, #tpu.memory_space<vmem>>
    %dma_start3A_388 = tpu.memref_squeeze %dma_start3A_387 : memref<1x128xi32, #tpu.memory_space<vmem>> -> memref<128xi32, #tpu.memory_space<vmem>>
    %dma_start3A_389 = arith.constant 0 : i32
    %dma_start3A_390 = tpu.memref_slice %arg11[%dma_start3A_389] : memref<204800xf32, #tpu.memory_space<vmem_shared>> -> memref<204800xf32, #tpu.memory_space<vmem_shared>>
    tpu.enqueue_indirect_dma source(%arg9 : memref<128xf32, #tpu.memory_space<vmem>>) target(%dma_start3A_390 : memref<204800xf32, #tpu.memory_space<vmem_shared>>) offsets(%dma_start3A_388 : memref<128xi32, #tpu.memory_space<vmem>>) semaphore(%arg12 : memref<!tpu.dma_semaphore, #tpu.memory_space<semaphore_mem>>) {add = true}
    %dma_start3A_391 = arith.constant 43 : i32
    %dma_start3A_392 = arith.constant 0 : i32
    %dma_start3A_393 = tpu.memref_slice %arg8[%dma_start3A_391, %dma_start3A_392] : memref<79x128xi32, #tpu.memory_space<vmem>> -> memref<1x128xi32, #tpu.memory_space<vmem>>
    %dma_start3A_394 = tpu.memref_squeeze %dma_start3A_393 : memref<1x128xi32, #tpu.memory_space<vmem>> -> memref<128xi32, #tpu.memory_space<vmem>>
    %dma_start3A_395 = arith.constant 0 : i32
    %dma_start3A_396 = tpu.memref_slice %arg11[%dma_start3A_395] : memref<204800xf32, #tpu.memory_space<vmem_shared>> -> memref<204800xf32, #tpu.memory_space<vmem_shared>>
    tpu.enqueue_indirect_dma source(%arg9 : memref<128xf32, #tpu.memory_space<vmem>>) target(%dma_start3A_396 : memref<204800xf32, #tpu.memory_space<vmem_shared>>) offsets(%dma_start3A_394 : memref<128xi32, #tpu.memory_space<vmem>>) semaphore(%arg12 : memref<!tpu.dma_semaphore, #tpu.memory_space<semaphore_mem>>) {add = true}
    %dma_start3A_397 = arith.constant 44 : i32
    %dma_start3A_398 = arith.constant 0 : i32
    %dma_start3A_399 = tpu.memref_slice %arg8[%dma_start3A_397, %dma_start3A_398] : memref<79x128xi32, #tpu.memory_space<vmem>> -> memref<1x128xi32, #tpu.memory_space<vmem>>
    %dma_start3A_400 = tpu.memref_squeeze %dma_start3A_399 : memref<1x128xi32, #tpu.memory_space<vmem>> -> memref<128xi32, #tpu.memory_space<vmem>>
    %dma_start3A_401 = arith.constant 0 : i32
    %dma_start3A_402 = tpu.memref_slice %arg11[%dma_start3A_401] : memref<204800xf32, #tpu.memory_space<vmem_shared>> -> memref<204800xf32, #tpu.memory_space<vmem_shared>>
    tpu.enqueue_indirect_dma source(%arg9 : memref<128xf32, #tpu.memory_space<vmem>>) target(%dma_start3A_402 : memref<204800xf32, #tpu.memory_space<vmem_shared>>) offsets(%dma_start3A_400 : memref<128xi32, #tpu.memory_space<vmem>>) semaphore(%arg12 : memref<!tpu.dma_semaphore, #tpu.memory_space<semaphore_mem>>) {add = true}
    %dma_start3A_403 = arith.constant 45 : i32
    %dma_start3A_404 = arith.constant 0 : i32
    %dma_start3A_405 = tpu.memref_slice %arg8[%dma_start3A_403, %dma_start3A_404] : memref<79x128xi32, #tpu.memory_space<vmem>> -> memref<1x128xi32, #tpu.memory_space<vmem>>
    %dma_start3A_406 = tpu.memref_squeeze %dma_start3A_405 : memref<1x128xi32, #tpu.memory_space<vmem>> -> memref<128xi32, #tpu.memory_space<vmem>>
    %dma_start3A_407 = arith.constant 0 : i32
    %dma_start3A_408 = tpu.memref_slice %arg11[%dma_start3A_407] : memref<204800xf32, #tpu.memory_space<vmem_shared>> -> memref<204800xf32, #tpu.memory_space<vmem_shared>>
    tpu.enqueue_indirect_dma source(%arg9 : memref<128xf32, #tpu.memory_space<vmem>>) target(%dma_start3A_408 : memref<204800xf32, #tpu.memory_space<vmem_shared>>) offsets(%dma_start3A_406 : memref<128xi32, #tpu.memory_space<vmem>>) semaphore(%arg12 : memref<!tpu.dma_semaphore, #tpu.memory_space<semaphore_mem>>) {add = true}
    %dma_start3A_409 = arith.constant 46 : i32
    %dma_start3A_410 = arith.constant 0 : i32
    %dma_start3A_411 = tpu.memref_slice %arg8[%dma_start3A_409, %dma_start3A_410] : memref<79x128xi32, #tpu.memory_space<vmem>> -> memref<1x128xi32, #tpu.memory_space<vmem>>
    %dma_start3A_412 = tpu.memref_squeeze %dma_start3A_411 : memref<1x128xi32, #tpu.memory_space<vmem>> -> memref<128xi32, #tpu.memory_space<vmem>>
    %dma_start3A_413 = arith.constant 0 : i32
    %dma_start3A_414 = tpu.memref_slice %arg11[%dma_start3A_413] : memref<204800xf32, #tpu.memory_space<vmem_shared>> -> memref<204800xf32, #tpu.memory_space<vmem_shared>>
    tpu.enqueue_indirect_dma source(%arg9 : memref<128xf32, #tpu.memory_space<vmem>>) target(%dma_start3A_414 : memref<204800xf32, #tpu.memory_space<vmem_shared>>) offsets(%dma_start3A_412 : memref<128xi32, #tpu.memory_space<vmem>>) semaphore(%arg12 : memref<!tpu.dma_semaphore, #tpu.memory_space<semaphore_mem>>) {add = true}
    %dma_start3A_415 = arith.constant 47 : i32
    %dma_start3A_416 = arith.constant 0 : i32
    %dma_start3A_417 = tpu.memref_slice %arg8[%dma_start3A_415, %dma_start3A_416] : memref<79x128xi32, #tpu.memory_space<vmem>> -> memref<1x128xi32, #tpu.memory_space<vmem>>
    %dma_start3A_418 = tpu.memref_squeeze %dma_start3A_417 : memref<1x128xi32, #tpu.memory_space<vmem>> -> memref<128xi32, #tpu.memory_space<vmem>>
    %dma_start3A_419 = arith.constant 0 : i32
    %dma_start3A_420 = tpu.memref_slice %arg11[%dma_start3A_419] : memref<204800xf32, #tpu.memory_space<vmem_shared>> -> memref<204800xf32, #tpu.memory_space<vmem_shared>>
    tpu.enqueue_indirect_dma source(%arg9 : memref<128xf32, #tpu.memory_space<vmem>>) target(%dma_start3A_420 : memref<204800xf32, #tpu.memory_space<vmem_shared>>) offsets(%dma_start3A_418 : memref<128xi32, #tpu.memory_space<vmem>>) semaphore(%arg12 : memref<!tpu.dma_semaphore, #tpu.memory_space<semaphore_mem>>) {add = true}
    %dma_start3A_421 = arith.constant 48 : i32
    %dma_start3A_422 = arith.constant 0 : i32
    %dma_start3A_423 = tpu.memref_slice %arg8[%dma_start3A_421, %dma_start3A_422] : memref<79x128xi32, #tpu.memory_space<vmem>> -> memref<1x128xi32, #tpu.memory_space<vmem>>
    %dma_start3A_424 = tpu.memref_squeeze %dma_start3A_423 : memref<1x128xi32, #tpu.memory_space<vmem>> -> memref<128xi32, #tpu.memory_space<vmem>>
    %dma_start3A_425 = arith.constant 0 : i32
    %dma_start3A_426 = tpu.memref_slice %arg11[%dma_start3A_425] : memref<204800xf32, #tpu.memory_space<vmem_shared>> -> memref<204800xf32, #tpu.memory_space<vmem_shared>>
    tpu.enqueue_indirect_dma source(%arg9 : memref<128xf32, #tpu.memory_space<vmem>>) target(%dma_start3A_426 : memref<204800xf32, #tpu.memory_space<vmem_shared>>) offsets(%dma_start3A_424 : memref<128xi32, #tpu.memory_space<vmem>>) semaphore(%arg12 : memref<!tpu.dma_semaphore, #tpu.memory_space<semaphore_mem>>) {add = true}
    %dma_start3A_427 = arith.constant 49 : i32
    %dma_start3A_428 = arith.constant 0 : i32
    %dma_start3A_429 = tpu.memref_slice %arg8[%dma_start3A_427, %dma_start3A_428] : memref<79x128xi32, #tpu.memory_space<vmem>> -> memref<1x128xi32, #tpu.memory_space<vmem>>
    %dma_start3A_430 = tpu.memref_squeeze %dma_start3A_429 : memref<1x128xi32, #tpu.memory_space<vmem>> -> memref<128xi32, #tpu.memory_space<vmem>>
    %dma_start3A_431 = arith.constant 0 : i32
    %dma_start3A_432 = tpu.memref_slice %arg11[%dma_start3A_431] : memref<204800xf32, #tpu.memory_space<vmem_shared>> -> memref<204800xf32, #tpu.memory_space<vmem_shared>>
    tpu.enqueue_indirect_dma source(%arg9 : memref<128xf32, #tpu.memory_space<vmem>>) target(%dma_start3A_432 : memref<204800xf32, #tpu.memory_space<vmem_shared>>) offsets(%dma_start3A_430 : memref<128xi32, #tpu.memory_space<vmem>>) semaphore(%arg12 : memref<!tpu.dma_semaphore, #tpu.memory_space<semaphore_mem>>) {add = true}
    %dma_start3A_433 = arith.constant 50 : i32
    %dma_start3A_434 = arith.constant 0 : i32
    %dma_start3A_435 = tpu.memref_slice %arg8[%dma_start3A_433, %dma_start3A_434] : memref<79x128xi32, #tpu.memory_space<vmem>> -> memref<1x128xi32, #tpu.memory_space<vmem>>
    %dma_start3A_436 = tpu.memref_squeeze %dma_start3A_435 : memref<1x128xi32, #tpu.memory_space<vmem>> -> memref<128xi32, #tpu.memory_space<vmem>>
    %dma_start3A_437 = arith.constant 0 : i32
    %dma_start3A_438 = tpu.memref_slice %arg11[%dma_start3A_437] : memref<204800xf32, #tpu.memory_space<vmem_shared>> -> memref<204800xf32, #tpu.memory_space<vmem_shared>>
    tpu.enqueue_indirect_dma source(%arg9 : memref<128xf32, #tpu.memory_space<vmem>>) target(%dma_start3A_438 : memref<204800xf32, #tpu.memory_space<vmem_shared>>) offsets(%dma_start3A_436 : memref<128xi32, #tpu.memory_space<vmem>>) semaphore(%arg12 : memref<!tpu.dma_semaphore, #tpu.memory_space<semaphore_mem>>) {add = true}
    %dma_start3A_439 = arith.constant 51 : i32
    %dma_start3A_440 = arith.constant 0 : i32
    %dma_start3A_441 = tpu.memref_slice %arg8[%dma_start3A_439, %dma_start3A_440] : memref<79x128xi32, #tpu.memory_space<vmem>> -> memref<1x128xi32, #tpu.memory_space<vmem>>
    %dma_start3A_442 = tpu.memref_squeeze %dma_start3A_441 : memref<1x128xi32, #tpu.memory_space<vmem>> -> memref<128xi32, #tpu.memory_space<vmem>>
    %dma_start3A_443 = arith.constant 0 : i32
    %dma_start3A_444 = tpu.memref_slice %arg11[%dma_start3A_443] : memref<204800xf32, #tpu.memory_space<vmem_shared>> -> memref<204800xf32, #tpu.memory_space<vmem_shared>>
    tpu.enqueue_indirect_dma source(%arg9 : memref<128xf32, #tpu.memory_space<vmem>>) target(%dma_start3A_444 : memref<204800xf32, #tpu.memory_space<vmem_shared>>) offsets(%dma_start3A_442 : memref<128xi32, #tpu.memory_space<vmem>>) semaphore(%arg12 : memref<!tpu.dma_semaphore, #tpu.memory_space<semaphore_mem>>) {add = true}
    %dma_start3A_445 = arith.constant 52 : i32
    %dma_start3A_446 = arith.constant 0 : i32
    %dma_start3A_447 = tpu.memref_slice %arg8[%dma_start3A_445, %dma_start3A_446] : memref<79x128xi32, #tpu.memory_space<vmem>> -> memref<1x128xi32, #tpu.memory_space<vmem>>
    %dma_start3A_448 = tpu.memref_squeeze %dma_start3A_447 : memref<1x128xi32, #tpu.memory_space<vmem>> -> memref<128xi32, #tpu.memory_space<vmem>>
    %dma_start3A_449 = arith.constant 0 : i32
    %dma_start3A_450 = tpu.memref_slice %arg11[%dma_start3A_449] : memref<204800xf32, #tpu.memory_space<vmem_shared>> -> memref<204800xf32, #tpu.memory_space<vmem_shared>>
    tpu.enqueue_indirect_dma source(%arg9 : memref<128xf32, #tpu.memory_space<vmem>>) target(%dma_start3A_450 : memref<204800xf32, #tpu.memory_space<vmem_shared>>) offsets(%dma_start3A_448 : memref<128xi32, #tpu.memory_space<vmem>>) semaphore(%arg12 : memref<!tpu.dma_semaphore, #tpu.memory_space<semaphore_mem>>) {add = true}
    %dma_start3A_451 = arith.constant 53 : i32
    %dma_start3A_452 = arith.constant 0 : i32
    %dma_start3A_453 = tpu.memref_slice %arg8[%dma_start3A_451, %dma_start3A_452] : memref<79x128xi32, #tpu.memory_space<vmem>> -> memref<1x128xi32, #tpu.memory_space<vmem>>
    %dma_start3A_454 = tpu.memref_squeeze %dma_start3A_453 : memref<1x128xi32, #tpu.memory_space<vmem>> -> memref<128xi32, #tpu.memory_space<vmem>>
    %dma_start3A_455 = arith.constant 0 : i32
    %dma_start3A_456 = tpu.memref_slice %arg11[%dma_start3A_455] : memref<204800xf32, #tpu.memory_space<vmem_shared>> -> memref<204800xf32, #tpu.memory_space<vmem_shared>>
    tpu.enqueue_indirect_dma source(%arg9 : memref<128xf32, #tpu.memory_space<vmem>>) target(%dma_start3A_456 : memref<204800xf32, #tpu.memory_space<vmem_shared>>) offsets(%dma_start3A_454 : memref<128xi32, #tpu.memory_space<vmem>>) semaphore(%arg12 : memref<!tpu.dma_semaphore, #tpu.memory_space<semaphore_mem>>) {add = true}
    %dma_start3A_457 = arith.constant 54 : i32
    %dma_start3A_458 = arith.constant 0 : i32
    %dma_start3A_459 = tpu.memref_slice %arg8[%dma_start3A_457, %dma_start3A_458] : memref<79x128xi32, #tpu.memory_space<vmem>> -> memref<1x128xi32, #tpu.memory_space<vmem>>
    %dma_start3A_460 = tpu.memref_squeeze %dma_start3A_459 : memref<1x128xi32, #tpu.memory_space<vmem>> -> memref<128xi32, #tpu.memory_space<vmem>>
    %dma_start3A_461 = arith.constant 0 : i32
    %dma_start3A_462 = tpu.memref_slice %arg11[%dma_start3A_461] : memref<204800xf32, #tpu.memory_space<vmem_shared>> -> memref<204800xf32, #tpu.memory_space<vmem_shared>>
    tpu.enqueue_indirect_dma source(%arg9 : memref<128xf32, #tpu.memory_space<vmem>>) target(%dma_start3A_462 : memref<204800xf32, #tpu.memory_space<vmem_shared>>) offsets(%dma_start3A_460 : memref<128xi32, #tpu.memory_space<vmem>>) semaphore(%arg12 : memref<!tpu.dma_semaphore, #tpu.memory_space<semaphore_mem>>) {add = true}
    %dma_start3A_463 = arith.constant 55 : i32
    %dma_start3A_464 = arith.constant 0 : i32
    %dma_start3A_465 = tpu.memref_slice %arg8[%dma_start3A_463, %dma_start3A_464] : memref<79x128xi32, #tpu.memory_space<vmem>> -> memref<1x128xi32, #tpu.memory_space<vmem>>
    %dma_start3A_466 = tpu.memref_squeeze %dma_start3A_465 : memref<1x128xi32, #tpu.memory_space<vmem>> -> memref<128xi32, #tpu.memory_space<vmem>>
    %dma_start3A_467 = arith.constant 0 : i32
    %dma_start3A_468 = tpu.memref_slice %arg11[%dma_start3A_467] : memref<204800xf32, #tpu.memory_space<vmem_shared>> -> memref<204800xf32, #tpu.memory_space<vmem_shared>>
    tpu.enqueue_indirect_dma source(%arg9 : memref<128xf32, #tpu.memory_space<vmem>>) target(%dma_start3A_468 : memref<204800xf32, #tpu.memory_space<vmem_shared>>) offsets(%dma_start3A_466 : memref<128xi32, #tpu.memory_space<vmem>>) semaphore(%arg12 : memref<!tpu.dma_semaphore, #tpu.memory_space<semaphore_mem>>) {add = true}
    %dma_start3A_469 = arith.constant 56 : i32
    %dma_start3A_470 = arith.constant 0 : i32
    %dma_start3A_471 = tpu.memref_slice %arg8[%dma_start3A_469, %dma_start3A_470] : memref<79x128xi32, #tpu.memory_space<vmem>> -> memref<1x128xi32, #tpu.memory_space<vmem>>
    %dma_start3A_472 = tpu.memref_squeeze %dma_start3A_471 : memref<1x128xi32, #tpu.memory_space<vmem>> -> memref<128xi32, #tpu.memory_space<vmem>>
    %dma_start3A_473 = arith.constant 0 : i32
    %dma_start3A_474 = tpu.memref_slice %arg11[%dma_start3A_473] : memref<204800xf32, #tpu.memory_space<vmem_shared>> -> memref<204800xf32, #tpu.memory_space<vmem_shared>>
    tpu.enqueue_indirect_dma source(%arg9 : memref<128xf32, #tpu.memory_space<vmem>>) target(%dma_start3A_474 : memref<204800xf32, #tpu.memory_space<vmem_shared>>) offsets(%dma_start3A_472 : memref<128xi32, #tpu.memory_space<vmem>>) semaphore(%arg12 : memref<!tpu.dma_semaphore, #tpu.memory_space<semaphore_mem>>) {add = true}
    %dma_start3A_475 = arith.constant 57 : i32
    %dma_start3A_476 = arith.constant 0 : i32
    %dma_start3A_477 = tpu.memref_slice %arg8[%dma_start3A_475, %dma_start3A_476] : memref<79x128xi32, #tpu.memory_space<vmem>> -> memref<1x128xi32, #tpu.memory_space<vmem>>
    %dma_start3A_478 = tpu.memref_squeeze %dma_start3A_477 : memref<1x128xi32, #tpu.memory_space<vmem>> -> memref<128xi32, #tpu.memory_space<vmem>>
    %dma_start3A_479 = arith.constant 0 : i32
    %dma_start3A_480 = tpu.memref_slice %arg11[%dma_start3A_479] : memref<204800xf32, #tpu.memory_space<vmem_shared>> -> memref<204800xf32, #tpu.memory_space<vmem_shared>>
    tpu.enqueue_indirect_dma source(%arg9 : memref<128xf32, #tpu.memory_space<vmem>>) target(%dma_start3A_480 : memref<204800xf32, #tpu.memory_space<vmem_shared>>) offsets(%dma_start3A_478 : memref<128xi32, #tpu.memory_space<vmem>>) semaphore(%arg12 : memref<!tpu.dma_semaphore, #tpu.memory_space<semaphore_mem>>) {add = true}
    %dma_start3A_481 = arith.constant 58 : i32
    %dma_start3A_482 = arith.constant 0 : i32
    %dma_start3A_483 = tpu.memref_slice %arg8[%dma_start3A_481, %dma_start3A_482] : memref<79x128xi32, #tpu.memory_space<vmem>> -> memref<1x128xi32, #tpu.memory_space<vmem>>
    %dma_start3A_484 = tpu.memref_squeeze %dma_start3A_483 : memref<1x128xi32, #tpu.memory_space<vmem>> -> memref<128xi32, #tpu.memory_space<vmem>>
    %dma_start3A_485 = arith.constant 0 : i32
    %dma_start3A_486 = tpu.memref_slice %arg11[%dma_start3A_485] : memref<204800xf32, #tpu.memory_space<vmem_shared>> -> memref<204800xf32, #tpu.memory_space<vmem_shared>>
    tpu.enqueue_indirect_dma source(%arg9 : memref<128xf32, #tpu.memory_space<vmem>>) target(%dma_start3A_486 : memref<204800xf32, #tpu.memory_space<vmem_shared>>) offsets(%dma_start3A_484 : memref<128xi32, #tpu.memory_space<vmem>>) semaphore(%arg12 : memref<!tpu.dma_semaphore, #tpu.memory_space<semaphore_mem>>) {add = true}
    %dma_start3A_487 = arith.constant 59 : i32
    %dma_start3A_488 = arith.constant 0 : i32
    %dma_start3A_489 = tpu.memref_slice %arg8[%dma_start3A_487, %dma_start3A_488] : memref<79x128xi32, #tpu.memory_space<vmem>> -> memref<1x128xi32, #tpu.memory_space<vmem>>
    %dma_start3A_490 = tpu.memref_squeeze %dma_start3A_489 : memref<1x128xi32, #tpu.memory_space<vmem>> -> memref<128xi32, #tpu.memory_space<vmem>>
    %dma_start3A_491 = arith.constant 0 : i32
    %dma_start3A_492 = tpu.memref_slice %arg11[%dma_start3A_491] : memref<204800xf32, #tpu.memory_space<vmem_shared>> -> memref<204800xf32, #tpu.memory_space<vmem_shared>>
    tpu.enqueue_indirect_dma source(%arg9 : memref<128xf32, #tpu.memory_space<vmem>>) target(%dma_start3A_492 : memref<204800xf32, #tpu.memory_space<vmem_shared>>) offsets(%dma_start3A_490 : memref<128xi32, #tpu.memory_space<vmem>>) semaphore(%arg12 : memref<!tpu.dma_semaphore, #tpu.memory_space<semaphore_mem>>) {add = true}
    %dma_start3A_493 = arith.constant 60 : i32
    %dma_start3A_494 = arith.constant 0 : i32
    %dma_start3A_495 = tpu.memref_slice %arg8[%dma_start3A_493, %dma_start3A_494] : memref<79x128xi32, #tpu.memory_space<vmem>> -> memref<1x128xi32, #tpu.memory_space<vmem>>
    %dma_start3A_496 = tpu.memref_squeeze %dma_start3A_495 : memref<1x128xi32, #tpu.memory_space<vmem>> -> memref<128xi32, #tpu.memory_space<vmem>>
    %dma_start3A_497 = arith.constant 0 : i32
    %dma_start3A_498 = tpu.memref_slice %arg11[%dma_start3A_497] : memref<204800xf32, #tpu.memory_space<vmem_shared>> -> memref<204800xf32, #tpu.memory_space<vmem_shared>>
    tpu.enqueue_indirect_dma source(%arg9 : memref<128xf32, #tpu.memory_space<vmem>>) target(%dma_start3A_498 : memref<204800xf32, #tpu.memory_space<vmem_shared>>) offsets(%dma_start3A_496 : memref<128xi32, #tpu.memory_space<vmem>>) semaphore(%arg12 : memref<!tpu.dma_semaphore, #tpu.memory_space<semaphore_mem>>) {add = true}
    %dma_start3A_499 = arith.constant 61 : i32
    %dma_start3A_500 = arith.constant 0 : i32
    %dma_start3A_501 = tpu.memref_slice %arg8[%dma_start3A_499, %dma_start3A_500] : memref<79x128xi32, #tpu.memory_space<vmem>> -> memref<1x128xi32, #tpu.memory_space<vmem>>
    %dma_start3A_502 = tpu.memref_squeeze %dma_start3A_501 : memref<1x128xi32, #tpu.memory_space<vmem>> -> memref<128xi32, #tpu.memory_space<vmem>>
    %dma_start3A_503 = arith.constant 0 : i32
    %dma_start3A_504 = tpu.memref_slice %arg11[%dma_start3A_503] : memref<204800xf32, #tpu.memory_space<vmem_shared>> -> memref<204800xf32, #tpu.memory_space<vmem_shared>>
    tpu.enqueue_indirect_dma source(%arg9 : memref<128xf32, #tpu.memory_space<vmem>>) target(%dma_start3A_504 : memref<204800xf32, #tpu.memory_space<vmem_shared>>) offsets(%dma_start3A_502 : memref<128xi32, #tpu.memory_space<vmem>>) semaphore(%arg12 : memref<!tpu.dma_semaphore, #tpu.memory_space<semaphore_mem>>) {add = true}
    %dma_start3A_505 = arith.constant 62 : i32
    %dma_start3A_506 = arith.constant 0 : i32
    %dma_start3A_507 = tpu.memref_slice %arg8[%dma_start3A_505, %dma_start3A_506] : memref<79x128xi32, #tpu.memory_space<vmem>> -> memref<1x128xi32, #tpu.memory_space<vmem>>
    %dma_start3A_508 = tpu.memref_squeeze %dma_start3A_507 : memref<1x128xi32, #tpu.memory_space<vmem>> -> memref<128xi32, #tpu.memory_space<vmem>>
    %dma_start3A_509 = arith.constant 0 : i32
    %dma_start3A_510 = tpu.memref_slice %arg11[%dma_start3A_509] : memref<204800xf32, #tpu.memory_space<vmem_shared>> -> memref<204800xf32, #tpu.memory_space<vmem_shared>>
    tpu.enqueue_indirect_dma source(%arg9 : memref<128xf32, #tpu.memory_space<vmem>>) target(%dma_start3A_510 : memref<204800xf32, #tpu.memory_space<vmem_shared>>) offsets(%dma_start3A_508 : memref<128xi32, #tpu.memory_space<vmem>>) semaphore(%arg12 : memref<!tpu.dma_semaphore, #tpu.memory_space<semaphore_mem>>) {add = true}
    %dma_start3A_511 = arith.constant 63 : i32
    %dma_start3A_512 = arith.constant 0 : i32
    %dma_start3A_513 = tpu.memref_slice %arg8[%dma_start3A_511, %dma_start3A_512] : memref<79x128xi32, #tpu.memory_space<vmem>> -> memref<1x128xi32, #tpu.memory_space<vmem>>
    %dma_start3A_514 = tpu.memref_squeeze %dma_start3A_513 : memref<1x128xi32, #tpu.memory_space<vmem>> -> memref<128xi32, #tpu.memory_space<vmem>>
    %dma_start3A_515 = arith.constant 0 : i32
    %dma_start3A_516 = tpu.memref_slice %arg11[%dma_start3A_515] : memref<204800xf32, #tpu.memory_space<vmem_shared>> -> memref<204800xf32, #tpu.memory_space<vmem_shared>>
    tpu.enqueue_indirect_dma source(%arg9 : memref<128xf32, #tpu.memory_space<vmem>>) target(%dma_start3A_516 : memref<204800xf32, #tpu.memory_space<vmem_shared>>) offsets(%dma_start3A_514 : memref<128xi32, #tpu.memory_space<vmem>>) semaphore(%arg12 : memref<!tpu.dma_semaphore, #tpu.memory_space<semaphore_mem>>) {add = true}
    %dma_start3A_517 = arith.constant 64 : i32
    %dma_start3A_518 = arith.constant 0 : i32
    %dma_start3A_519 = tpu.memref_slice %arg8[%dma_start3A_517, %dma_start3A_518] : memref<79x128xi32, #tpu.memory_space<vmem>> -> memref<1x128xi32, #tpu.memory_space<vmem>>
    %dma_start3A_520 = tpu.memref_squeeze %dma_start3A_519 : memref<1x128xi32, #tpu.memory_space<vmem>> -> memref<128xi32, #tpu.memory_space<vmem>>
    %dma_start3A_521 = arith.constant 0 : i32
    %dma_start3A_522 = tpu.memref_slice %arg11[%dma_start3A_521] : memref<204800xf32, #tpu.memory_space<vmem_shared>> -> memref<204800xf32, #tpu.memory_space<vmem_shared>>
    tpu.enqueue_indirect_dma source(%arg9 : memref<128xf32, #tpu.memory_space<vmem>>) target(%dma_start3A_522 : memref<204800xf32, #tpu.memory_space<vmem_shared>>) offsets(%dma_start3A_520 : memref<128xi32, #tpu.memory_space<vmem>>) semaphore(%arg12 : memref<!tpu.dma_semaphore, #tpu.memory_space<semaphore_mem>>) {add = true}
    %dma_start3A_523 = arith.constant 65 : i32
    %dma_start3A_524 = arith.constant 0 : i32
    %dma_start3A_525 = tpu.memref_slice %arg8[%dma_start3A_523, %dma_start3A_524] : memref<79x128xi32, #tpu.memory_space<vmem>> -> memref<1x128xi32, #tpu.memory_space<vmem>>
    %dma_start3A_526 = tpu.memref_squeeze %dma_start3A_525 : memref<1x128xi32, #tpu.memory_space<vmem>> -> memref<128xi32, #tpu.memory_space<vmem>>
    %dma_start3A_527 = arith.constant 0 : i32
    %dma_start3A_528 = tpu.memref_slice %arg11[%dma_start3A_527] : memref<204800xf32, #tpu.memory_space<vmem_shared>> -> memref<204800xf32, #tpu.memory_space<vmem_shared>>
    tpu.enqueue_indirect_dma source(%arg9 : memref<128xf32, #tpu.memory_space<vmem>>) target(%dma_start3A_528 : memref<204800xf32, #tpu.memory_space<vmem_shared>>) offsets(%dma_start3A_526 : memref<128xi32, #tpu.memory_space<vmem>>) semaphore(%arg12 : memref<!tpu.dma_semaphore, #tpu.memory_space<semaphore_mem>>) {add = true}
    %dma_start3A_529 = arith.constant 66 : i32
    %dma_start3A_530 = arith.constant 0 : i32
    %dma_start3A_531 = tpu.memref_slice %arg8[%dma_start3A_529, %dma_start3A_530] : memref<79x128xi32, #tpu.memory_space<vmem>> -> memref<1x128xi32, #tpu.memory_space<vmem>>
    %dma_start3A_532 = tpu.memref_squeeze %dma_start3A_531 : memref<1x128xi32, #tpu.memory_space<vmem>> -> memref<128xi32, #tpu.memory_space<vmem>>
    %dma_start3A_533 = arith.constant 0 : i32
    %dma_start3A_534 = tpu.memref_slice %arg11[%dma_start3A_533] : memref<204800xf32, #tpu.memory_space<vmem_shared>> -> memref<204800xf32, #tpu.memory_space<vmem_shared>>
    tpu.enqueue_indirect_dma source(%arg9 : memref<128xf32, #tpu.memory_space<vmem>>) target(%dma_start3A_534 : memref<204800xf32, #tpu.memory_space<vmem_shared>>) offsets(%dma_start3A_532 : memref<128xi32, #tpu.memory_space<vmem>>) semaphore(%arg12 : memref<!tpu.dma_semaphore, #tpu.memory_space<semaphore_mem>>) {add = true}
    %dma_start3A_535 = arith.constant 67 : i32
    %dma_start3A_536 = arith.constant 0 : i32
    %dma_start3A_537 = tpu.memref_slice %arg8[%dma_start3A_535, %dma_start3A_536] : memref<79x128xi32, #tpu.memory_space<vmem>> -> memref<1x128xi32, #tpu.memory_space<vmem>>
    %dma_start3A_538 = tpu.memref_squeeze %dma_start3A_537 : memref<1x128xi32, #tpu.memory_space<vmem>> -> memref<128xi32, #tpu.memory_space<vmem>>
    %dma_start3A_539 = arith.constant 0 : i32
    %dma_start3A_540 = tpu.memref_slice %arg11[%dma_start3A_539] : memref<204800xf32, #tpu.memory_space<vmem_shared>> -> memref<204800xf32, #tpu.memory_space<vmem_shared>>
    tpu.enqueue_indirect_dma source(%arg9 : memref<128xf32, #tpu.memory_space<vmem>>) target(%dma_start3A_540 : memref<204800xf32, #tpu.memory_space<vmem_shared>>) offsets(%dma_start3A_538 : memref<128xi32, #tpu.memory_space<vmem>>) semaphore(%arg12 : memref<!tpu.dma_semaphore, #tpu.memory_space<semaphore_mem>>) {add = true}
    %dma_start3A_541 = arith.constant 68 : i32
    %dma_start3A_542 = arith.constant 0 : i32
    %dma_start3A_543 = tpu.memref_slice %arg8[%dma_start3A_541, %dma_start3A_542] : memref<79x128xi32, #tpu.memory_space<vmem>> -> memref<1x128xi32, #tpu.memory_space<vmem>>
    %dma_start3A_544 = tpu.memref_squeeze %dma_start3A_543 : memref<1x128xi32, #tpu.memory_space<vmem>> -> memref<128xi32, #tpu.memory_space<vmem>>
    %dma_start3A_545 = arith.constant 0 : i32
    %dma_start3A_546 = tpu.memref_slice %arg11[%dma_start3A_545] : memref<204800xf32, #tpu.memory_space<vmem_shared>> -> memref<204800xf32, #tpu.memory_space<vmem_shared>>
    tpu.enqueue_indirect_dma source(%arg9 : memref<128xf32, #tpu.memory_space<vmem>>) target(%dma_start3A_546 : memref<204800xf32, #tpu.memory_space<vmem_shared>>) offsets(%dma_start3A_544 : memref<128xi32, #tpu.memory_space<vmem>>) semaphore(%arg12 : memref<!tpu.dma_semaphore, #tpu.memory_space<semaphore_mem>>) {add = true}
    %dma_start3A_547 = arith.constant 69 : i32
    %dma_start3A_548 = arith.constant 0 : i32
    %dma_start3A_549 = tpu.memref_slice %arg8[%dma_start3A_547, %dma_start3A_548] : memref<79x128xi32, #tpu.memory_space<vmem>> -> memref<1x128xi32, #tpu.memory_space<vmem>>
    %dma_start3A_550 = tpu.memref_squeeze %dma_start3A_549 : memref<1x128xi32, #tpu.memory_space<vmem>> -> memref<128xi32, #tpu.memory_space<vmem>>
    %dma_start3A_551 = arith.constant 0 : i32
    %dma_start3A_552 = tpu.memref_slice %arg11[%dma_start3A_551] : memref<204800xf32, #tpu.memory_space<vmem_shared>> -> memref<204800xf32, #tpu.memory_space<vmem_shared>>
    tpu.enqueue_indirect_dma source(%arg9 : memref<128xf32, #tpu.memory_space<vmem>>) target(%dma_start3A_552 : memref<204800xf32, #tpu.memory_space<vmem_shared>>) offsets(%dma_start3A_550 : memref<128xi32, #tpu.memory_space<vmem>>) semaphore(%arg12 : memref<!tpu.dma_semaphore, #tpu.memory_space<semaphore_mem>>) {add = true}
    %dma_start3A_553 = arith.constant 70 : i32
    %dma_start3A_554 = arith.constant 0 : i32
    %dma_start3A_555 = tpu.memref_slice %arg8[%dma_start3A_553, %dma_start3A_554] : memref<79x128xi32, #tpu.memory_space<vmem>> -> memref<1x128xi32, #tpu.memory_space<vmem>>
    %dma_start3A_556 = tpu.memref_squeeze %dma_start3A_555 : memref<1x128xi32, #tpu.memory_space<vmem>> -> memref<128xi32, #tpu.memory_space<vmem>>
    %dma_start3A_557 = arith.constant 0 : i32
    %dma_start3A_558 = tpu.memref_slice %arg11[%dma_start3A_557] : memref<204800xf32, #tpu.memory_space<vmem_shared>> -> memref<204800xf32, #tpu.memory_space<vmem_shared>>
    tpu.enqueue_indirect_dma source(%arg9 : memref<128xf32, #tpu.memory_space<vmem>>) target(%dma_start3A_558 : memref<204800xf32, #tpu.memory_space<vmem_shared>>) offsets(%dma_start3A_556 : memref<128xi32, #tpu.memory_space<vmem>>) semaphore(%arg12 : memref<!tpu.dma_semaphore, #tpu.memory_space<semaphore_mem>>) {add = true}
    %dma_start3A_559 = arith.constant 71 : i32
    %dma_start3A_560 = arith.constant 0 : i32
    %dma_start3A_561 = tpu.memref_slice %arg8[%dma_start3A_559, %dma_start3A_560] : memref<79x128xi32, #tpu.memory_space<vmem>> -> memref<1x128xi32, #tpu.memory_space<vmem>>
    %dma_start3A_562 = tpu.memref_squeeze %dma_start3A_561 : memref<1x128xi32, #tpu.memory_space<vmem>> -> memref<128xi32, #tpu.memory_space<vmem>>
    %dma_start3A_563 = arith.constant 0 : i32
    %dma_start3A_564 = tpu.memref_slice %arg11[%dma_start3A_563] : memref<204800xf32, #tpu.memory_space<vmem_shared>> -> memref<204800xf32, #tpu.memory_space<vmem_shared>>
    tpu.enqueue_indirect_dma source(%arg9 : memref<128xf32, #tpu.memory_space<vmem>>) target(%dma_start3A_564 : memref<204800xf32, #tpu.memory_space<vmem_shared>>) offsets(%dma_start3A_562 : memref<128xi32, #tpu.memory_space<vmem>>) semaphore(%arg12 : memref<!tpu.dma_semaphore, #tpu.memory_space<semaphore_mem>>) {add = true}
    %dma_start3A_565 = arith.constant 72 : i32
    %dma_start3A_566 = arith.constant 0 : i32
    %dma_start3A_567 = tpu.memref_slice %arg8[%dma_start3A_565, %dma_start3A_566] : memref<79x128xi32, #tpu.memory_space<vmem>> -> memref<1x128xi32, #tpu.memory_space<vmem>>
    %dma_start3A_568 = tpu.memref_squeeze %dma_start3A_567 : memref<1x128xi32, #tpu.memory_space<vmem>> -> memref<128xi32, #tpu.memory_space<vmem>>
    %dma_start3A_569 = arith.constant 0 : i32
    %dma_start3A_570 = tpu.memref_slice %arg11[%dma_start3A_569] : memref<204800xf32, #tpu.memory_space<vmem_shared>> -> memref<204800xf32, #tpu.memory_space<vmem_shared>>
    tpu.enqueue_indirect_dma source(%arg9 : memref<128xf32, #tpu.memory_space<vmem>>) target(%dma_start3A_570 : memref<204800xf32, #tpu.memory_space<vmem_shared>>) offsets(%dma_start3A_568 : memref<128xi32, #tpu.memory_space<vmem>>) semaphore(%arg12 : memref<!tpu.dma_semaphore, #tpu.memory_space<semaphore_mem>>) {add = true}
    %dma_start3A_571 = arith.constant 73 : i32
    %dma_start3A_572 = arith.constant 0 : i32
    %dma_start3A_573 = tpu.memref_slice %arg8[%dma_start3A_571, %dma_start3A_572] : memref<79x128xi32, #tpu.memory_space<vmem>> -> memref<1x128xi32, #tpu.memory_space<vmem>>
    %dma_start3A_574 = tpu.memref_squeeze %dma_start3A_573 : memref<1x128xi32, #tpu.memory_space<vmem>> -> memref<128xi32, #tpu.memory_space<vmem>>
    %dma_start3A_575 = arith.constant 0 : i32
    %dma_start3A_576 = tpu.memref_slice %arg11[%dma_start3A_575] : memref<204800xf32, #tpu.memory_space<vmem_shared>> -> memref<204800xf32, #tpu.memory_space<vmem_shared>>
    tpu.enqueue_indirect_dma source(%arg9 : memref<128xf32, #tpu.memory_space<vmem>>) target(%dma_start3A_576 : memref<204800xf32, #tpu.memory_space<vmem_shared>>) offsets(%dma_start3A_574 : memref<128xi32, #tpu.memory_space<vmem>>) semaphore(%arg12 : memref<!tpu.dma_semaphore, #tpu.memory_space<semaphore_mem>>) {add = true}
    %dma_start3A_577 = arith.constant 74 : i32
    %dma_start3A_578 = arith.constant 0 : i32
    %dma_start3A_579 = tpu.memref_slice %arg8[%dma_start3A_577, %dma_start3A_578] : memref<79x128xi32, #tpu.memory_space<vmem>> -> memref<1x128xi32, #tpu.memory_space<vmem>>
    %dma_start3A_580 = tpu.memref_squeeze %dma_start3A_579 : memref<1x128xi32, #tpu.memory_space<vmem>> -> memref<128xi32, #tpu.memory_space<vmem>>
    %dma_start3A_581 = arith.constant 0 : i32
    %dma_start3A_582 = tpu.memref_slice %arg11[%dma_start3A_581] : memref<204800xf32, #tpu.memory_space<vmem_shared>> -> memref<204800xf32, #tpu.memory_space<vmem_shared>>
    tpu.enqueue_indirect_dma source(%arg9 : memref<128xf32, #tpu.memory_space<vmem>>) target(%dma_start3A_582 : memref<204800xf32, #tpu.memory_space<vmem_shared>>) offsets(%dma_start3A_580 : memref<128xi32, #tpu.memory_space<vmem>>) semaphore(%arg12 : memref<!tpu.dma_semaphore, #tpu.memory_space<semaphore_mem>>) {add = true}
    %dma_start3A_583 = arith.constant 75 : i32
    %dma_start3A_584 = arith.constant 0 : i32
    %dma_start3A_585 = tpu.memref_slice %arg8[%dma_start3A_583, %dma_start3A_584] : memref<79x128xi32, #tpu.memory_space<vmem>> -> memref<1x128xi32, #tpu.memory_space<vmem>>
    %dma_start3A_586 = tpu.memref_squeeze %dma_start3A_585 : memref<1x128xi32, #tpu.memory_space<vmem>> -> memref<128xi32, #tpu.memory_space<vmem>>
    %dma_start3A_587 = arith.constant 0 : i32
    %dma_start3A_588 = tpu.memref_slice %arg11[%dma_start3A_587] : memref<204800xf32, #tpu.memory_space<vmem_shared>> -> memref<204800xf32, #tpu.memory_space<vmem_shared>>
    tpu.enqueue_indirect_dma source(%arg9 : memref<128xf32, #tpu.memory_space<vmem>>) target(%dma_start3A_588 : memref<204800xf32, #tpu.memory_space<vmem_shared>>) offsets(%dma_start3A_586 : memref<128xi32, #tpu.memory_space<vmem>>) semaphore(%arg12 : memref<!tpu.dma_semaphore, #tpu.memory_space<semaphore_mem>>) {add = true}
    %dma_start3A_589 = arith.constant 76 : i32
    %dma_start3A_590 = arith.constant 0 : i32
    %dma_start3A_591 = tpu.memref_slice %arg8[%dma_start3A_589, %dma_start3A_590] : memref<79x128xi32, #tpu.memory_space<vmem>> -> memref<1x128xi32, #tpu.memory_space<vmem>>
    %dma_start3A_592 = tpu.memref_squeeze %dma_start3A_591 : memref<1x128xi32, #tpu.memory_space<vmem>> -> memref<128xi32, #tpu.memory_space<vmem>>
    %dma_start3A_593 = arith.constant 0 : i32
    %dma_start3A_594 = tpu.memref_slice %arg11[%dma_start3A_593] : memref<204800xf32, #tpu.memory_space<vmem_shared>> -> memref<204800xf32, #tpu.memory_space<vmem_shared>>
    tpu.enqueue_indirect_dma source(%arg9 : memref<128xf32, #tpu.memory_space<vmem>>) target(%dma_start3A_594 : memref<204800xf32, #tpu.memory_space<vmem_shared>>) offsets(%dma_start3A_592 : memref<128xi32, #tpu.memory_space<vmem>>) semaphore(%arg12 : memref<!tpu.dma_semaphore, #tpu.memory_space<semaphore_mem>>) {add = true}
    %dma_start3A_595 = arith.constant 77 : i32
    %dma_start3A_596 = arith.constant 0 : i32
    %dma_start3A_597 = tpu.memref_slice %arg8[%dma_start3A_595, %dma_start3A_596] : memref<79x128xi32, #tpu.memory_space<vmem>> -> memref<1x128xi32, #tpu.memory_space<vmem>>
    %dma_start3A_598 = tpu.memref_squeeze %dma_start3A_597 : memref<1x128xi32, #tpu.memory_space<vmem>> -> memref<128xi32, #tpu.memory_space<vmem>>
    %dma_start3A_599 = arith.constant 0 : i32
    %dma_start3A_600 = tpu.memref_slice %arg11[%dma_start3A_599] : memref<204800xf32, #tpu.memory_space<vmem_shared>> -> memref<204800xf32, #tpu.memory_space<vmem_shared>>
    tpu.enqueue_indirect_dma source(%arg9 : memref<128xf32, #tpu.memory_space<vmem>>) target(%dma_start3A_600 : memref<204800xf32, #tpu.memory_space<vmem_shared>>) offsets(%dma_start3A_598 : memref<128xi32, #tpu.memory_space<vmem>>) semaphore(%arg12 : memref<!tpu.dma_semaphore, #tpu.memory_space<semaphore_mem>>) {add = true}
    %dma_start3A_601 = arith.constant 78 : i32
    %dma_start3A_602 = arith.constant 0 : i32
    %dma_start3A_603 = tpu.memref_slice %arg8[%dma_start3A_601, %dma_start3A_602] : memref<79x128xi32, #tpu.memory_space<vmem>> -> memref<1x128xi32, #tpu.memory_space<vmem>>
    %dma_start3A_604 = tpu.memref_squeeze %dma_start3A_603 : memref<1x128xi32, #tpu.memory_space<vmem>> -> memref<128xi32, #tpu.memory_space<vmem>>
    %dma_start3A_605 = arith.constant 0 : i32
    %dma_start3A_606 = tpu.memref_slice %arg11[%dma_start3A_605] : memref<204800xf32, #tpu.memory_space<vmem_shared>> -> memref<204800xf32, #tpu.memory_space<vmem_shared>>
    tpu.enqueue_indirect_dma source(%arg9 : memref<128xf32, #tpu.memory_space<vmem>>) target(%dma_start3A_606 : memref<204800xf32, #tpu.memory_space<vmem_shared>>) offsets(%dma_start3A_604 : memref<128xi32, #tpu.memory_space<vmem>>) semaphore(%arg12 : memref<!tpu.dma_semaphore, #tpu.memory_space<semaphore_mem>>) {add = true}
    %dma_wait3A_607 = arith.constant 0 : i32
    %dma_wait3A_608 = arith.constant 0 : i32
    %dma_wait3A_609 = tpu.memref_slice %arg8[%dma_wait3A_607, %dma_wait3A_608] : memref<79x128xi32, #tpu.memory_space<vmem>> -> memref<1x128xi32, #tpu.memory_space<vmem>>
    %dma_wait3A_610 = tpu.memref_squeeze %dma_wait3A_609 : memref<1x128xi32, #tpu.memory_space<vmem>> -> memref<128xi32, #tpu.memory_space<vmem>>
    %dma_wait3A_611 = arith.constant 0 : i32
    %dma_wait3A_612 = tpu.memref_slice %arg11[%dma_wait3A_611] : memref<204800xf32, #tpu.memory_space<vmem_shared>> -> memref<204800xf32, #tpu.memory_space<vmem_shared>>
    tpu.wait_indirect_dma semaphore(%arg12 : memref<!tpu.dma_semaphore, #tpu.memory_space<semaphore_mem>>) src(%arg9 : memref<128xf32, #tpu.memory_space<vmem>>) dst(%dma_wait3A_612 : memref<204800xf32, #tpu.memory_space<vmem_shared>>)
    %dma_wait3A_613 = arith.constant 1 : i32
    %dma_wait3A_614 = arith.constant 0 : i32
    %dma_wait3A_615 = tpu.memref_slice %arg8[%dma_wait3A_613, %dma_wait3A_614] : memref<79x128xi32, #tpu.memory_space<vmem>> -> memref<1x128xi32, #tpu.memory_space<vmem>>
    %dma_wait3A_616 = tpu.memref_squeeze %dma_wait3A_615 : memref<1x128xi32, #tpu.memory_space<vmem>> -> memref<128xi32, #tpu.memory_space<vmem>>
    %dma_wait3A_617 = arith.constant 0 : i32
    %dma_wait3A_618 = tpu.memref_slice %arg11[%dma_wait3A_617] : memref<204800xf32, #tpu.memory_space<vmem_shared>> -> memref<204800xf32, #tpu.memory_space<vmem_shared>>
    tpu.wait_indirect_dma semaphore(%arg12 : memref<!tpu.dma_semaphore, #tpu.memory_space<semaphore_mem>>) src(%arg9 : memref<128xf32, #tpu.memory_space<vmem>>) dst(%dma_wait3A_618 : memref<204800xf32, #tpu.memory_space<vmem_shared>>)
    %dma_wait3A_619 = arith.constant 2 : i32
    %dma_wait3A_620 = arith.constant 0 : i32
    %dma_wait3A_621 = tpu.memref_slice %arg8[%dma_wait3A_619, %dma_wait3A_620] : memref<79x128xi32, #tpu.memory_space<vmem>> -> memref<1x128xi32, #tpu.memory_space<vmem>>
    %dma_wait3A_622 = tpu.memref_squeeze %dma_wait3A_621 : memref<1x128xi32, #tpu.memory_space<vmem>> -> memref<128xi32, #tpu.memory_space<vmem>>
    %dma_wait3A_623 = arith.constant 0 : i32
    %dma_wait3A_624 = tpu.memref_slice %arg11[%dma_wait3A_623] : memref<204800xf32, #tpu.memory_space<vmem_shared>> -> memref<204800xf32, #tpu.memory_space<vmem_shared>>
    tpu.wait_indirect_dma semaphore(%arg12 : memref<!tpu.dma_semaphore, #tpu.memory_space<semaphore_mem>>) src(%arg9 : memref<128xf32, #tpu.memory_space<vmem>>) dst(%dma_wait3A_624 : memref<204800xf32, #tpu.memory_space<vmem_shared>>)
    %dma_wait3A_625 = arith.constant 3 : i32
    %dma_wait3A_626 = arith.constant 0 : i32
    %dma_wait3A_627 = tpu.memref_slice %arg8[%dma_wait3A_625, %dma_wait3A_626] : memref<79x128xi32, #tpu.memory_space<vmem>> -> memref<1x128xi32, #tpu.memory_space<vmem>>
    %dma_wait3A_628 = tpu.memref_squeeze %dma_wait3A_627 : memref<1x128xi32, #tpu.memory_space<vmem>> -> memref<128xi32, #tpu.memory_space<vmem>>
    %dma_wait3A_629 = arith.constant 0 : i32
    %dma_wait3A_630 = tpu.memref_slice %arg11[%dma_wait3A_629] : memref<204800xf32, #tpu.memory_space<vmem_shared>> -> memref<204800xf32, #tpu.memory_space<vmem_shared>>
    tpu.wait_indirect_dma semaphore(%arg12 : memref<!tpu.dma_semaphore, #tpu.memory_space<semaphore_mem>>) src(%arg9 : memref<128xf32, #tpu.memory_space<vmem>>) dst(%dma_wait3A_630 : memref<204800xf32, #tpu.memory_space<vmem_shared>>)
    %dma_wait3A_631 = arith.constant 4 : i32
    %dma_wait3A_632 = arith.constant 0 : i32
    %dma_wait3A_633 = tpu.memref_slice %arg8[%dma_wait3A_631, %dma_wait3A_632] : memref<79x128xi32, #tpu.memory_space<vmem>> -> memref<1x128xi32, #tpu.memory_space<vmem>>
    %dma_wait3A_634 = tpu.memref_squeeze %dma_wait3A_633 : memref<1x128xi32, #tpu.memory_space<vmem>> -> memref<128xi32, #tpu.memory_space<vmem>>
    %dma_wait3A_635 = arith.constant 0 : i32
    %dma_wait3A_636 = tpu.memref_slice %arg11[%dma_wait3A_635] : memref<204800xf32, #tpu.memory_space<vmem_shared>> -> memref<204800xf32, #tpu.memory_space<vmem_shared>>
    tpu.wait_indirect_dma semaphore(%arg12 : memref<!tpu.dma_semaphore, #tpu.memory_space<semaphore_mem>>) src(%arg9 : memref<128xf32, #tpu.memory_space<vmem>>) dst(%dma_wait3A_636 : memref<204800xf32, #tpu.memory_space<vmem_shared>>)
    %dma_wait3A_637 = arith.constant 5 : i32
    %dma_wait3A_638 = arith.constant 0 : i32
    %dma_wait3A_639 = tpu.memref_slice %arg8[%dma_wait3A_637, %dma_wait3A_638] : memref<79x128xi32, #tpu.memory_space<vmem>> -> memref<1x128xi32, #tpu.memory_space<vmem>>
    %dma_wait3A_640 = tpu.memref_squeeze %dma_wait3A_639 : memref<1x128xi32, #tpu.memory_space<vmem>> -> memref<128xi32, #tpu.memory_space<vmem>>
    %dma_wait3A_641 = arith.constant 0 : i32
    %dma_wait3A_642 = tpu.memref_slice %arg11[%dma_wait3A_641] : memref<204800xf32, #tpu.memory_space<vmem_shared>> -> memref<204800xf32, #tpu.memory_space<vmem_shared>>
    tpu.wait_indirect_dma semaphore(%arg12 : memref<!tpu.dma_semaphore, #tpu.memory_space<semaphore_mem>>) src(%arg9 : memref<128xf32, #tpu.memory_space<vmem>>) dst(%dma_wait3A_642 : memref<204800xf32, #tpu.memory_space<vmem_shared>>)
    %dma_wait3A_643 = arith.constant 6 : i32
    %dma_wait3A_644 = arith.constant 0 : i32
    %dma_wait3A_645 = tpu.memref_slice %arg8[%dma_wait3A_643, %dma_wait3A_644] : memref<79x128xi32, #tpu.memory_space<vmem>> -> memref<1x128xi32, #tpu.memory_space<vmem>>
    %dma_wait3A_646 = tpu.memref_squeeze %dma_wait3A_645 : memref<1x128xi32, #tpu.memory_space<vmem>> -> memref<128xi32, #tpu.memory_space<vmem>>
    %dma_wait3A_647 = arith.constant 0 : i32
    %dma_wait3A_648 = tpu.memref_slice %arg11[%dma_wait3A_647] : memref<204800xf32, #tpu.memory_space<vmem_shared>> -> memref<204800xf32, #tpu.memory_space<vmem_shared>>
    tpu.wait_indirect_dma semaphore(%arg12 : memref<!tpu.dma_semaphore, #tpu.memory_space<semaphore_mem>>) src(%arg9 : memref<128xf32, #tpu.memory_space<vmem>>) dst(%dma_wait3A_648 : memref<204800xf32, #tpu.memory_space<vmem_shared>>)
    %dma_wait3A_649 = arith.constant 7 : i32
    %dma_wait3A_650 = arith.constant 0 : i32
    %dma_wait3A_651 = tpu.memref_slice %arg8[%dma_wait3A_649, %dma_wait3A_650] : memref<79x128xi32, #tpu.memory_space<vmem>> -> memref<1x128xi32, #tpu.memory_space<vmem>>
    %dma_wait3A_652 = tpu.memref_squeeze %dma_wait3A_651 : memref<1x128xi32, #tpu.memory_space<vmem>> -> memref<128xi32, #tpu.memory_space<vmem>>
    %dma_wait3A_653 = arith.constant 0 : i32
    %dma_wait3A_654 = tpu.memref_slice %arg11[%dma_wait3A_653] : memref<204800xf32, #tpu.memory_space<vmem_shared>> -> memref<204800xf32, #tpu.memory_space<vmem_shared>>
    tpu.wait_indirect_dma semaphore(%arg12 : memref<!tpu.dma_semaphore, #tpu.memory_space<semaphore_mem>>) src(%arg9 : memref<128xf32, #tpu.memory_space<vmem>>) dst(%dma_wait3A_654 : memref<204800xf32, #tpu.memory_space<vmem_shared>>)
    %dma_wait3A_655 = arith.constant 8 : i32
    %dma_wait3A_656 = arith.constant 0 : i32
    %dma_wait3A_657 = tpu.memref_slice %arg8[%dma_wait3A_655, %dma_wait3A_656] : memref<79x128xi32, #tpu.memory_space<vmem>> -> memref<1x128xi32, #tpu.memory_space<vmem>>
    %dma_wait3A_658 = tpu.memref_squeeze %dma_wait3A_657 : memref<1x128xi32, #tpu.memory_space<vmem>> -> memref<128xi32, #tpu.memory_space<vmem>>
    %dma_wait3A_659 = arith.constant 0 : i32
    %dma_wait3A_660 = tpu.memref_slice %arg11[%dma_wait3A_659] : memref<204800xf32, #tpu.memory_space<vmem_shared>> -> memref<204800xf32, #tpu.memory_space<vmem_shared>>
    tpu.wait_indirect_dma semaphore(%arg12 : memref<!tpu.dma_semaphore, #tpu.memory_space<semaphore_mem>>) src(%arg9 : memref<128xf32, #tpu.memory_space<vmem>>) dst(%dma_wait3A_660 : memref<204800xf32, #tpu.memory_space<vmem_shared>>)
    %dma_wait3A_661 = arith.constant 9 : i32
    %dma_wait3A_662 = arith.constant 0 : i32
    %dma_wait3A_663 = tpu.memref_slice %arg8[%dma_wait3A_661, %dma_wait3A_662] : memref<79x128xi32, #tpu.memory_space<vmem>> -> memref<1x128xi32, #tpu.memory_space<vmem>>
    %dma_wait3A_664 = tpu.memref_squeeze %dma_wait3A_663 : memref<1x128xi32, #tpu.memory_space<vmem>> -> memref<128xi32, #tpu.memory_space<vmem>>
    %dma_wait3A_665 = arith.constant 0 : i32
    %dma_wait3A_666 = tpu.memref_slice %arg11[%dma_wait3A_665] : memref<204800xf32, #tpu.memory_space<vmem_shared>> -> memref<204800xf32, #tpu.memory_space<vmem_shared>>
    tpu.wait_indirect_dma semaphore(%arg12 : memref<!tpu.dma_semaphore, #tpu.memory_space<semaphore_mem>>) src(%arg9 : memref<128xf32, #tpu.memory_space<vmem>>) dst(%dma_wait3A_666 : memref<204800xf32, #tpu.memory_space<vmem_shared>>)
    %dma_wait3A_667 = arith.constant 10 : i32
    %dma_wait3A_668 = arith.constant 0 : i32
    %dma_wait3A_669 = tpu.memref_slice %arg8[%dma_wait3A_667, %dma_wait3A_668] : memref<79x128xi32, #tpu.memory_space<vmem>> -> memref<1x128xi32, #tpu.memory_space<vmem>>
    %dma_wait3A_670 = tpu.memref_squeeze %dma_wait3A_669 : memref<1x128xi32, #tpu.memory_space<vmem>> -> memref<128xi32, #tpu.memory_space<vmem>>
    %dma_wait3A_671 = arith.constant 0 : i32
    %dma_wait3A_672 = tpu.memref_slice %arg11[%dma_wait3A_671] : memref<204800xf32, #tpu.memory_space<vmem_shared>> -> memref<204800xf32, #tpu.memory_space<vmem_shared>>
    tpu.wait_indirect_dma semaphore(%arg12 : memref<!tpu.dma_semaphore, #tpu.memory_space<semaphore_mem>>) src(%arg9 : memref<128xf32, #tpu.memory_space<vmem>>) dst(%dma_wait3A_672 : memref<204800xf32, #tpu.memory_space<vmem_shared>>)
    %dma_wait3A_673 = arith.constant 11 : i32
    %dma_wait3A_674 = arith.constant 0 : i32
    %dma_wait3A_675 = tpu.memref_slice %arg8[%dma_wait3A_673, %dma_wait3A_674] : memref<79x128xi32, #tpu.memory_space<vmem>> -> memref<1x128xi32, #tpu.memory_space<vmem>>
    %dma_wait3A_676 = tpu.memref_squeeze %dma_wait3A_675 : memref<1x128xi32, #tpu.memory_space<vmem>> -> memref<128xi32, #tpu.memory_space<vmem>>
    %dma_wait3A_677 = arith.constant 0 : i32
    %dma_wait3A_678 = tpu.memref_slice %arg11[%dma_wait3A_677] : memref<204800xf32, #tpu.memory_space<vmem_shared>> -> memref<204800xf32, #tpu.memory_space<vmem_shared>>
    tpu.wait_indirect_dma semaphore(%arg12 : memref<!tpu.dma_semaphore, #tpu.memory_space<semaphore_mem>>) src(%arg9 : memref<128xf32, #tpu.memory_space<vmem>>) dst(%dma_wait3A_678 : memref<204800xf32, #tpu.memory_space<vmem_shared>>)
    %dma_wait3A_679 = arith.constant 12 : i32
    %dma_wait3A_680 = arith.constant 0 : i32
    %dma_wait3A_681 = tpu.memref_slice %arg8[%dma_wait3A_679, %dma_wait3A_680] : memref<79x128xi32, #tpu.memory_space<vmem>> -> memref<1x128xi32, #tpu.memory_space<vmem>>
    %dma_wait3A_682 = tpu.memref_squeeze %dma_wait3A_681 : memref<1x128xi32, #tpu.memory_space<vmem>> -> memref<128xi32, #tpu.memory_space<vmem>>
    %dma_wait3A_683 = arith.constant 0 : i32
    %dma_wait3A_684 = tpu.memref_slice %arg11[%dma_wait3A_683] : memref<204800xf32, #tpu.memory_space<vmem_shared>> -> memref<204800xf32, #tpu.memory_space<vmem_shared>>
    tpu.wait_indirect_dma semaphore(%arg12 : memref<!tpu.dma_semaphore, #tpu.memory_space<semaphore_mem>>) src(%arg9 : memref<128xf32, #tpu.memory_space<vmem>>) dst(%dma_wait3A_684 : memref<204800xf32, #tpu.memory_space<vmem_shared>>)
    %dma_wait3A_685 = arith.constant 13 : i32
    %dma_wait3A_686 = arith.constant 0 : i32
    %dma_wait3A_687 = tpu.memref_slice %arg8[%dma_wait3A_685, %dma_wait3A_686] : memref<79x128xi32, #tpu.memory_space<vmem>> -> memref<1x128xi32, #tpu.memory_space<vmem>>
    %dma_wait3A_688 = tpu.memref_squeeze %dma_wait3A_687 : memref<1x128xi32, #tpu.memory_space<vmem>> -> memref<128xi32, #tpu.memory_space<vmem>>
    %dma_wait3A_689 = arith.constant 0 : i32
    %dma_wait3A_690 = tpu.memref_slice %arg11[%dma_wait3A_689] : memref<204800xf32, #tpu.memory_space<vmem_shared>> -> memref<204800xf32, #tpu.memory_space<vmem_shared>>
    tpu.wait_indirect_dma semaphore(%arg12 : memref<!tpu.dma_semaphore, #tpu.memory_space<semaphore_mem>>) src(%arg9 : memref<128xf32, #tpu.memory_space<vmem>>) dst(%dma_wait3A_690 : memref<204800xf32, #tpu.memory_space<vmem_shared>>)
    %dma_wait3A_691 = arith.constant 14 : i32
    %dma_wait3A_692 = arith.constant 0 : i32
    %dma_wait3A_693 = tpu.memref_slice %arg8[%dma_wait3A_691, %dma_wait3A_692] : memref<79x128xi32, #tpu.memory_space<vmem>> -> memref<1x128xi32, #tpu.memory_space<vmem>>
    %dma_wait3A_694 = tpu.memref_squeeze %dma_wait3A_693 : memref<1x128xi32, #tpu.memory_space<vmem>> -> memref<128xi32, #tpu.memory_space<vmem>>
    %dma_wait3A_695 = arith.constant 0 : i32
    %dma_wait3A_696 = tpu.memref_slice %arg11[%dma_wait3A_695] : memref<204800xf32, #tpu.memory_space<vmem_shared>> -> memref<204800xf32, #tpu.memory_space<vmem_shared>>
    tpu.wait_indirect_dma semaphore(%arg12 : memref<!tpu.dma_semaphore, #tpu.memory_space<semaphore_mem>>) src(%arg9 : memref<128xf32, #tpu.memory_space<vmem>>) dst(%dma_wait3A_696 : memref<204800xf32, #tpu.memory_space<vmem_shared>>)
    %dma_wait3A_697 = arith.constant 15 : i32
    %dma_wait3A_698 = arith.constant 0 : i32
    %dma_wait3A_699 = tpu.memref_slice %arg8[%dma_wait3A_697, %dma_wait3A_698] : memref<79x128xi32, #tpu.memory_space<vmem>> -> memref<1x128xi32, #tpu.memory_space<vmem>>
    %dma_wait3A_700 = tpu.memref_squeeze %dma_wait3A_699 : memref<1x128xi32, #tpu.memory_space<vmem>> -> memref<128xi32, #tpu.memory_space<vmem>>
    %dma_wait3A_701 = arith.constant 0 : i32
    %dma_wait3A_702 = tpu.memref_slice %arg11[%dma_wait3A_701] : memref<204800xf32, #tpu.memory_space<vmem_shared>> -> memref<204800xf32, #tpu.memory_space<vmem_shared>>
    tpu.wait_indirect_dma semaphore(%arg12 : memref<!tpu.dma_semaphore, #tpu.memory_space<semaphore_mem>>) src(%arg9 : memref<128xf32, #tpu.memory_space<vmem>>) dst(%dma_wait3A_702 : memref<204800xf32, #tpu.memory_space<vmem_shared>>)
    %dma_wait3A_703 = arith.constant 16 : i32
    %dma_wait3A_704 = arith.constant 0 : i32
    %dma_wait3A_705 = tpu.memref_slice %arg8[%dma_wait3A_703, %dma_wait3A_704] : memref<79x128xi32, #tpu.memory_space<vmem>> -> memref<1x128xi32, #tpu.memory_space<vmem>>
    %dma_wait3A_706 = tpu.memref_squeeze %dma_wait3A_705 : memref<1x128xi32, #tpu.memory_space<vmem>> -> memref<128xi32, #tpu.memory_space<vmem>>
    %dma_wait3A_707 = arith.constant 0 : i32
    %dma_wait3A_708 = tpu.memref_slice %arg11[%dma_wait3A_707] : memref<204800xf32, #tpu.memory_space<vmem_shared>> -> memref<204800xf32, #tpu.memory_space<vmem_shared>>
    tpu.wait_indirect_dma semaphore(%arg12 : memref<!tpu.dma_semaphore, #tpu.memory_space<semaphore_mem>>) src(%arg9 : memref<128xf32, #tpu.memory_space<vmem>>) dst(%dma_wait3A_708 : memref<204800xf32, #tpu.memory_space<vmem_shared>>)
    %dma_wait3A_709 = arith.constant 17 : i32
    %dma_wait3A_710 = arith.constant 0 : i32
    %dma_wait3A_711 = tpu.memref_slice %arg8[%dma_wait3A_709, %dma_wait3A_710] : memref<79x128xi32, #tpu.memory_space<vmem>> -> memref<1x128xi32, #tpu.memory_space<vmem>>
    %dma_wait3A_712 = tpu.memref_squeeze %dma_wait3A_711 : memref<1x128xi32, #tpu.memory_space<vmem>> -> memref<128xi32, #tpu.memory_space<vmem>>
    %dma_wait3A_713 = arith.constant 0 : i32
    %dma_wait3A_714 = tpu.memref_slice %arg11[%dma_wait3A_713] : memref<204800xf32, #tpu.memory_space<vmem_shared>> -> memref<204800xf32, #tpu.memory_space<vmem_shared>>
    tpu.wait_indirect_dma semaphore(%arg12 : memref<!tpu.dma_semaphore, #tpu.memory_space<semaphore_mem>>) src(%arg9 : memref<128xf32, #tpu.memory_space<vmem>>) dst(%dma_wait3A_714 : memref<204800xf32, #tpu.memory_space<vmem_shared>>)
    %dma_wait3A_715 = arith.constant 18 : i32
    %dma_wait3A_716 = arith.constant 0 : i32
    %dma_wait3A_717 = tpu.memref_slice %arg8[%dma_wait3A_715, %dma_wait3A_716] : memref<79x128xi32, #tpu.memory_space<vmem>> -> memref<1x128xi32, #tpu.memory_space<vmem>>
    %dma_wait3A_718 = tpu.memref_squeeze %dma_wait3A_717 : memref<1x128xi32, #tpu.memory_space<vmem>> -> memref<128xi32, #tpu.memory_space<vmem>>
    %dma_wait3A_719 = arith.constant 0 : i32
    %dma_wait3A_720 = tpu.memref_slice %arg11[%dma_wait3A_719] : memref<204800xf32, #tpu.memory_space<vmem_shared>> -> memref<204800xf32, #tpu.memory_space<vmem_shared>>
    tpu.wait_indirect_dma semaphore(%arg12 : memref<!tpu.dma_semaphore, #tpu.memory_space<semaphore_mem>>) src(%arg9 : memref<128xf32, #tpu.memory_space<vmem>>) dst(%dma_wait3A_720 : memref<204800xf32, #tpu.memory_space<vmem_shared>>)
    %dma_wait3A_721 = arith.constant 19 : i32
    %dma_wait3A_722 = arith.constant 0 : i32
    %dma_wait3A_723 = tpu.memref_slice %arg8[%dma_wait3A_721, %dma_wait3A_722] : memref<79x128xi32, #tpu.memory_space<vmem>> -> memref<1x128xi32, #tpu.memory_space<vmem>>
    %dma_wait3A_724 = tpu.memref_squeeze %dma_wait3A_723 : memref<1x128xi32, #tpu.memory_space<vmem>> -> memref<128xi32, #tpu.memory_space<vmem>>
    %dma_wait3A_725 = arith.constant 0 : i32
    %dma_wait3A_726 = tpu.memref_slice %arg11[%dma_wait3A_725] : memref<204800xf32, #tpu.memory_space<vmem_shared>> -> memref<204800xf32, #tpu.memory_space<vmem_shared>>
    tpu.wait_indirect_dma semaphore(%arg12 : memref<!tpu.dma_semaphore, #tpu.memory_space<semaphore_mem>>) src(%arg9 : memref<128xf32, #tpu.memory_space<vmem>>) dst(%dma_wait3A_726 : memref<204800xf32, #tpu.memory_space<vmem_shared>>)
    %dma_wait3A_727 = arith.constant 20 : i32
    %dma_wait3A_728 = arith.constant 0 : i32
    %dma_wait3A_729 = tpu.memref_slice %arg8[%dma_wait3A_727, %dma_wait3A_728] : memref<79x128xi32, #tpu.memory_space<vmem>> -> memref<1x128xi32, #tpu.memory_space<vmem>>
    %dma_wait3A_730 = tpu.memref_squeeze %dma_wait3A_729 : memref<1x128xi32, #tpu.memory_space<vmem>> -> memref<128xi32, #tpu.memory_space<vmem>>
    %dma_wait3A_731 = arith.constant 0 : i32
    %dma_wait3A_732 = tpu.memref_slice %arg11[%dma_wait3A_731] : memref<204800xf32, #tpu.memory_space<vmem_shared>> -> memref<204800xf32, #tpu.memory_space<vmem_shared>>
    tpu.wait_indirect_dma semaphore(%arg12 : memref<!tpu.dma_semaphore, #tpu.memory_space<semaphore_mem>>) src(%arg9 : memref<128xf32, #tpu.memory_space<vmem>>) dst(%dma_wait3A_732 : memref<204800xf32, #tpu.memory_space<vmem_shared>>)
    %dma_wait3A_733 = arith.constant 21 : i32
    %dma_wait3A_734 = arith.constant 0 : i32
    %dma_wait3A_735 = tpu.memref_slice %arg8[%dma_wait3A_733, %dma_wait3A_734] : memref<79x128xi32, #tpu.memory_space<vmem>> -> memref<1x128xi32, #tpu.memory_space<vmem>>
    %dma_wait3A_736 = tpu.memref_squeeze %dma_wait3A_735 : memref<1x128xi32, #tpu.memory_space<vmem>> -> memref<128xi32, #tpu.memory_space<vmem>>
    %dma_wait3A_737 = arith.constant 0 : i32
    %dma_wait3A_738 = tpu.memref_slice %arg11[%dma_wait3A_737] : memref<204800xf32, #tpu.memory_space<vmem_shared>> -> memref<204800xf32, #tpu.memory_space<vmem_shared>>
    tpu.wait_indirect_dma semaphore(%arg12 : memref<!tpu.dma_semaphore, #tpu.memory_space<semaphore_mem>>) src(%arg9 : memref<128xf32, #tpu.memory_space<vmem>>) dst(%dma_wait3A_738 : memref<204800xf32, #tpu.memory_space<vmem_shared>>)
    %dma_wait3A_739 = arith.constant 22 : i32
    %dma_wait3A_740 = arith.constant 0 : i32
    %dma_wait3A_741 = tpu.memref_slice %arg8[%dma_wait3A_739, %dma_wait3A_740] : memref<79x128xi32, #tpu.memory_space<vmem>> -> memref<1x128xi32, #tpu.memory_space<vmem>>
    %dma_wait3A_742 = tpu.memref_squeeze %dma_wait3A_741 : memref<1x128xi32, #tpu.memory_space<vmem>> -> memref<128xi32, #tpu.memory_space<vmem>>
    %dma_wait3A_743 = arith.constant 0 : i32
    %dma_wait3A_744 = tpu.memref_slice %arg11[%dma_wait3A_743] : memref<204800xf32, #tpu.memory_space<vmem_shared>> -> memref<204800xf32, #tpu.memory_space<vmem_shared>>
    tpu.wait_indirect_dma semaphore(%arg12 : memref<!tpu.dma_semaphore, #tpu.memory_space<semaphore_mem>>) src(%arg9 : memref<128xf32, #tpu.memory_space<vmem>>) dst(%dma_wait3A_744 : memref<204800xf32, #tpu.memory_space<vmem_shared>>)
    %dma_wait3A_745 = arith.constant 23 : i32
    %dma_wait3A_746 = arith.constant 0 : i32
    %dma_wait3A_747 = tpu.memref_slice %arg8[%dma_wait3A_745, %dma_wait3A_746] : memref<79x128xi32, #tpu.memory_space<vmem>> -> memref<1x128xi32, #tpu.memory_space<vmem>>
    %dma_wait3A_748 = tpu.memref_squeeze %dma_wait3A_747 : memref<1x128xi32, #tpu.memory_space<vmem>> -> memref<128xi32, #tpu.memory_space<vmem>>
    %dma_wait3A_749 = arith.constant 0 : i32
    %dma_wait3A_750 = tpu.memref_slice %arg11[%dma_wait3A_749] : memref<204800xf32, #tpu.memory_space<vmem_shared>> -> memref<204800xf32, #tpu.memory_space<vmem_shared>>
    tpu.wait_indirect_dma semaphore(%arg12 : memref<!tpu.dma_semaphore, #tpu.memory_space<semaphore_mem>>) src(%arg9 : memref<128xf32, #tpu.memory_space<vmem>>) dst(%dma_wait3A_750 : memref<204800xf32, #tpu.memory_space<vmem_shared>>)
    %dma_wait3A_751 = arith.constant 24 : i32
    %dma_wait3A_752 = arith.constant 0 : i32
    %dma_wait3A_753 = tpu.memref_slice %arg8[%dma_wait3A_751, %dma_wait3A_752] : memref<79x128xi32, #tpu.memory_space<vmem>> -> memref<1x128xi32, #tpu.memory_space<vmem>>
    %dma_wait3A_754 = tpu.memref_squeeze %dma_wait3A_753 : memref<1x128xi32, #tpu.memory_space<vmem>> -> memref<128xi32, #tpu.memory_space<vmem>>
    %dma_wait3A_755 = arith.constant 0 : i32
    %dma_wait3A_756 = tpu.memref_slice %arg11[%dma_wait3A_755] : memref<204800xf32, #tpu.memory_space<vmem_shared>> -> memref<204800xf32, #tpu.memory_space<vmem_shared>>
    tpu.wait_indirect_dma semaphore(%arg12 : memref<!tpu.dma_semaphore, #tpu.memory_space<semaphore_mem>>) src(%arg9 : memref<128xf32, #tpu.memory_space<vmem>>) dst(%dma_wait3A_756 : memref<204800xf32, #tpu.memory_space<vmem_shared>>)
    %dma_wait3A_757 = arith.constant 25 : i32
    %dma_wait3A_758 = arith.constant 0 : i32
    %dma_wait3A_759 = tpu.memref_slice %arg8[%dma_wait3A_757, %dma_wait3A_758] : memref<79x128xi32, #tpu.memory_space<vmem>> -> memref<1x128xi32, #tpu.memory_space<vmem>>
    %dma_wait3A_760 = tpu.memref_squeeze %dma_wait3A_759 : memref<1x128xi32, #tpu.memory_space<vmem>> -> memref<128xi32, #tpu.memory_space<vmem>>
    %dma_wait3A_761 = arith.constant 0 : i32
    %dma_wait3A_762 = tpu.memref_slice %arg11[%dma_wait3A_761] : memref<204800xf32, #tpu.memory_space<vmem_shared>> -> memref<204800xf32, #tpu.memory_space<vmem_shared>>
    tpu.wait_indirect_dma semaphore(%arg12 : memref<!tpu.dma_semaphore, #tpu.memory_space<semaphore_mem>>) src(%arg9 : memref<128xf32, #tpu.memory_space<vmem>>) dst(%dma_wait3A_762 : memref<204800xf32, #tpu.memory_space<vmem_shared>>)
    %dma_wait3A_763 = arith.constant 26 : i32
    %dma_wait3A_764 = arith.constant 0 : i32
    %dma_wait3A_765 = tpu.memref_slice %arg8[%dma_wait3A_763, %dma_wait3A_764] : memref<79x128xi32, #tpu.memory_space<vmem>> -> memref<1x128xi32, #tpu.memory_space<vmem>>
    %dma_wait3A_766 = tpu.memref_squeeze %dma_wait3A_765 : memref<1x128xi32, #tpu.memory_space<vmem>> -> memref<128xi32, #tpu.memory_space<vmem>>
    %dma_wait3A_767 = arith.constant 0 : i32
    %dma_wait3A_768 = tpu.memref_slice %arg11[%dma_wait3A_767] : memref<204800xf32, #tpu.memory_space<vmem_shared>> -> memref<204800xf32, #tpu.memory_space<vmem_shared>>
    tpu.wait_indirect_dma semaphore(%arg12 : memref<!tpu.dma_semaphore, #tpu.memory_space<semaphore_mem>>) src(%arg9 : memref<128xf32, #tpu.memory_space<vmem>>) dst(%dma_wait3A_768 : memref<204800xf32, #tpu.memory_space<vmem_shared>>)
    %dma_wait3A_769 = arith.constant 27 : i32
    %dma_wait3A_770 = arith.constant 0 : i32
    %dma_wait3A_771 = tpu.memref_slice %arg8[%dma_wait3A_769, %dma_wait3A_770] : memref<79x128xi32, #tpu.memory_space<vmem>> -> memref<1x128xi32, #tpu.memory_space<vmem>>
    %dma_wait3A_772 = tpu.memref_squeeze %dma_wait3A_771 : memref<1x128xi32, #tpu.memory_space<vmem>> -> memref<128xi32, #tpu.memory_space<vmem>>
    %dma_wait3A_773 = arith.constant 0 : i32
    %dma_wait3A_774 = tpu.memref_slice %arg11[%dma_wait3A_773] : memref<204800xf32, #tpu.memory_space<vmem_shared>> -> memref<204800xf32, #tpu.memory_space<vmem_shared>>
    tpu.wait_indirect_dma semaphore(%arg12 : memref<!tpu.dma_semaphore, #tpu.memory_space<semaphore_mem>>) src(%arg9 : memref<128xf32, #tpu.memory_space<vmem>>) dst(%dma_wait3A_774 : memref<204800xf32, #tpu.memory_space<vmem_shared>>)
    %dma_wait3A_775 = arith.constant 28 : i32
    %dma_wait3A_776 = arith.constant 0 : i32
    %dma_wait3A_777 = tpu.memref_slice %arg8[%dma_wait3A_775, %dma_wait3A_776] : memref<79x128xi32, #tpu.memory_space<vmem>> -> memref<1x128xi32, #tpu.memory_space<vmem>>
    %dma_wait3A_778 = tpu.memref_squeeze %dma_wait3A_777 : memref<1x128xi32, #tpu.memory_space<vmem>> -> memref<128xi32, #tpu.memory_space<vmem>>
    %dma_wait3A_779 = arith.constant 0 : i32
    %dma_wait3A_780 = tpu.memref_slice %arg11[%dma_wait3A_779] : memref<204800xf32, #tpu.memory_space<vmem_shared>> -> memref<204800xf32, #tpu.memory_space<vmem_shared>>
    tpu.wait_indirect_dma semaphore(%arg12 : memref<!tpu.dma_semaphore, #tpu.memory_space<semaphore_mem>>) src(%arg9 : memref<128xf32, #tpu.memory_space<vmem>>) dst(%dma_wait3A_780 : memref<204800xf32, #tpu.memory_space<vmem_shared>>)
    %dma_wait3A_781 = arith.constant 29 : i32
    %dma_wait3A_782 = arith.constant 0 : i32
    %dma_wait3A_783 = tpu.memref_slice %arg8[%dma_wait3A_781, %dma_wait3A_782] : memref<79x128xi32, #tpu.memory_space<vmem>> -> memref<1x128xi32, #tpu.memory_space<vmem>>
    %dma_wait3A_784 = tpu.memref_squeeze %dma_wait3A_783 : memref<1x128xi32, #tpu.memory_space<vmem>> -> memref<128xi32, #tpu.memory_space<vmem>>
    %dma_wait3A_785 = arith.constant 0 : i32
    %dma_wait3A_786 = tpu.memref_slice %arg11[%dma_wait3A_785] : memref<204800xf32, #tpu.memory_space<vmem_shared>> -> memref<204800xf32, #tpu.memory_space<vmem_shared>>
    tpu.wait_indirect_dma semaphore(%arg12 : memref<!tpu.dma_semaphore, #tpu.memory_space<semaphore_mem>>) src(%arg9 : memref<128xf32, #tpu.memory_space<vmem>>) dst(%dma_wait3A_786 : memref<204800xf32, #tpu.memory_space<vmem_shared>>)
    %dma_wait3A_787 = arith.constant 30 : i32
    %dma_wait3A_788 = arith.constant 0 : i32
    %dma_wait3A_789 = tpu.memref_slice %arg8[%dma_wait3A_787, %dma_wait3A_788] : memref<79x128xi32, #tpu.memory_space<vmem>> -> memref<1x128xi32, #tpu.memory_space<vmem>>
    %dma_wait3A_790 = tpu.memref_squeeze %dma_wait3A_789 : memref<1x128xi32, #tpu.memory_space<vmem>> -> memref<128xi32, #tpu.memory_space<vmem>>
    %dma_wait3A_791 = arith.constant 0 : i32
    %dma_wait3A_792 = tpu.memref_slice %arg11[%dma_wait3A_791] : memref<204800xf32, #tpu.memory_space<vmem_shared>> -> memref<204800xf32, #tpu.memory_space<vmem_shared>>
    tpu.wait_indirect_dma semaphore(%arg12 : memref<!tpu.dma_semaphore, #tpu.memory_space<semaphore_mem>>) src(%arg9 : memref<128xf32, #tpu.memory_space<vmem>>) dst(%dma_wait3A_792 : memref<204800xf32, #tpu.memory_space<vmem_shared>>)
    %dma_wait3A_793 = arith.constant 31 : i32
    %dma_wait3A_794 = arith.constant 0 : i32
    %dma_wait3A_795 = tpu.memref_slice %arg8[%dma_wait3A_793, %dma_wait3A_794] : memref<79x128xi32, #tpu.memory_space<vmem>> -> memref<1x128xi32, #tpu.memory_space<vmem>>
    %dma_wait3A_796 = tpu.memref_squeeze %dma_wait3A_795 : memref<1x128xi32, #tpu.memory_space<vmem>> -> memref<128xi32, #tpu.memory_space<vmem>>
    %dma_wait3A_797 = arith.constant 0 : i32
    %dma_wait3A_798 = tpu.memref_slice %arg11[%dma_wait3A_797] : memref<204800xf32, #tpu.memory_space<vmem_shared>> -> memref<204800xf32, #tpu.memory_space<vmem_shared>>
    tpu.wait_indirect_dma semaphore(%arg12 : memref<!tpu.dma_semaphore, #tpu.memory_space<semaphore_mem>>) src(%arg9 : memref<128xf32, #tpu.memory_space<vmem>>) dst(%dma_wait3A_798 : memref<204800xf32, #tpu.memory_space<vmem_shared>>)
    %dma_wait3A_799 = arith.constant 32 : i32
    %dma_wait3A_800 = arith.constant 0 : i32
    %dma_wait3A_801 = tpu.memref_slice %arg8[%dma_wait3A_799, %dma_wait3A_800] : memref<79x128xi32, #tpu.memory_space<vmem>> -> memref<1x128xi32, #tpu.memory_space<vmem>>
    %dma_wait3A_802 = tpu.memref_squeeze %dma_wait3A_801 : memref<1x128xi32, #tpu.memory_space<vmem>> -> memref<128xi32, #tpu.memory_space<vmem>>
    %dma_wait3A_803 = arith.constant 0 : i32
    %dma_wait3A_804 = tpu.memref_slice %arg11[%dma_wait3A_803] : memref<204800xf32, #tpu.memory_space<vmem_shared>> -> memref<204800xf32, #tpu.memory_space<vmem_shared>>
    tpu.wait_indirect_dma semaphore(%arg12 : memref<!tpu.dma_semaphore, #tpu.memory_space<semaphore_mem>>) src(%arg9 : memref<128xf32, #tpu.memory_space<vmem>>) dst(%dma_wait3A_804 : memref<204800xf32, #tpu.memory_space<vmem_shared>>)
    %dma_wait3A_805 = arith.constant 33 : i32
    %dma_wait3A_806 = arith.constant 0 : i32
    %dma_wait3A_807 = tpu.memref_slice %arg8[%dma_wait3A_805, %dma_wait3A_806] : memref<79x128xi32, #tpu.memory_space<vmem>> -> memref<1x128xi32, #tpu.memory_space<vmem>>
    %dma_wait3A_808 = tpu.memref_squeeze %dma_wait3A_807 : memref<1x128xi32, #tpu.memory_space<vmem>> -> memref<128xi32, #tpu.memory_space<vmem>>
    %dma_wait3A_809 = arith.constant 0 : i32
    %dma_wait3A_810 = tpu.memref_slice %arg11[%dma_wait3A_809] : memref<204800xf32, #tpu.memory_space<vmem_shared>> -> memref<204800xf32, #tpu.memory_space<vmem_shared>>
    tpu.wait_indirect_dma semaphore(%arg12 : memref<!tpu.dma_semaphore, #tpu.memory_space<semaphore_mem>>) src(%arg9 : memref<128xf32, #tpu.memory_space<vmem>>) dst(%dma_wait3A_810 : memref<204800xf32, #tpu.memory_space<vmem_shared>>)
    %dma_wait3A_811 = arith.constant 34 : i32
    %dma_wait3A_812 = arith.constant 0 : i32
    %dma_wait3A_813 = tpu.memref_slice %arg8[%dma_wait3A_811, %dma_wait3A_812] : memref<79x128xi32, #tpu.memory_space<vmem>> -> memref<1x128xi32, #tpu.memory_space<vmem>>
    %dma_wait3A_814 = tpu.memref_squeeze %dma_wait3A_813 : memref<1x128xi32, #tpu.memory_space<vmem>> -> memref<128xi32, #tpu.memory_space<vmem>>
    %dma_wait3A_815 = arith.constant 0 : i32
    %dma_wait3A_816 = tpu.memref_slice %arg11[%dma_wait3A_815] : memref<204800xf32, #tpu.memory_space<vmem_shared>> -> memref<204800xf32, #tpu.memory_space<vmem_shared>>
    tpu.wait_indirect_dma semaphore(%arg12 : memref<!tpu.dma_semaphore, #tpu.memory_space<semaphore_mem>>) src(%arg9 : memref<128xf32, #tpu.memory_space<vmem>>) dst(%dma_wait3A_816 : memref<204800xf32, #tpu.memory_space<vmem_shared>>)
    %dma_wait3A_817 = arith.constant 35 : i32
    %dma_wait3A_818 = arith.constant 0 : i32
    %dma_wait3A_819 = tpu.memref_slice %arg8[%dma_wait3A_817, %dma_wait3A_818] : memref<79x128xi32, #tpu.memory_space<vmem>> -> memref<1x128xi32, #tpu.memory_space<vmem>>
    %dma_wait3A_820 = tpu.memref_squeeze %dma_wait3A_819 : memref<1x128xi32, #tpu.memory_space<vmem>> -> memref<128xi32, #tpu.memory_space<vmem>>
    %dma_wait3A_821 = arith.constant 0 : i32
    %dma_wait3A_822 = tpu.memref_slice %arg11[%dma_wait3A_821] : memref<204800xf32, #tpu.memory_space<vmem_shared>> -> memref<204800xf32, #tpu.memory_space<vmem_shared>>
    tpu.wait_indirect_dma semaphore(%arg12 : memref<!tpu.dma_semaphore, #tpu.memory_space<semaphore_mem>>) src(%arg9 : memref<128xf32, #tpu.memory_space<vmem>>) dst(%dma_wait3A_822 : memref<204800xf32, #tpu.memory_space<vmem_shared>>)
    %dma_wait3A_823 = arith.constant 36 : i32
    %dma_wait3A_824 = arith.constant 0 : i32
    %dma_wait3A_825 = tpu.memref_slice %arg8[%dma_wait3A_823, %dma_wait3A_824] : memref<79x128xi32, #tpu.memory_space<vmem>> -> memref<1x128xi32, #tpu.memory_space<vmem>>
    %dma_wait3A_826 = tpu.memref_squeeze %dma_wait3A_825 : memref<1x128xi32, #tpu.memory_space<vmem>> -> memref<128xi32, #tpu.memory_space<vmem>>
    %dma_wait3A_827 = arith.constant 0 : i32
    %dma_wait3A_828 = tpu.memref_slice %arg11[%dma_wait3A_827] : memref<204800xf32, #tpu.memory_space<vmem_shared>> -> memref<204800xf32, #tpu.memory_space<vmem_shared>>
    tpu.wait_indirect_dma semaphore(%arg12 : memref<!tpu.dma_semaphore, #tpu.memory_space<semaphore_mem>>) src(%arg9 : memref<128xf32, #tpu.memory_space<vmem>>) dst(%dma_wait3A_828 : memref<204800xf32, #tpu.memory_space<vmem_shared>>)
    %dma_wait3A_829 = arith.constant 37 : i32
    %dma_wait3A_830 = arith.constant 0 : i32
    %dma_wait3A_831 = tpu.memref_slice %arg8[%dma_wait3A_829, %dma_wait3A_830] : memref<79x128xi32, #tpu.memory_space<vmem>> -> memref<1x128xi32, #tpu.memory_space<vmem>>
    %dma_wait3A_832 = tpu.memref_squeeze %dma_wait3A_831 : memref<1x128xi32, #tpu.memory_space<vmem>> -> memref<128xi32, #tpu.memory_space<vmem>>
    %dma_wait3A_833 = arith.constant 0 : i32
    %dma_wait3A_834 = tpu.memref_slice %arg11[%dma_wait3A_833] : memref<204800xf32, #tpu.memory_space<vmem_shared>> -> memref<204800xf32, #tpu.memory_space<vmem_shared>>
    tpu.wait_indirect_dma semaphore(%arg12 : memref<!tpu.dma_semaphore, #tpu.memory_space<semaphore_mem>>) src(%arg9 : memref<128xf32, #tpu.memory_space<vmem>>) dst(%dma_wait3A_834 : memref<204800xf32, #tpu.memory_space<vmem_shared>>)
    %dma_wait3A_835 = arith.constant 38 : i32
    %dma_wait3A_836 = arith.constant 0 : i32
    %dma_wait3A_837 = tpu.memref_slice %arg8[%dma_wait3A_835, %dma_wait3A_836] : memref<79x128xi32, #tpu.memory_space<vmem>> -> memref<1x128xi32, #tpu.memory_space<vmem>>
    %dma_wait3A_838 = tpu.memref_squeeze %dma_wait3A_837 : memref<1x128xi32, #tpu.memory_space<vmem>> -> memref<128xi32, #tpu.memory_space<vmem>>
    %dma_wait3A_839 = arith.constant 0 : i32
    %dma_wait3A_840 = tpu.memref_slice %arg11[%dma_wait3A_839] : memref<204800xf32, #tpu.memory_space<vmem_shared>> -> memref<204800xf32, #tpu.memory_space<vmem_shared>>
    tpu.wait_indirect_dma semaphore(%arg12 : memref<!tpu.dma_semaphore, #tpu.memory_space<semaphore_mem>>) src(%arg9 : memref<128xf32, #tpu.memory_space<vmem>>) dst(%dma_wait3A_840 : memref<204800xf32, #tpu.memory_space<vmem_shared>>)
    %dma_wait3A_841 = arith.constant 39 : i32
    %dma_wait3A_842 = arith.constant 0 : i32
    %dma_wait3A_843 = tpu.memref_slice %arg8[%dma_wait3A_841, %dma_wait3A_842] : memref<79x128xi32, #tpu.memory_space<vmem>> -> memref<1x128xi32, #tpu.memory_space<vmem>>
    %dma_wait3A_844 = tpu.memref_squeeze %dma_wait3A_843 : memref<1x128xi32, #tpu.memory_space<vmem>> -> memref<128xi32, #tpu.memory_space<vmem>>
    %dma_wait3A_845 = arith.constant 0 : i32
    %dma_wait3A_846 = tpu.memref_slice %arg11[%dma_wait3A_845] : memref<204800xf32, #tpu.memory_space<vmem_shared>> -> memref<204800xf32, #tpu.memory_space<vmem_shared>>
    tpu.wait_indirect_dma semaphore(%arg12 : memref<!tpu.dma_semaphore, #tpu.memory_space<semaphore_mem>>) src(%arg9 : memref<128xf32, #tpu.memory_space<vmem>>) dst(%dma_wait3A_846 : memref<204800xf32, #tpu.memory_space<vmem_shared>>)
    %dma_wait3A_847 = arith.constant 40 : i32
    %dma_wait3A_848 = arith.constant 0 : i32
    %dma_wait3A_849 = tpu.memref_slice %arg8[%dma_wait3A_847, %dma_wait3A_848] : memref<79x128xi32, #tpu.memory_space<vmem>> -> memref<1x128xi32, #tpu.memory_space<vmem>>
    %dma_wait3A_850 = tpu.memref_squeeze %dma_wait3A_849 : memref<1x128xi32, #tpu.memory_space<vmem>> -> memref<128xi32, #tpu.memory_space<vmem>>
    %dma_wait3A_851 = arith.constant 0 : i32
    %dma_wait3A_852 = tpu.memref_slice %arg11[%dma_wait3A_851] : memref<204800xf32, #tpu.memory_space<vmem_shared>> -> memref<204800xf32, #tpu.memory_space<vmem_shared>>
    tpu.wait_indirect_dma semaphore(%arg12 : memref<!tpu.dma_semaphore, #tpu.memory_space<semaphore_mem>>) src(%arg9 : memref<128xf32, #tpu.memory_space<vmem>>) dst(%dma_wait3A_852 : memref<204800xf32, #tpu.memory_space<vmem_shared>>)
    %dma_wait3A_853 = arith.constant 41 : i32
    %dma_wait3A_854 = arith.constant 0 : i32
    %dma_wait3A_855 = tpu.memref_slice %arg8[%dma_wait3A_853, %dma_wait3A_854] : memref<79x128xi32, #tpu.memory_space<vmem>> -> memref<1x128xi32, #tpu.memory_space<vmem>>
    %dma_wait3A_856 = tpu.memref_squeeze %dma_wait3A_855 : memref<1x128xi32, #tpu.memory_space<vmem>> -> memref<128xi32, #tpu.memory_space<vmem>>
    %dma_wait3A_857 = arith.constant 0 : i32
    %dma_wait3A_858 = tpu.memref_slice %arg11[%dma_wait3A_857] : memref<204800xf32, #tpu.memory_space<vmem_shared>> -> memref<204800xf32, #tpu.memory_space<vmem_shared>>
    tpu.wait_indirect_dma semaphore(%arg12 : memref<!tpu.dma_semaphore, #tpu.memory_space<semaphore_mem>>) src(%arg9 : memref<128xf32, #tpu.memory_space<vmem>>) dst(%dma_wait3A_858 : memref<204800xf32, #tpu.memory_space<vmem_shared>>)
    %dma_wait3A_859 = arith.constant 42 : i32
    %dma_wait3A_860 = arith.constant 0 : i32
    %dma_wait3A_861 = tpu.memref_slice %arg8[%dma_wait3A_859, %dma_wait3A_860] : memref<79x128xi32, #tpu.memory_space<vmem>> -> memref<1x128xi32, #tpu.memory_space<vmem>>
    %dma_wait3A_862 = tpu.memref_squeeze %dma_wait3A_861 : memref<1x128xi32, #tpu.memory_space<vmem>> -> memref<128xi32, #tpu.memory_space<vmem>>
    %dma_wait3A_863 = arith.constant 0 : i32
    %dma_wait3A_864 = tpu.memref_slice %arg11[%dma_wait3A_863] : memref<204800xf32, #tpu.memory_space<vmem_shared>> -> memref<204800xf32, #tpu.memory_space<vmem_shared>>
    tpu.wait_indirect_dma semaphore(%arg12 : memref<!tpu.dma_semaphore, #tpu.memory_space<semaphore_mem>>) src(%arg9 : memref<128xf32, #tpu.memory_space<vmem>>) dst(%dma_wait3A_864 : memref<204800xf32, #tpu.memory_space<vmem_shared>>)
    %dma_wait3A_865 = arith.constant 43 : i32
    %dma_wait3A_866 = arith.constant 0 : i32
    %dma_wait3A_867 = tpu.memref_slice %arg8[%dma_wait3A_865, %dma_wait3A_866] : memref<79x128xi32, #tpu.memory_space<vmem>> -> memref<1x128xi32, #tpu.memory_space<vmem>>
    %dma_wait3A_868 = tpu.memref_squeeze %dma_wait3A_867 : memref<1x128xi32, #tpu.memory_space<vmem>> -> memref<128xi32, #tpu.memory_space<vmem>>
    %dma_wait3A_869 = arith.constant 0 : i32
    %dma_wait3A_870 = tpu.memref_slice %arg11[%dma_wait3A_869] : memref<204800xf32, #tpu.memory_space<vmem_shared>> -> memref<204800xf32, #tpu.memory_space<vmem_shared>>
    tpu.wait_indirect_dma semaphore(%arg12 : memref<!tpu.dma_semaphore, #tpu.memory_space<semaphore_mem>>) src(%arg9 : memref<128xf32, #tpu.memory_space<vmem>>) dst(%dma_wait3A_870 : memref<204800xf32, #tpu.memory_space<vmem_shared>>)
    %dma_wait3A_871 = arith.constant 44 : i32
    %dma_wait3A_872 = arith.constant 0 : i32
    %dma_wait3A_873 = tpu.memref_slice %arg8[%dma_wait3A_871, %dma_wait3A_872] : memref<79x128xi32, #tpu.memory_space<vmem>> -> memref<1x128xi32, #tpu.memory_space<vmem>>
    %dma_wait3A_874 = tpu.memref_squeeze %dma_wait3A_873 : memref<1x128xi32, #tpu.memory_space<vmem>> -> memref<128xi32, #tpu.memory_space<vmem>>
    %dma_wait3A_875 = arith.constant 0 : i32
    %dma_wait3A_876 = tpu.memref_slice %arg11[%dma_wait3A_875] : memref<204800xf32, #tpu.memory_space<vmem_shared>> -> memref<204800xf32, #tpu.memory_space<vmem_shared>>
    tpu.wait_indirect_dma semaphore(%arg12 : memref<!tpu.dma_semaphore, #tpu.memory_space<semaphore_mem>>) src(%arg9 : memref<128xf32, #tpu.memory_space<vmem>>) dst(%dma_wait3A_876 : memref<204800xf32, #tpu.memory_space<vmem_shared>>)
    %dma_wait3A_877 = arith.constant 45 : i32
    %dma_wait3A_878 = arith.constant 0 : i32
    %dma_wait3A_879 = tpu.memref_slice %arg8[%dma_wait3A_877, %dma_wait3A_878] : memref<79x128xi32, #tpu.memory_space<vmem>> -> memref<1x128xi32, #tpu.memory_space<vmem>>
    %dma_wait3A_880 = tpu.memref_squeeze %dma_wait3A_879 : memref<1x128xi32, #tpu.memory_space<vmem>> -> memref<128xi32, #tpu.memory_space<vmem>>
    %dma_wait3A_881 = arith.constant 0 : i32
    %dma_wait3A_882 = tpu.memref_slice %arg11[%dma_wait3A_881] : memref<204800xf32, #tpu.memory_space<vmem_shared>> -> memref<204800xf32, #tpu.memory_space<vmem_shared>>
    tpu.wait_indirect_dma semaphore(%arg12 : memref<!tpu.dma_semaphore, #tpu.memory_space<semaphore_mem>>) src(%arg9 : memref<128xf32, #tpu.memory_space<vmem>>) dst(%dma_wait3A_882 : memref<204800xf32, #tpu.memory_space<vmem_shared>>)
    %dma_wait3A_883 = arith.constant 46 : i32
    %dma_wait3A_884 = arith.constant 0 : i32
    %dma_wait3A_885 = tpu.memref_slice %arg8[%dma_wait3A_883, %dma_wait3A_884] : memref<79x128xi32, #tpu.memory_space<vmem>> -> memref<1x128xi32, #tpu.memory_space<vmem>>
    %dma_wait3A_886 = tpu.memref_squeeze %dma_wait3A_885 : memref<1x128xi32, #tpu.memory_space<vmem>> -> memref<128xi32, #tpu.memory_space<vmem>>
    %dma_wait3A_887 = arith.constant 0 : i32
    %dma_wait3A_888 = tpu.memref_slice %arg11[%dma_wait3A_887] : memref<204800xf32, #tpu.memory_space<vmem_shared>> -> memref<204800xf32, #tpu.memory_space<vmem_shared>>
    tpu.wait_indirect_dma semaphore(%arg12 : memref<!tpu.dma_semaphore, #tpu.memory_space<semaphore_mem>>) src(%arg9 : memref<128xf32, #tpu.memory_space<vmem>>) dst(%dma_wait3A_888 : memref<204800xf32, #tpu.memory_space<vmem_shared>>)
    %dma_wait3A_889 = arith.constant 47 : i32
    %dma_wait3A_890 = arith.constant 0 : i32
    %dma_wait3A_891 = tpu.memref_slice %arg8[%dma_wait3A_889, %dma_wait3A_890] : memref<79x128xi32, #tpu.memory_space<vmem>> -> memref<1x128xi32, #tpu.memory_space<vmem>>
    %dma_wait3A_892 = tpu.memref_squeeze %dma_wait3A_891 : memref<1x128xi32, #tpu.memory_space<vmem>> -> memref<128xi32, #tpu.memory_space<vmem>>
    %dma_wait3A_893 = arith.constant 0 : i32
    %dma_wait3A_894 = tpu.memref_slice %arg11[%dma_wait3A_893] : memref<204800xf32, #tpu.memory_space<vmem_shared>> -> memref<204800xf32, #tpu.memory_space<vmem_shared>>
    tpu.wait_indirect_dma semaphore(%arg12 : memref<!tpu.dma_semaphore, #tpu.memory_space<semaphore_mem>>) src(%arg9 : memref<128xf32, #tpu.memory_space<vmem>>) dst(%dma_wait3A_894 : memref<204800xf32, #tpu.memory_space<vmem_shared>>)
    %dma_wait3A_895 = arith.constant 48 : i32
    %dma_wait3A_896 = arith.constant 0 : i32
    %dma_wait3A_897 = tpu.memref_slice %arg8[%dma_wait3A_895, %dma_wait3A_896] : memref<79x128xi32, #tpu.memory_space<vmem>> -> memref<1x128xi32, #tpu.memory_space<vmem>>
    %dma_wait3A_898 = tpu.memref_squeeze %dma_wait3A_897 : memref<1x128xi32, #tpu.memory_space<vmem>> -> memref<128xi32, #tpu.memory_space<vmem>>
    %dma_wait3A_899 = arith.constant 0 : i32
    %dma_wait3A_900 = tpu.memref_slice %arg11[%dma_wait3A_899] : memref<204800xf32, #tpu.memory_space<vmem_shared>> -> memref<204800xf32, #tpu.memory_space<vmem_shared>>
    tpu.wait_indirect_dma semaphore(%arg12 : memref<!tpu.dma_semaphore, #tpu.memory_space<semaphore_mem>>) src(%arg9 : memref<128xf32, #tpu.memory_space<vmem>>) dst(%dma_wait3A_900 : memref<204800xf32, #tpu.memory_space<vmem_shared>>)
    %dma_wait3A_901 = arith.constant 49 : i32
    %dma_wait3A_902 = arith.constant 0 : i32
    %dma_wait3A_903 = tpu.memref_slice %arg8[%dma_wait3A_901, %dma_wait3A_902] : memref<79x128xi32, #tpu.memory_space<vmem>> -> memref<1x128xi32, #tpu.memory_space<vmem>>
    %dma_wait3A_904 = tpu.memref_squeeze %dma_wait3A_903 : memref<1x128xi32, #tpu.memory_space<vmem>> -> memref<128xi32, #tpu.memory_space<vmem>>
    %dma_wait3A_905 = arith.constant 0 : i32
    %dma_wait3A_906 = tpu.memref_slice %arg11[%dma_wait3A_905] : memref<204800xf32, #tpu.memory_space<vmem_shared>> -> memref<204800xf32, #tpu.memory_space<vmem_shared>>
    tpu.wait_indirect_dma semaphore(%arg12 : memref<!tpu.dma_semaphore, #tpu.memory_space<semaphore_mem>>) src(%arg9 : memref<128xf32, #tpu.memory_space<vmem>>) dst(%dma_wait3A_906 : memref<204800xf32, #tpu.memory_space<vmem_shared>>)
    %dma_wait3A_907 = arith.constant 50 : i32
    %dma_wait3A_908 = arith.constant 0 : i32
    %dma_wait3A_909 = tpu.memref_slice %arg8[%dma_wait3A_907, %dma_wait3A_908] : memref<79x128xi32, #tpu.memory_space<vmem>> -> memref<1x128xi32, #tpu.memory_space<vmem>>
    %dma_wait3A_910 = tpu.memref_squeeze %dma_wait3A_909 : memref<1x128xi32, #tpu.memory_space<vmem>> -> memref<128xi32, #tpu.memory_space<vmem>>
    %dma_wait3A_911 = arith.constant 0 : i32
    %dma_wait3A_912 = tpu.memref_slice %arg11[%dma_wait3A_911] : memref<204800xf32, #tpu.memory_space<vmem_shared>> -> memref<204800xf32, #tpu.memory_space<vmem_shared>>
    tpu.wait_indirect_dma semaphore(%arg12 : memref<!tpu.dma_semaphore, #tpu.memory_space<semaphore_mem>>) src(%arg9 : memref<128xf32, #tpu.memory_space<vmem>>) dst(%dma_wait3A_912 : memref<204800xf32, #tpu.memory_space<vmem_shared>>)
    %dma_wait3A_913 = arith.constant 51 : i32
    %dma_wait3A_914 = arith.constant 0 : i32
    %dma_wait3A_915 = tpu.memref_slice %arg8[%dma_wait3A_913, %dma_wait3A_914] : memref<79x128xi32, #tpu.memory_space<vmem>> -> memref<1x128xi32, #tpu.memory_space<vmem>>
    %dma_wait3A_916 = tpu.memref_squeeze %dma_wait3A_915 : memref<1x128xi32, #tpu.memory_space<vmem>> -> memref<128xi32, #tpu.memory_space<vmem>>
    %dma_wait3A_917 = arith.constant 0 : i32
    %dma_wait3A_918 = tpu.memref_slice %arg11[%dma_wait3A_917] : memref<204800xf32, #tpu.memory_space<vmem_shared>> -> memref<204800xf32, #tpu.memory_space<vmem_shared>>
    tpu.wait_indirect_dma semaphore(%arg12 : memref<!tpu.dma_semaphore, #tpu.memory_space<semaphore_mem>>) src(%arg9 : memref<128xf32, #tpu.memory_space<vmem>>) dst(%dma_wait3A_918 : memref<204800xf32, #tpu.memory_space<vmem_shared>>)
    %dma_wait3A_919 = arith.constant 52 : i32
    %dma_wait3A_920 = arith.constant 0 : i32
    %dma_wait3A_921 = tpu.memref_slice %arg8[%dma_wait3A_919, %dma_wait3A_920] : memref<79x128xi32, #tpu.memory_space<vmem>> -> memref<1x128xi32, #tpu.memory_space<vmem>>
    %dma_wait3A_922 = tpu.memref_squeeze %dma_wait3A_921 : memref<1x128xi32, #tpu.memory_space<vmem>> -> memref<128xi32, #tpu.memory_space<vmem>>
    %dma_wait3A_923 = arith.constant 0 : i32
    %dma_wait3A_924 = tpu.memref_slice %arg11[%dma_wait3A_923] : memref<204800xf32, #tpu.memory_space<vmem_shared>> -> memref<204800xf32, #tpu.memory_space<vmem_shared>>
    tpu.wait_indirect_dma semaphore(%arg12 : memref<!tpu.dma_semaphore, #tpu.memory_space<semaphore_mem>>) src(%arg9 : memref<128xf32, #tpu.memory_space<vmem>>) dst(%dma_wait3A_924 : memref<204800xf32, #tpu.memory_space<vmem_shared>>)
    %dma_wait3A_925 = arith.constant 53 : i32
    %dma_wait3A_926 = arith.constant 0 : i32
    %dma_wait3A_927 = tpu.memref_slice %arg8[%dma_wait3A_925, %dma_wait3A_926] : memref<79x128xi32, #tpu.memory_space<vmem>> -> memref<1x128xi32, #tpu.memory_space<vmem>>
    %dma_wait3A_928 = tpu.memref_squeeze %dma_wait3A_927 : memref<1x128xi32, #tpu.memory_space<vmem>> -> memref<128xi32, #tpu.memory_space<vmem>>
    %dma_wait3A_929 = arith.constant 0 : i32
    %dma_wait3A_930 = tpu.memref_slice %arg11[%dma_wait3A_929] : memref<204800xf32, #tpu.memory_space<vmem_shared>> -> memref<204800xf32, #tpu.memory_space<vmem_shared>>
    tpu.wait_indirect_dma semaphore(%arg12 : memref<!tpu.dma_semaphore, #tpu.memory_space<semaphore_mem>>) src(%arg9 : memref<128xf32, #tpu.memory_space<vmem>>) dst(%dma_wait3A_930 : memref<204800xf32, #tpu.memory_space<vmem_shared>>)
    %dma_wait3A_931 = arith.constant 54 : i32
    %dma_wait3A_932 = arith.constant 0 : i32
    %dma_wait3A_933 = tpu.memref_slice %arg8[%dma_wait3A_931, %dma_wait3A_932] : memref<79x128xi32, #tpu.memory_space<vmem>> -> memref<1x128xi32, #tpu.memory_space<vmem>>
    %dma_wait3A_934 = tpu.memref_squeeze %dma_wait3A_933 : memref<1x128xi32, #tpu.memory_space<vmem>> -> memref<128xi32, #tpu.memory_space<vmem>>
    %dma_wait3A_935 = arith.constant 0 : i32
    %dma_wait3A_936 = tpu.memref_slice %arg11[%dma_wait3A_935] : memref<204800xf32, #tpu.memory_space<vmem_shared>> -> memref<204800xf32, #tpu.memory_space<vmem_shared>>
    tpu.wait_indirect_dma semaphore(%arg12 : memref<!tpu.dma_semaphore, #tpu.memory_space<semaphore_mem>>) src(%arg9 : memref<128xf32, #tpu.memory_space<vmem>>) dst(%dma_wait3A_936 : memref<204800xf32, #tpu.memory_space<vmem_shared>>)
    %dma_wait3A_937 = arith.constant 55 : i32
    %dma_wait3A_938 = arith.constant 0 : i32
    %dma_wait3A_939 = tpu.memref_slice %arg8[%dma_wait3A_937, %dma_wait3A_938] : memref<79x128xi32, #tpu.memory_space<vmem>> -> memref<1x128xi32, #tpu.memory_space<vmem>>
    %dma_wait3A_940 = tpu.memref_squeeze %dma_wait3A_939 : memref<1x128xi32, #tpu.memory_space<vmem>> -> memref<128xi32, #tpu.memory_space<vmem>>
    %dma_wait3A_941 = arith.constant 0 : i32
    %dma_wait3A_942 = tpu.memref_slice %arg11[%dma_wait3A_941] : memref<204800xf32, #tpu.memory_space<vmem_shared>> -> memref<204800xf32, #tpu.memory_space<vmem_shared>>
    tpu.wait_indirect_dma semaphore(%arg12 : memref<!tpu.dma_semaphore, #tpu.memory_space<semaphore_mem>>) src(%arg9 : memref<128xf32, #tpu.memory_space<vmem>>) dst(%dma_wait3A_942 : memref<204800xf32, #tpu.memory_space<vmem_shared>>)
    %dma_wait3A_943 = arith.constant 56 : i32
    %dma_wait3A_944 = arith.constant 0 : i32
    %dma_wait3A_945 = tpu.memref_slice %arg8[%dma_wait3A_943, %dma_wait3A_944] : memref<79x128xi32, #tpu.memory_space<vmem>> -> memref<1x128xi32, #tpu.memory_space<vmem>>
    %dma_wait3A_946 = tpu.memref_squeeze %dma_wait3A_945 : memref<1x128xi32, #tpu.memory_space<vmem>> -> memref<128xi32, #tpu.memory_space<vmem>>
    %dma_wait3A_947 = arith.constant 0 : i32
    %dma_wait3A_948 = tpu.memref_slice %arg11[%dma_wait3A_947] : memref<204800xf32, #tpu.memory_space<vmem_shared>> -> memref<204800xf32, #tpu.memory_space<vmem_shared>>
    tpu.wait_indirect_dma semaphore(%arg12 : memref<!tpu.dma_semaphore, #tpu.memory_space<semaphore_mem>>) src(%arg9 : memref<128xf32, #tpu.memory_space<vmem>>) dst(%dma_wait3A_948 : memref<204800xf32, #tpu.memory_space<vmem_shared>>)
    %dma_wait3A_949 = arith.constant 57 : i32
    %dma_wait3A_950 = arith.constant 0 : i32
    %dma_wait3A_951 = tpu.memref_slice %arg8[%dma_wait3A_949, %dma_wait3A_950] : memref<79x128xi32, #tpu.memory_space<vmem>> -> memref<1x128xi32, #tpu.memory_space<vmem>>
    %dma_wait3A_952 = tpu.memref_squeeze %dma_wait3A_951 : memref<1x128xi32, #tpu.memory_space<vmem>> -> memref<128xi32, #tpu.memory_space<vmem>>
    %dma_wait3A_953 = arith.constant 0 : i32
    %dma_wait3A_954 = tpu.memref_slice %arg11[%dma_wait3A_953] : memref<204800xf32, #tpu.memory_space<vmem_shared>> -> memref<204800xf32, #tpu.memory_space<vmem_shared>>
    tpu.wait_indirect_dma semaphore(%arg12 : memref<!tpu.dma_semaphore, #tpu.memory_space<semaphore_mem>>) src(%arg9 : memref<128xf32, #tpu.memory_space<vmem>>) dst(%dma_wait3A_954 : memref<204800xf32, #tpu.memory_space<vmem_shared>>)
    %dma_wait3A_955 = arith.constant 58 : i32
    %dma_wait3A_956 = arith.constant 0 : i32
    %dma_wait3A_957 = tpu.memref_slice %arg8[%dma_wait3A_955, %dma_wait3A_956] : memref<79x128xi32, #tpu.memory_space<vmem>> -> memref<1x128xi32, #tpu.memory_space<vmem>>
    %dma_wait3A_958 = tpu.memref_squeeze %dma_wait3A_957 : memref<1x128xi32, #tpu.memory_space<vmem>> -> memref<128xi32, #tpu.memory_space<vmem>>
    %dma_wait3A_959 = arith.constant 0 : i32
    %dma_wait3A_960 = tpu.memref_slice %arg11[%dma_wait3A_959] : memref<204800xf32, #tpu.memory_space<vmem_shared>> -> memref<204800xf32, #tpu.memory_space<vmem_shared>>
    tpu.wait_indirect_dma semaphore(%arg12 : memref<!tpu.dma_semaphore, #tpu.memory_space<semaphore_mem>>) src(%arg9 : memref<128xf32, #tpu.memory_space<vmem>>) dst(%dma_wait3A_960 : memref<204800xf32, #tpu.memory_space<vmem_shared>>)
    %dma_wait3A_961 = arith.constant 59 : i32
    %dma_wait3A_962 = arith.constant 0 : i32
    %dma_wait3A_963 = tpu.memref_slice %arg8[%dma_wait3A_961, %dma_wait3A_962] : memref<79x128xi32, #tpu.memory_space<vmem>> -> memref<1x128xi32, #tpu.memory_space<vmem>>
    %dma_wait3A_964 = tpu.memref_squeeze %dma_wait3A_963 : memref<1x128xi32, #tpu.memory_space<vmem>> -> memref<128xi32, #tpu.memory_space<vmem>>
    %dma_wait3A_965 = arith.constant 0 : i32
    %dma_wait3A_966 = tpu.memref_slice %arg11[%dma_wait3A_965] : memref<204800xf32, #tpu.memory_space<vmem_shared>> -> memref<204800xf32, #tpu.memory_space<vmem_shared>>
    tpu.wait_indirect_dma semaphore(%arg12 : memref<!tpu.dma_semaphore, #tpu.memory_space<semaphore_mem>>) src(%arg9 : memref<128xf32, #tpu.memory_space<vmem>>) dst(%dma_wait3A_966 : memref<204800xf32, #tpu.memory_space<vmem_shared>>)
    %dma_wait3A_967 = arith.constant 60 : i32
    %dma_wait3A_968 = arith.constant 0 : i32
    %dma_wait3A_969 = tpu.memref_slice %arg8[%dma_wait3A_967, %dma_wait3A_968] : memref<79x128xi32, #tpu.memory_space<vmem>> -> memref<1x128xi32, #tpu.memory_space<vmem>>
    %dma_wait3A_970 = tpu.memref_squeeze %dma_wait3A_969 : memref<1x128xi32, #tpu.memory_space<vmem>> -> memref<128xi32, #tpu.memory_space<vmem>>
    %dma_wait3A_971 = arith.constant 0 : i32
    %dma_wait3A_972 = tpu.memref_slice %arg11[%dma_wait3A_971] : memref<204800xf32, #tpu.memory_space<vmem_shared>> -> memref<204800xf32, #tpu.memory_space<vmem_shared>>
    tpu.wait_indirect_dma semaphore(%arg12 : memref<!tpu.dma_semaphore, #tpu.memory_space<semaphore_mem>>) src(%arg9 : memref<128xf32, #tpu.memory_space<vmem>>) dst(%dma_wait3A_972 : memref<204800xf32, #tpu.memory_space<vmem_shared>>)
    %dma_wait3A_973 = arith.constant 61 : i32
    %dma_wait3A_974 = arith.constant 0 : i32
    %dma_wait3A_975 = tpu.memref_slice %arg8[%dma_wait3A_973, %dma_wait3A_974] : memref<79x128xi32, #tpu.memory_space<vmem>> -> memref<1x128xi32, #tpu.memory_space<vmem>>
    %dma_wait3A_976 = tpu.memref_squeeze %dma_wait3A_975 : memref<1x128xi32, #tpu.memory_space<vmem>> -> memref<128xi32, #tpu.memory_space<vmem>>
    %dma_wait3A_977 = arith.constant 0 : i32
    %dma_wait3A_978 = tpu.memref_slice %arg11[%dma_wait3A_977] : memref<204800xf32, #tpu.memory_space<vmem_shared>> -> memref<204800xf32, #tpu.memory_space<vmem_shared>>
    tpu.wait_indirect_dma semaphore(%arg12 : memref<!tpu.dma_semaphore, #tpu.memory_space<semaphore_mem>>) src(%arg9 : memref<128xf32, #tpu.memory_space<vmem>>) dst(%dma_wait3A_978 : memref<204800xf32, #tpu.memory_space<vmem_shared>>)
    %dma_wait3A_979 = arith.constant 62 : i32
    %dma_wait3A_980 = arith.constant 0 : i32
    %dma_wait3A_981 = tpu.memref_slice %arg8[%dma_wait3A_979, %dma_wait3A_980] : memref<79x128xi32, #tpu.memory_space<vmem>> -> memref<1x128xi32, #tpu.memory_space<vmem>>
    %dma_wait3A_982 = tpu.memref_squeeze %dma_wait3A_981 : memref<1x128xi32, #tpu.memory_space<vmem>> -> memref<128xi32, #tpu.memory_space<vmem>>
    %dma_wait3A_983 = arith.constant 0 : i32
    %dma_wait3A_984 = tpu.memref_slice %arg11[%dma_wait3A_983] : memref<204800xf32, #tpu.memory_space<vmem_shared>> -> memref<204800xf32, #tpu.memory_space<vmem_shared>>
    tpu.wait_indirect_dma semaphore(%arg12 : memref<!tpu.dma_semaphore, #tpu.memory_space<semaphore_mem>>) src(%arg9 : memref<128xf32, #tpu.memory_space<vmem>>) dst(%dma_wait3A_984 : memref<204800xf32, #tpu.memory_space<vmem_shared>>)
    %dma_wait3A_985 = arith.constant 63 : i32
    %dma_wait3A_986 = arith.constant 0 : i32
    %dma_wait3A_987 = tpu.memref_slice %arg8[%dma_wait3A_985, %dma_wait3A_986] : memref<79x128xi32, #tpu.memory_space<vmem>> -> memref<1x128xi32, #tpu.memory_space<vmem>>
    %dma_wait3A_988 = tpu.memref_squeeze %dma_wait3A_987 : memref<1x128xi32, #tpu.memory_space<vmem>> -> memref<128xi32, #tpu.memory_space<vmem>>
    %dma_wait3A_989 = arith.constant 0 : i32
    %dma_wait3A_990 = tpu.memref_slice %arg11[%dma_wait3A_989] : memref<204800xf32, #tpu.memory_space<vmem_shared>> -> memref<204800xf32, #tpu.memory_space<vmem_shared>>
    tpu.wait_indirect_dma semaphore(%arg12 : memref<!tpu.dma_semaphore, #tpu.memory_space<semaphore_mem>>) src(%arg9 : memref<128xf32, #tpu.memory_space<vmem>>) dst(%dma_wait3A_990 : memref<204800xf32, #tpu.memory_space<vmem_shared>>)
    %dma_wait3A_991 = arith.constant 64 : i32
    %dma_wait3A_992 = arith.constant 0 : i32
    %dma_wait3A_993 = tpu.memref_slice %arg8[%dma_wait3A_991, %dma_wait3A_992] : memref<79x128xi32, #tpu.memory_space<vmem>> -> memref<1x128xi32, #tpu.memory_space<vmem>>
    %dma_wait3A_994 = tpu.memref_squeeze %dma_wait3A_993 : memref<1x128xi32, #tpu.memory_space<vmem>> -> memref<128xi32, #tpu.memory_space<vmem>>
    %dma_wait3A_995 = arith.constant 0 : i32
    %dma_wait3A_996 = tpu.memref_slice %arg11[%dma_wait3A_995] : memref<204800xf32, #tpu.memory_space<vmem_shared>> -> memref<204800xf32, #tpu.memory_space<vmem_shared>>
    tpu.wait_indirect_dma semaphore(%arg12 : memref<!tpu.dma_semaphore, #tpu.memory_space<semaphore_mem>>) src(%arg9 : memref<128xf32, #tpu.memory_space<vmem>>) dst(%dma_wait3A_996 : memref<204800xf32, #tpu.memory_space<vmem_shared>>)
    %dma_wait3A_997 = arith.constant 65 : i32
    %dma_wait3A_998 = arith.constant 0 : i32
    %dma_wait3A_999 = tpu.memref_slice %arg8[%dma_wait3A_997, %dma_wait3A_998] : memref<79x128xi32, #tpu.memory_space<vmem>> -> memref<1x128xi32, #tpu.memory_space<vmem>>
    %dma_wait3A_1000 = tpu.memref_squeeze %dma_wait3A_999 : memref<1x128xi32, #tpu.memory_space<vmem>> -> memref<128xi32, #tpu.memory_space<vmem>>
    %dma_wait3A_1001 = arith.constant 0 : i32
    %dma_wait3A_1002 = tpu.memref_slice %arg11[%dma_wait3A_1001] : memref<204800xf32, #tpu.memory_space<vmem_shared>> -> memref<204800xf32, #tpu.memory_space<vmem_shared>>
    tpu.wait_indirect_dma semaphore(%arg12 : memref<!tpu.dma_semaphore, #tpu.memory_space<semaphore_mem>>) src(%arg9 : memref<128xf32, #tpu.memory_space<vmem>>) dst(%dma_wait3A_1002 : memref<204800xf32, #tpu.memory_space<vmem_shared>>)
    %dma_wait3A_1003 = arith.constant 66 : i32
    %dma_wait3A_1004 = arith.constant 0 : i32
    %dma_wait3A_1005 = tpu.memref_slice %arg8[%dma_wait3A_1003, %dma_wait3A_1004] : memref<79x128xi32, #tpu.memory_space<vmem>> -> memref<1x128xi32, #tpu.memory_space<vmem>>
    %dma_wait3A_1006 = tpu.memref_squeeze %dma_wait3A_1005 : memref<1x128xi32, #tpu.memory_space<vmem>> -> memref<128xi32, #tpu.memory_space<vmem>>
    %dma_wait3A_1007 = arith.constant 0 : i32
    %dma_wait3A_1008 = tpu.memref_slice %arg11[%dma_wait3A_1007] : memref<204800xf32, #tpu.memory_space<vmem_shared>> -> memref<204800xf32, #tpu.memory_space<vmem_shared>>
    tpu.wait_indirect_dma semaphore(%arg12 : memref<!tpu.dma_semaphore, #tpu.memory_space<semaphore_mem>>) src(%arg9 : memref<128xf32, #tpu.memory_space<vmem>>) dst(%dma_wait3A_1008 : memref<204800xf32, #tpu.memory_space<vmem_shared>>)
    %dma_wait3A_1009 = arith.constant 67 : i32
    %dma_wait3A_1010 = arith.constant 0 : i32
    %dma_wait3A_1011 = tpu.memref_slice %arg8[%dma_wait3A_1009, %dma_wait3A_1010] : memref<79x128xi32, #tpu.memory_space<vmem>> -> memref<1x128xi32, #tpu.memory_space<vmem>>
    %dma_wait3A_1012 = tpu.memref_squeeze %dma_wait3A_1011 : memref<1x128xi32, #tpu.memory_space<vmem>> -> memref<128xi32, #tpu.memory_space<vmem>>
    %dma_wait3A_1013 = arith.constant 0 : i32
    %dma_wait3A_1014 = tpu.memref_slice %arg11[%dma_wait3A_1013] : memref<204800xf32, #tpu.memory_space<vmem_shared>> -> memref<204800xf32, #tpu.memory_space<vmem_shared>>
    tpu.wait_indirect_dma semaphore(%arg12 : memref<!tpu.dma_semaphore, #tpu.memory_space<semaphore_mem>>) src(%arg9 : memref<128xf32, #tpu.memory_space<vmem>>) dst(%dma_wait3A_1014 : memref<204800xf32, #tpu.memory_space<vmem_shared>>)
    %dma_wait3A_1015 = arith.constant 68 : i32
    %dma_wait3A_1016 = arith.constant 0 : i32
    %dma_wait3A_1017 = tpu.memref_slice %arg8[%dma_wait3A_1015, %dma_wait3A_1016] : memref<79x128xi32, #tpu.memory_space<vmem>> -> memref<1x128xi32, #tpu.memory_space<vmem>>
    %dma_wait3A_1018 = tpu.memref_squeeze %dma_wait3A_1017 : memref<1x128xi32, #tpu.memory_space<vmem>> -> memref<128xi32, #tpu.memory_space<vmem>>
    %dma_wait3A_1019 = arith.constant 0 : i32
    %dma_wait3A_1020 = tpu.memref_slice %arg11[%dma_wait3A_1019] : memref<204800xf32, #tpu.memory_space<vmem_shared>> -> memref<204800xf32, #tpu.memory_space<vmem_shared>>
    tpu.wait_indirect_dma semaphore(%arg12 : memref<!tpu.dma_semaphore, #tpu.memory_space<semaphore_mem>>) src(%arg9 : memref<128xf32, #tpu.memory_space<vmem>>) dst(%dma_wait3A_1020 : memref<204800xf32, #tpu.memory_space<vmem_shared>>)
    %dma_wait3A_1021 = arith.constant 69 : i32
    %dma_wait3A_1022 = arith.constant 0 : i32
    %dma_wait3A_1023 = tpu.memref_slice %arg8[%dma_wait3A_1021, %dma_wait3A_1022] : memref<79x128xi32, #tpu.memory_space<vmem>> -> memref<1x128xi32, #tpu.memory_space<vmem>>
    %dma_wait3A_1024 = tpu.memref_squeeze %dma_wait3A_1023 : memref<1x128xi32, #tpu.memory_space<vmem>> -> memref<128xi32, #tpu.memory_space<vmem>>
    %dma_wait3A_1025 = arith.constant 0 : i32
    %dma_wait3A_1026 = tpu.memref_slice %arg11[%dma_wait3A_1025] : memref<204800xf32, #tpu.memory_space<vmem_shared>> -> memref<204800xf32, #tpu.memory_space<vmem_shared>>
    tpu.wait_indirect_dma semaphore(%arg12 : memref<!tpu.dma_semaphore, #tpu.memory_space<semaphore_mem>>) src(%arg9 : memref<128xf32, #tpu.memory_space<vmem>>) dst(%dma_wait3A_1026 : memref<204800xf32, #tpu.memory_space<vmem_shared>>)
    %dma_wait3A_1027 = arith.constant 70 : i32
    %dma_wait3A_1028 = arith.constant 0 : i32
    %dma_wait3A_1029 = tpu.memref_slice %arg8[%dma_wait3A_1027, %dma_wait3A_1028] : memref<79x128xi32, #tpu.memory_space<vmem>> -> memref<1x128xi32, #tpu.memory_space<vmem>>
    %dma_wait3A_1030 = tpu.memref_squeeze %dma_wait3A_1029 : memref<1x128xi32, #tpu.memory_space<vmem>> -> memref<128xi32, #tpu.memory_space<vmem>>
    %dma_wait3A_1031 = arith.constant 0 : i32
    %dma_wait3A_1032 = tpu.memref_slice %arg11[%dma_wait3A_1031] : memref<204800xf32, #tpu.memory_space<vmem_shared>> -> memref<204800xf32, #tpu.memory_space<vmem_shared>>
    tpu.wait_indirect_dma semaphore(%arg12 : memref<!tpu.dma_semaphore, #tpu.memory_space<semaphore_mem>>) src(%arg9 : memref<128xf32, #tpu.memory_space<vmem>>) dst(%dma_wait3A_1032 : memref<204800xf32, #tpu.memory_space<vmem_shared>>)
    %dma_wait3A_1033 = arith.constant 71 : i32
    %dma_wait3A_1034 = arith.constant 0 : i32
    %dma_wait3A_1035 = tpu.memref_slice %arg8[%dma_wait3A_1033, %dma_wait3A_1034] : memref<79x128xi32, #tpu.memory_space<vmem>> -> memref<1x128xi32, #tpu.memory_space<vmem>>
    %dma_wait3A_1036 = tpu.memref_squeeze %dma_wait3A_1035 : memref<1x128xi32, #tpu.memory_space<vmem>> -> memref<128xi32, #tpu.memory_space<vmem>>
    %dma_wait3A_1037 = arith.constant 0 : i32
    %dma_wait3A_1038 = tpu.memref_slice %arg11[%dma_wait3A_1037] : memref<204800xf32, #tpu.memory_space<vmem_shared>> -> memref<204800xf32, #tpu.memory_space<vmem_shared>>
    tpu.wait_indirect_dma semaphore(%arg12 : memref<!tpu.dma_semaphore, #tpu.memory_space<semaphore_mem>>) src(%arg9 : memref<128xf32, #tpu.memory_space<vmem>>) dst(%dma_wait3A_1038 : memref<204800xf32, #tpu.memory_space<vmem_shared>>)
    %dma_wait3A_1039 = arith.constant 72 : i32
    %dma_wait3A_1040 = arith.constant 0 : i32
    %dma_wait3A_1041 = tpu.memref_slice %arg8[%dma_wait3A_1039, %dma_wait3A_1040] : memref<79x128xi32, #tpu.memory_space<vmem>> -> memref<1x128xi32, #tpu.memory_space<vmem>>
    %dma_wait3A_1042 = tpu.memref_squeeze %dma_wait3A_1041 : memref<1x128xi32, #tpu.memory_space<vmem>> -> memref<128xi32, #tpu.memory_space<vmem>>
    %dma_wait3A_1043 = arith.constant 0 : i32
    %dma_wait3A_1044 = tpu.memref_slice %arg11[%dma_wait3A_1043] : memref<204800xf32, #tpu.memory_space<vmem_shared>> -> memref<204800xf32, #tpu.memory_space<vmem_shared>>
    tpu.wait_indirect_dma semaphore(%arg12 : memref<!tpu.dma_semaphore, #tpu.memory_space<semaphore_mem>>) src(%arg9 : memref<128xf32, #tpu.memory_space<vmem>>) dst(%dma_wait3A_1044 : memref<204800xf32, #tpu.memory_space<vmem_shared>>)
    %dma_wait3A_1045 = arith.constant 73 : i32
    %dma_wait3A_1046 = arith.constant 0 : i32
    %dma_wait3A_1047 = tpu.memref_slice %arg8[%dma_wait3A_1045, %dma_wait3A_1046] : memref<79x128xi32, #tpu.memory_space<vmem>> -> memref<1x128xi32, #tpu.memory_space<vmem>>
    %dma_wait3A_1048 = tpu.memref_squeeze %dma_wait3A_1047 : memref<1x128xi32, #tpu.memory_space<vmem>> -> memref<128xi32, #tpu.memory_space<vmem>>
    %dma_wait3A_1049 = arith.constant 0 : i32
    %dma_wait3A_1050 = tpu.memref_slice %arg11[%dma_wait3A_1049] : memref<204800xf32, #tpu.memory_space<vmem_shared>> -> memref<204800xf32, #tpu.memory_space<vmem_shared>>
    tpu.wait_indirect_dma semaphore(%arg12 : memref<!tpu.dma_semaphore, #tpu.memory_space<semaphore_mem>>) src(%arg9 : memref<128xf32, #tpu.memory_space<vmem>>) dst(%dma_wait3A_1050 : memref<204800xf32, #tpu.memory_space<vmem_shared>>)
    %dma_wait3A_1051 = arith.constant 74 : i32
    %dma_wait3A_1052 = arith.constant 0 : i32
    %dma_wait3A_1053 = tpu.memref_slice %arg8[%dma_wait3A_1051, %dma_wait3A_1052] : memref<79x128xi32, #tpu.memory_space<vmem>> -> memref<1x128xi32, #tpu.memory_space<vmem>>
    %dma_wait3A_1054 = tpu.memref_squeeze %dma_wait3A_1053 : memref<1x128xi32, #tpu.memory_space<vmem>> -> memref<128xi32, #tpu.memory_space<vmem>>
    %dma_wait3A_1055 = arith.constant 0 : i32
    %dma_wait3A_1056 = tpu.memref_slice %arg11[%dma_wait3A_1055] : memref<204800xf32, #tpu.memory_space<vmem_shared>> -> memref<204800xf32, #tpu.memory_space<vmem_shared>>
    tpu.wait_indirect_dma semaphore(%arg12 : memref<!tpu.dma_semaphore, #tpu.memory_space<semaphore_mem>>) src(%arg9 : memref<128xf32, #tpu.memory_space<vmem>>) dst(%dma_wait3A_1056 : memref<204800xf32, #tpu.memory_space<vmem_shared>>)
    %dma_wait3A_1057 = arith.constant 75 : i32
    %dma_wait3A_1058 = arith.constant 0 : i32
    %dma_wait3A_1059 = tpu.memref_slice %arg8[%dma_wait3A_1057, %dma_wait3A_1058] : memref<79x128xi32, #tpu.memory_space<vmem>> -> memref<1x128xi32, #tpu.memory_space<vmem>>
    %dma_wait3A_1060 = tpu.memref_squeeze %dma_wait3A_1059 : memref<1x128xi32, #tpu.memory_space<vmem>> -> memref<128xi32, #tpu.memory_space<vmem>>
    %dma_wait3A_1061 = arith.constant 0 : i32
    %dma_wait3A_1062 = tpu.memref_slice %arg11[%dma_wait3A_1061] : memref<204800xf32, #tpu.memory_space<vmem_shared>> -> memref<204800xf32, #tpu.memory_space<vmem_shared>>
    tpu.wait_indirect_dma semaphore(%arg12 : memref<!tpu.dma_semaphore, #tpu.memory_space<semaphore_mem>>) src(%arg9 : memref<128xf32, #tpu.memory_space<vmem>>) dst(%dma_wait3A_1062 : memref<204800xf32, #tpu.memory_space<vmem_shared>>)
    %dma_wait3A_1063 = arith.constant 76 : i32
    %dma_wait3A_1064 = arith.constant 0 : i32
    %dma_wait3A_1065 = tpu.memref_slice %arg8[%dma_wait3A_1063, %dma_wait3A_1064] : memref<79x128xi32, #tpu.memory_space<vmem>> -> memref<1x128xi32, #tpu.memory_space<vmem>>
    %dma_wait3A_1066 = tpu.memref_squeeze %dma_wait3A_1065 : memref<1x128xi32, #tpu.memory_space<vmem>> -> memref<128xi32, #tpu.memory_space<vmem>>
    %dma_wait3A_1067 = arith.constant 0 : i32
    %dma_wait3A_1068 = tpu.memref_slice %arg11[%dma_wait3A_1067] : memref<204800xf32, #tpu.memory_space<vmem_shared>> -> memref<204800xf32, #tpu.memory_space<vmem_shared>>
    tpu.wait_indirect_dma semaphore(%arg12 : memref<!tpu.dma_semaphore, #tpu.memory_space<semaphore_mem>>) src(%arg9 : memref<128xf32, #tpu.memory_space<vmem>>) dst(%dma_wait3A_1068 : memref<204800xf32, #tpu.memory_space<vmem_shared>>)
    %dma_wait3A_1069 = arith.constant 77 : i32
    %dma_wait3A_1070 = arith.constant 0 : i32
    %dma_wait3A_1071 = tpu.memref_slice %arg8[%dma_wait3A_1069, %dma_wait3A_1070] : memref<79x128xi32, #tpu.memory_space<vmem>> -> memref<1x128xi32, #tpu.memory_space<vmem>>
    %dma_wait3A_1072 = tpu.memref_squeeze %dma_wait3A_1071 : memref<1x128xi32, #tpu.memory_space<vmem>> -> memref<128xi32, #tpu.memory_space<vmem>>
    %dma_wait3A_1073 = arith.constant 0 : i32
    %dma_wait3A_1074 = tpu.memref_slice %arg11[%dma_wait3A_1073] : memref<204800xf32, #tpu.memory_space<vmem_shared>> -> memref<204800xf32, #tpu.memory_space<vmem_shared>>
    tpu.wait_indirect_dma semaphore(%arg12 : memref<!tpu.dma_semaphore, #tpu.memory_space<semaphore_mem>>) src(%arg9 : memref<128xf32, #tpu.memory_space<vmem>>) dst(%dma_wait3A_1074 : memref<204800xf32, #tpu.memory_space<vmem_shared>>)
    %dma_wait3A_1075 = arith.constant 78 : i32
    %dma_wait3A_1076 = arith.constant 0 : i32
    %dma_wait3A_1077 = tpu.memref_slice %arg8[%dma_wait3A_1075, %dma_wait3A_1076] : memref<79x128xi32, #tpu.memory_space<vmem>> -> memref<1x128xi32, #tpu.memory_space<vmem>>
    %dma_wait3A_1078 = tpu.memref_squeeze %dma_wait3A_1077 : memref<1x128xi32, #tpu.memory_space<vmem>> -> memref<128xi32, #tpu.memory_space<vmem>>
    %dma_wait3A_1079 = arith.constant 0 : i32
    %dma_wait3A_1080 = tpu.memref_slice %arg11[%dma_wait3A_1079] : memref<204800xf32, #tpu.memory_space<vmem_shared>> -> memref<204800xf32, #tpu.memory_space<vmem_shared>>
    tpu.wait_indirect_dma semaphore(%arg12 : memref<!tpu.dma_semaphore, #tpu.memory_space<semaphore_mem>>) src(%arg9 : memref<128xf32, #tpu.memory_space<vmem>>) dst(%dma_wait3A_1080 : memref<204800xf32, #tpu.memory_space<vmem_shared>>)
    %barrier3A_1081 = arith.constant 0 : index
    tpu.barrier barrier_id(%barrier3A_1081)
    %mul3A_1082 = arith.constant 12800 : i32
    %mul3A_1083 = arith.muli %arg1, %mul3A_1082 : i32
    "tpu.region"() ({
      %run_scoped3A = tpu.sem_alloc : memref<!tpu.dma_semaphore, #tpu.memory_space<semaphore_mem>>
      %dma_start3A_1087 = tpu.memref_slice %arg11[%mul3A_1083] : memref<204800xf32, #tpu.memory_space<vmem_shared>> -> memref<12800xf32, #tpu.memory_space<vmem_shared>>
      %dma_start3A_1088 = tpu.memref_slice %arg11[%mul3A_1083] : memref<204800xf32, #tpu.memory_space<vmem_shared>> -> memref<12800xf32, #tpu.memory_space<vmem_shared>>
      tpu.enqueue_dma source(%dma_start3A_1088 : memref<12800xf32, #tpu.memory_space<vmem_shared>>) target(%arg10 : memref<12800xf32, #tpu.memory_space<vmem>>) target_semaphore(%run_scoped3A : memref<!tpu.dma_semaphore, #tpu.memory_space<semaphore_mem>>)
      %dma_wait3A_1089 = tpu.memref_slice %arg11[%mul3A_1083] : memref<204800xf32, #tpu.memory_space<vmem_shared>> -> memref<12800xf32, #tpu.memory_space<vmem_shared>>
      %dma_wait3A_1090 = tpu.memref_slice %arg11[%mul3A_1083] : memref<204800xf32, #tpu.memory_space<vmem_shared>> -> memref<12800xf32, #tpu.memory_space<vmem_shared>>
      tpu.wait_dma2 semaphore(%run_scoped3A : memref<!tpu.dma_semaphore, #tpu.memory_space<semaphore_mem>>) src(%dma_wait3A_1090 : memref<12800xf32, #tpu.memory_space<vmem_shared>>) dst(%arg10 : memref<12800xf32, #tpu.memory_space<vmem>>)
      tpu.yield
    }) : () -> ()
    %mul3A_1084 = arith.constant 204800 : i32
    %mul3A_1085 = arith.muli %arg0, %mul3A_1084 : i32
    %add3A_1086 = arith.addi %mul3A_1085, %mul3A_1083 : i32
    "tpu.region"() ({
      %run_scoped3A = tpu.sem_alloc : memref<!tpu.dma_semaphore, #tpu.memory_space<semaphore_mem>>
      %dma_start3A_1087 = tpu.memref_slice %arg5[%add3A_1086] : memref<409600xf32, #tpu.memory_space<hbm>> -> memref<12800xf32, #tpu.memory_space<hbm>>
      %dma_start3A_1088 = tpu.memref_slice %arg5[%add3A_1086] : memref<409600xf32, #tpu.memory_space<hbm>> -> memref<12800xf32, #tpu.memory_space<hbm>>
      tpu.enqueue_dma source(%arg10 : memref<12800xf32, #tpu.memory_space<vmem>>) target(%dma_start3A_1088 : memref<12800xf32, #tpu.memory_space<hbm>>) target_semaphore(%run_scoped3A : memref<!tpu.dma_semaphore, #tpu.memory_space<semaphore_mem>>)
      %dma_wait3A_1089 = tpu.memref_slice %arg5[%add3A_1086] : memref<409600xf32, #tpu.memory_space<hbm>> -> memref<12800xf32, #tpu.memory_space<hbm>>
      %dma_wait3A_1090 = tpu.memref_slice %arg5[%add3A_1086] : memref<409600xf32, #tpu.memory_space<hbm>> -> memref<12800xf32, #tpu.memory_space<hbm>>
      tpu.wait_dma2 semaphore(%run_scoped3A : memref<!tpu.dma_semaphore, #tpu.memory_space<semaphore_mem>>) src(%arg10 : memref<12800xf32, #tpu.memory_space<vmem>>) dst(%dma_wait3A_1090 : memref<12800xf32, #tpu.memory_space<hbm>>)
      tpu.yield
    }) : () -> ()
    return
  }
}

module attributes {stable_mosaic.version = 14 : i64} {
  func.func @_tc_body(%arg0: i32, %arg1: memref<1024x128xf32, #tpu.memory_space<vmem>>, %arg2: memref<40x1024xf32, #tpu.memory_space<vmem>>, %arg3: memref<20x9xf32, #tpu.memory_space<vmem>>, %arg4: memref<128x8xf32, #tpu.memory_space<vmem>>, %arg5: memref<1x8xf32, #tpu.memory_space<vmem>>, %arg6: memref<8x128x256xbf16, #tpu.memory_space<vmem>>, %arg7: memref<1x2048xf32, #tpu.memory_space<vmem>>, %arg8: memref<2048x128xbf16, #tpu.memory_space<vmem>>, %arg9: memref<8x128xf32, #tpu.memory_space<vmem>>, %arg10: memref<8x2048xf32, #tpu.memory_space<vmem>>, %arg11: memref<1x128xf32, #tpu.memory_space<vmem>>, %arg12: memref<1x128xf32, #tpu.memory_space<vmem>>, %arg13: memref<1024x128xf32, #tpu.memory_space<vmem>>) attributes {dimension_semantics = [#tpu.dimension_semantics<arbitrary>], iteration_bounds = array<i64: 10>, scalar_prefetch = 0 : i64, scratch_operands = 0 : i64, tpu.core_type = #tpu.core_type<tc>, window_params = [{transform_indices = @transform_0, window_bounds = array<i64: 1024, 128>}, {transform_indices = @transform_1, window_bounds = array<i64: 40, 1024>}, {pipeline_mode = #tpu.pipeline_mode<synchronous>, transform_indices = @transform_2, window_bounds = array<i64: 20, 9>}, {pipeline_mode = #tpu.pipeline_mode<synchronous>, transform_indices = @transform_3, window_bounds = array<i64: 128, 8>}, {pipeline_mode = #tpu.pipeline_mode<synchronous>, transform_indices = @transform_4, window_bounds = array<i64: 1, 8>}, {pipeline_mode = #tpu.pipeline_mode<synchronous>, transform_indices = @transform_5, window_bounds = array<i64: 8, 128, 256>}, {pipeline_mode = #tpu.pipeline_mode<synchronous>, transform_indices = @transform_6, window_bounds = array<i64: 1, 2048>}, {pipeline_mode = #tpu.pipeline_mode<synchronous>, transform_indices = @transform_7, window_bounds = array<i64: 2048, 128>}, {pipeline_mode = #tpu.pipeline_mode<synchronous>, transform_indices = @transform_8, window_bounds = array<i64: 8, 128>}, {pipeline_mode = #tpu.pipeline_mode<synchronous>, transform_indices = @transform_9, window_bounds = array<i64: 8, 2048>}, {pipeline_mode = #tpu.pipeline_mode<synchronous>, transform_indices = @transform_10, window_bounds = array<i64: 1, 128>}, {pipeline_mode = #tpu.pipeline_mode<synchronous>, transform_indices = @transform_11, window_bounds = array<i64: 1, 128>}, {transform_indices = @transform_12, window_bounds = array<i64: 1024, 128>}]} {
    %get3A = arith.constant 0 : index
    %get3A_0 = arith.constant 0 : index
    %get3A_1 = vector.load %arg1[%get3A, %get3A_0] : memref<1024x128xf32, #tpu.memory_space<vmem>>, vector<1024x128xf32>
    %get3A_2 = arith.constant 0 : index
    %get3A_3 = arith.constant 0 : index
    %get3A_4 = vector.load %arg2[%get3A_2, %get3A_3] : memref<40x1024xf32, #tpu.memory_space<vmem>>, vector<20x1024xf32>
    %get3A_5 = arith.constant 20 : index
    %get3A_6 = arith.constant 0 : index
    %get3A_7 = vector.load %arg2[%get3A_5, %get3A_6] : memref<40x1024xf32, #tpu.memory_space<vmem>>, vector<20x1024xf32>
    %add3A = arith.addf %get3A_4, %get3A_7 : vector<20x1024xf32>
    %get3A_8 = arith.constant 0 : index
    %get3A_9 = arith.constant 0 : index
    %get3A_10 = vector.load %arg3[%get3A_8, %get3A_9] : memref<20x9xf32, #tpu.memory_space<vmem>>, vector<20x9xf32>
    %dot_general3A = arith.constant dense<0.000000e+00> : vector<1024x9xf32>
    %dot_general3A_11 = tpu.matmul %add3A, %get3A_10, %dot_general3A {dimension_numbers = #tpu.dot_dimension_numbers<[0], [0], [1], [1], [0, 1, 1, 1], [], []>, precision = #tpu.contract_precision<fp32>, transpose_lhs_hint = false} : vector<20x1024xf32>, vector<20x9xf32>, vector<1024x9xf32> -> vector<1024x9xf32>
    %slice3A = vector.extract_strided_slice %dot_general3A_11 {offsets = [0, 8], sizes = [1024, 1], strides = [1, 1]} : vector<1024x9xf32> to vector<1024x1xf32>
    %slice3A_12 = vector.extract_strided_slice %dot_general3A_11 {offsets = [0, 0], sizes = [1024, 8], strides = [1, 1]} : vector<1024x9xf32> to vector<1024x8xf32>
    %max3A = arith.constant 1.000000e+00 : f32
    %max3A_13 = vector.broadcast %max3A : f32 to vector<1024x1xf32>
    %max3A_14 = arith.maximumf %slice3A, %max3A_13 : vector<1024x1xf32>
    %div3A = vector.broadcast %max3A_14 : vector<1024x1xf32> to vector<1024x8xf32>
    %div3A_15 = arith.divf %slice3A_12, %div3A : vector<1024x8xf32>
    %get3A_16 = arith.constant 0 : index
    %get3A_17 = arith.constant 0 : index
    %get3A_18 = vector.load %arg4[%get3A_16, %get3A_17] : memref<128x8xf32, #tpu.memory_space<vmem>>, vector<128x8xf32>
    %dot_general3A_19 = arith.constant dense<0.000000e+00> : vector<1024x8xf32>
    %dot_general3A_20 = tpu.matmul %get3A_1, %get3A_18, %dot_general3A_19 {dimension_numbers = #tpu.dot_dimension_numbers<[1], [0], [0], [1], [0, 0, 1, 1], [], []>, transpose_lhs_hint = false} : vector<1024x128xf32>, vector<128x8xf32>, vector<1024x8xf32> -> vector<1024x8xf32>
    %get3A_21 = arith.constant 0 : index
    %get3A_22 = arith.constant 0 : index
    %get3A_23 = vector.load %arg5[%get3A_21, %get3A_22] : memref<1x8xf32, #tpu.memory_space<vmem>>, vector<1x8xf32>
    %add3A_24 = vector.broadcast %get3A_23 : vector<1x8xf32> to vector<1024x8xf32>
    %add3A_25 = arith.addf %dot_general3A_20, %add3A_24 : vector<1024x8xf32>
    %add3A_26 = arith.addf %add3A_25, %div3A_15 : vector<1024x8xf32>
    %iota3A = tpu.iota {dimensions = array<i32: 1>} : vector<1024x8xi32>
    %reduce_max3A = arith.constant dense<0xFF800000> : vector<1024xf32>
    %reduce_max3A_27 = vector.multi_reduction <maximumf>, %add3A_26, %reduce_max3A [1] : vector<1024x8xf32> to vector<1024xf32>
    %broadcast_in_dim3A = vector.shape_cast %reduce_max3A_27 : vector<1024xf32> to vector<1024x1xf32>
    %eq3A = vector.broadcast %broadcast_in_dim3A : vector<1024x1xf32> to vector<1024x8xf32>
    %eq3A_28 = arith.cmpf oeq, %add3A_26, %eq3A : vector<1024x8xf32>
    %jit3A = arith.constant 8 : i32
    %broadcast_in_dim3A_29 = vector.broadcast %jit3A : i32 to vector<1024x8xi32>
    %select_n3A = arith.select %eq3A_28, %iota3A, %broadcast_in_dim3A_29 : vector<1024x8xi1>, vector<1024x8xi32>
    %reduce_min3A = arith.constant dense<2147483647> : vector<1024xi32>
    %reduce_min3A_30 = vector.multi_reduction <minsi>, %select_n3A, %reduce_min3A [1] : vector<1024x8xi32> to vector<1024xi32>
    %broadcast_in_dim3A_31 = vector.shape_cast %reduce_min3A_30 : vector<1024xi32> to vector<1024x1xi32>
    %eq3A_32 = vector.broadcast %broadcast_in_dim3A_31 : vector<1024x1xi32> to vector<1024x8xi32>
    %eq3A_33 = arith.cmpi eq, %iota3A, %eq3A_32 : vector<1024x8xi32>
    %jit3A_34 = arith.constant 0xFF800000 : f32
    %broadcast_in_dim3A_35 = vector.broadcast %jit3A_34 : f32 to vector<1024x8xf32>
    %select_n3A_36 = arith.select %eq3A_33, %broadcast_in_dim3A_35, %add3A_26 : vector<1024x8xi1>, vector<1024x8xf32>
    %reduce_max3A_37 = arith.constant dense<0xFF800000> : vector<1024xf32>
    %reduce_max3A_38 = vector.multi_reduction <maximumf>, %select_n3A_36, %reduce_max3A_37 [1] : vector<1024x8xf32> to vector<1024xf32>
    %broadcast_in_dim3A_39 = vector.shape_cast %reduce_max3A_38 : vector<1024xf32> to vector<1024x1xf32>
    %eq3A_40 = vector.broadcast %broadcast_in_dim3A_39 : vector<1024x1xf32> to vector<1024x8xf32>
    %eq3A_41 = arith.cmpf oeq, %select_n3A_36, %eq3A_40 : vector<1024x8xf32>
    %jit3A_42 = arith.constant 8 : i32
    %broadcast_in_dim3A_43 = vector.broadcast %jit3A_42 : i32 to vector<1024x8xi32>
    %select_n3A_44 = arith.select %eq3A_41, %iota3A, %broadcast_in_dim3A_43 : vector<1024x8xi1>, vector<1024x8xi32>
    %reduce_min3A_45 = arith.constant dense<2147483647> : vector<1024xi32>
    %reduce_min3A_46 = vector.multi_reduction <minsi>, %select_n3A_44, %reduce_min3A_45 [1] : vector<1024x8xi32> to vector<1024xi32>
    %broadcast_in_dim3A_47 = vector.shape_cast %reduce_min3A_46 : vector<1024xi32> to vector<1024x1xi32>
    %sub3A = arith.subf %broadcast_in_dim3A_39, %broadcast_in_dim3A : vector<1024x1xf32>
    %exp3A = math.exp %sub3A : vector<1024x1xf32>
    %add3A_48 = arith.constant 1.000000e+00 : f32
    %add3A_49 = vector.broadcast %add3A_48 : f32 to vector<1024x1xf32>
    %add3A_50 = arith.addf %add3A_49, %exp3A : vector<1024x1xf32>
    %div3A_51 = arith.constant 1.000000e+00 : f32
    %div3A_52 = vector.broadcast %div3A_51 : f32 to vector<1024x1xf32>
    %div3A_53 = arith.divf %div3A_52, %add3A_50 : vector<1024x1xf32>
    %eq3A_54 = vector.broadcast %broadcast_in_dim3A_31 : vector<1024x1xi32> to vector<1024x8xi32>
    %eq3A_55 = arith.cmpi eq, %iota3A, %eq3A_54 : vector<1024x8xi32>
    %jit3A_56 = arith.constant 0.000000e+00 : f32
    %broadcast_in_dim3A_57 = vector.shape_cast %div3A_53 : vector<1024x1xf32> to vector<1024x1xf32>
    %broadcast_in_dim3A_58 = vector.broadcast %broadcast_in_dim3A_57 : vector<1024x1xf32> to vector<1024x8xf32>
    %broadcast_in_dim3A_59 = vector.broadcast %jit3A_56 : f32 to vector<1024x8xf32>
    %select_n3A_60 = arith.select %eq3A_55, %broadcast_in_dim3A_58, %broadcast_in_dim3A_59 : vector<1024x8xi1>, vector<1024x8xf32>
    %eq3A_61 = vector.broadcast %broadcast_in_dim3A_47 : vector<1024x1xi32> to vector<1024x8xi32>
    %eq3A_62 = arith.cmpi eq, %iota3A, %eq3A_61 : vector<1024x8xi32>
    %sub3A_63 = arith.constant 1.000000e+00 : f32
    %sub3A_64 = vector.broadcast %sub3A_63 : f32 to vector<1024x1xf32>
    %sub3A_65 = arith.subf %sub3A_64, %div3A_53 : vector<1024x1xf32>
    %jit3A_66 = arith.constant 0.000000e+00 : f32
    %broadcast_in_dim3A_67 = vector.shape_cast %sub3A_65 : vector<1024x1xf32> to vector<1024x1xf32>
    %broadcast_in_dim3A_68 = vector.broadcast %broadcast_in_dim3A_67 : vector<1024x1xf32> to vector<1024x8xf32>
    %broadcast_in_dim3A_69 = vector.broadcast %jit3A_66 : f32 to vector<1024x8xf32>
    %select_n3A_70 = arith.select %eq3A_62, %broadcast_in_dim3A_68, %broadcast_in_dim3A_69 : vector<1024x8xi1>, vector<1024x8xf32>
    %add3A_71 = arith.addf %select_n3A_60, %select_n3A_70 : vector<1024x8xf32>
    %convert_element_type3A = arith.truncf %get3A_1 : vector<1024x128xf32> to vector<1024x128xbf16>
    %get3A_72 = arith.constant 0 : index
    %get3A_73 = arith.constant 0 : index
    %get3A_74 = arith.constant 0 : index
    %get3A_75 = vector.load %arg6[%get3A_72, %get3A_73, %get3A_74] : memref<8x128x256xbf16, #tpu.memory_space<vmem>>, vector<1x128x256xbf16>
    %get3A_76 = vector.shape_cast %get3A_75 : vector<1x128x256xbf16> to vector<128x256xbf16>
    %dot_general3A_77 = arith.constant dense<0.000000e+00> : vector<1024x256xf32>
    %dot_general3A_78 = tpu.matmul %convert_element_type3A, %get3A_76, %dot_general3A_77 {dimension_numbers = #tpu.dot_dimension_numbers<[1], [0], [0], [1], [0, 0, 1, 1], [], []>, transpose_lhs_hint = false} : vector<1024x128xbf16>, vector<128x256xbf16>, vector<1024x256xf32> -> vector<1024x256xf32>
    %get3A_79 = arith.constant 1 : index
    %get3A_80 = arith.constant 0 : index
    %get3A_81 = arith.constant 0 : index
    %get3A_82 = vector.load %arg6[%get3A_79, %get3A_80, %get3A_81] : memref<8x128x256xbf16, #tpu.memory_space<vmem>>, vector<1x128x256xbf16>
    %get3A_83 = vector.shape_cast %get3A_82 : vector<1x128x256xbf16> to vector<128x256xbf16>
    %dot_general3A_84 = arith.constant dense<0.000000e+00> : vector<1024x256xf32>
    %dot_general3A_85 = tpu.matmul %convert_element_type3A, %get3A_83, %dot_general3A_84 {dimension_numbers = #tpu.dot_dimension_numbers<[1], [0], [0], [1], [0, 0, 1, 1], [], []>, transpose_lhs_hint = false} : vector<1024x128xbf16>, vector<128x256xbf16>, vector<1024x256xf32> -> vector<1024x256xf32>
    %get3A_86 = arith.constant 2 : index
    %get3A_87 = arith.constant 0 : index
    %get3A_88 = arith.constant 0 : index
    %get3A_89 = vector.load %arg6[%get3A_86, %get3A_87, %get3A_88] : memref<8x128x256xbf16, #tpu.memory_space<vmem>>, vector<1x128x256xbf16>
    %get3A_90 = vector.shape_cast %get3A_89 : vector<1x128x256xbf16> to vector<128x256xbf16>
    %dot_general3A_91 = arith.constant dense<0.000000e+00> : vector<1024x256xf32>
    %dot_general3A_92 = tpu.matmul %convert_element_type3A, %get3A_90, %dot_general3A_91 {dimension_numbers = #tpu.dot_dimension_numbers<[1], [0], [0], [1], [0, 0, 1, 1], [], []>, transpose_lhs_hint = false} : vector<1024x128xbf16>, vector<128x256xbf16>, vector<1024x256xf32> -> vector<1024x256xf32>
    %get3A_93 = arith.constant 3 : index
    %get3A_94 = arith.constant 0 : index
    %get3A_95 = arith.constant 0 : index
    %get3A_96 = vector.load %arg6[%get3A_93, %get3A_94, %get3A_95] : memref<8x128x256xbf16, #tpu.memory_space<vmem>>, vector<1x128x256xbf16>
    %get3A_97 = vector.shape_cast %get3A_96 : vector<1x128x256xbf16> to vector<128x256xbf16>
    %dot_general3A_98 = arith.constant dense<0.000000e+00> : vector<1024x256xf32>
    %dot_general3A_99 = tpu.matmul %convert_element_type3A, %get3A_97, %dot_general3A_98 {dimension_numbers = #tpu.dot_dimension_numbers<[1], [0], [0], [1], [0, 0, 1, 1], [], []>, transpose_lhs_hint = false} : vector<1024x128xbf16>, vector<128x256xbf16>, vector<1024x256xf32> -> vector<1024x256xf32>
    %get3A_100 = arith.constant 4 : index
    %get3A_101 = arith.constant 0 : index
    %get3A_102 = arith.constant 0 : index
    %get3A_103 = vector.load %arg6[%get3A_100, %get3A_101, %get3A_102] : memref<8x128x256xbf16, #tpu.memory_space<vmem>>, vector<1x128x256xbf16>
    %get3A_104 = vector.shape_cast %get3A_103 : vector<1x128x256xbf16> to vector<128x256xbf16>
    %dot_general3A_105 = arith.constant dense<0.000000e+00> : vector<1024x256xf32>
    %dot_general3A_106 = tpu.matmul %convert_element_type3A, %get3A_104, %dot_general3A_105 {dimension_numbers = #tpu.dot_dimension_numbers<[1], [0], [0], [1], [0, 0, 1, 1], [], []>, transpose_lhs_hint = false} : vector<1024x128xbf16>, vector<128x256xbf16>, vector<1024x256xf32> -> vector<1024x256xf32>
    %get3A_107 = arith.constant 5 : index
    %get3A_108 = arith.constant 0 : index
    %get3A_109 = arith.constant 0 : index
    %get3A_110 = vector.load %arg6[%get3A_107, %get3A_108, %get3A_109] : memref<8x128x256xbf16, #tpu.memory_space<vmem>>, vector<1x128x256xbf16>
    %get3A_111 = vector.shape_cast %get3A_110 : vector<1x128x256xbf16> to vector<128x256xbf16>
    %dot_general3A_112 = arith.constant dense<0.000000e+00> : vector<1024x256xf32>
    %dot_general3A_113 = tpu.matmul %convert_element_type3A, %get3A_111, %dot_general3A_112 {dimension_numbers = #tpu.dot_dimension_numbers<[1], [0], [0], [1], [0, 0, 1, 1], [], []>, transpose_lhs_hint = false} : vector<1024x128xbf16>, vector<128x256xbf16>, vector<1024x256xf32> -> vector<1024x256xf32>
    %get3A_114 = arith.constant 6 : index
    %get3A_115 = arith.constant 0 : index
    %get3A_116 = arith.constant 0 : index
    %get3A_117 = vector.load %arg6[%get3A_114, %get3A_115, %get3A_116] : memref<8x128x256xbf16, #tpu.memory_space<vmem>>, vector<1x128x256xbf16>
    %get3A_118 = vector.shape_cast %get3A_117 : vector<1x128x256xbf16> to vector<128x256xbf16>
    %dot_general3A_119 = arith.constant dense<0.000000e+00> : vector<1024x256xf32>
    %dot_general3A_120 = tpu.matmul %convert_element_type3A, %get3A_118, %dot_general3A_119 {dimension_numbers = #tpu.dot_dimension_numbers<[1], [0], [0], [1], [0, 0, 1, 1], [], []>, transpose_lhs_hint = false} : vector<1024x128xbf16>, vector<128x256xbf16>, vector<1024x256xf32> -> vector<1024x256xf32>
    %get3A_121 = arith.constant 7 : index
    %get3A_122 = arith.constant 0 : index
    %get3A_123 = arith.constant 0 : index
    %get3A_124 = vector.load %arg6[%get3A_121, %get3A_122, %get3A_123] : memref<8x128x256xbf16, #tpu.memory_space<vmem>>, vector<1x128x256xbf16>
    %get3A_125 = vector.shape_cast %get3A_124 : vector<1x128x256xbf16> to vector<128x256xbf16>
    %dot_general3A_126 = arith.constant dense<0.000000e+00> : vector<1024x256xf32>
    %dot_general3A_127 = tpu.matmul %convert_element_type3A, %get3A_125, %dot_general3A_126 {dimension_numbers = #tpu.dot_dimension_numbers<[1], [0], [0], [1], [0, 0, 1, 1], [], []>, transpose_lhs_hint = false} : vector<1024x128xbf16>, vector<128x256xbf16>, vector<1024x256xf32> -> vector<1024x256xf32>
    %concatenate3A = tpu.concatenate %dot_general3A_78, %dot_general3A_85, %dot_general3A_92, %dot_general3A_99, %dot_general3A_106, %dot_general3A_113, %dot_general3A_120, %dot_general3A_127 in 1 : vector<1024x256xf32>, vector<1024x256xf32>, vector<1024x256xf32>, vector<1024x256xf32>, vector<1024x256xf32>, vector<1024x256xf32>, vector<1024x256xf32>, vector<1024x256xf32> -> vector<1024x2048xf32>
    %get3A_128 = arith.constant 0 : index
    %get3A_129 = arith.constant 0 : index
    %get3A_130 = vector.load %arg7[%get3A_128, %get3A_129] : memref<1x2048xf32, #tpu.memory_space<vmem>>, vector<1x2048xf32>
    %add3A_131 = vector.broadcast %get3A_130 : vector<1x2048xf32> to vector<1024x2048xf32>
    %add3A_132 = arith.addf %concatenate3A, %add3A_131 : vector<1024x2048xf32>
    %get3A_133 = arith.constant 0 : index
    %get3A_134 = arith.constant 0 : index
    %get3A_135 = vector.load %arg10[%get3A_133, %get3A_134] : memref<8x2048xf32, #tpu.memory_space<vmem>>, vector<8x2048xf32>
    %dot_general3A_136 = arith.constant dense<0.000000e+00> : vector<1024x2048xf32>
    %dot_general3A_137 = tpu.matmul %add3A_71, %get3A_135, %dot_general3A_136 {dimension_numbers = #tpu.dot_dimension_numbers<[1], [0], [0], [1], [0, 0, 1, 1], [], []>, transpose_lhs_hint = false} : vector<1024x8xf32>, vector<8x2048xf32>, vector<1024x2048xf32> -> vector<1024x2048xf32>
    %mul3A = arith.mulf %add3A_132, %dot_general3A_137 : vector<1024x2048xf32>
    %erf3A = math.erf %add3A_132 : vector<1024x2048xf32>
    %add3A_138 = arith.constant 1.000000e+00 : f32
    %add3A_139 = vector.broadcast %add3A_138 : f32 to vector<1024x2048xf32>
    %add3A_140 = arith.addf %add3A_139, %erf3A : vector<1024x2048xf32>
    %mul3A_141 = arith.mulf %mul3A, %add3A_140 : vector<1024x2048xf32>
    %convert_element_type3A_142 = arith.truncf %mul3A_141 : vector<1024x2048xf32> to vector<1024x2048xbf16>
    %get3A_143 = arith.constant 0 : index
    %get3A_144 = arith.constant 0 : index
    %get3A_145 = vector.load %arg8[%get3A_143, %get3A_144] : memref<2048x128xbf16, #tpu.memory_space<vmem>>, vector<2048x128xbf16>
    %dot_general3A_146 = arith.constant dense<0.000000e+00> : vector<1024x128xf32>
    %dot_general3A_147 = tpu.matmul %convert_element_type3A_142, %get3A_145, %dot_general3A_146 {dimension_numbers = #tpu.dot_dimension_numbers<[1], [0], [0], [1], [0, 0, 1, 1], [], []>, transpose_lhs_hint = false} : vector<1024x2048xbf16>, vector<2048x128xbf16>, vector<1024x128xf32> -> vector<1024x128xf32>
    %get3A_148 = arith.constant 0 : index
    %get3A_149 = arith.constant 0 : index
    %get3A_150 = vector.load %arg9[%get3A_148, %get3A_149] : memref<8x128xf32, #tpu.memory_space<vmem>>, vector<8x128xf32>
    %dot_general3A_151 = arith.constant dense<0.000000e+00> : vector<1024x128xf32>
    %dot_general3A_152 = tpu.matmul %add3A_71, %get3A_150, %dot_general3A_151 {dimension_numbers = #tpu.dot_dimension_numbers<[1], [0], [0], [1], [0, 0, 1, 1], [], []>, transpose_lhs_hint = false} : vector<1024x8xf32>, vector<8x128xf32>, vector<1024x128xf32> -> vector<1024x128xf32>
    %add3A_153 = arith.addf %dot_general3A_147, %dot_general3A_152 : vector<1024x128xf32>
    %reduce_sum3A = arith.constant dense<0.000000e+00> : vector<1024xf32>
    %reduce_sum3A_154 = vector.multi_reduction <add>, %add3A_153, %reduce_sum3A [1] : vector<1024x128xf32> to vector<1024xf32>
    %broadcast_in_dim3A_155 = vector.shape_cast %reduce_sum3A_154 : vector<1024xf32> to vector<1024x1xf32>
    %div3A_156 = arith.constant 1.280000e+02 : f32
    %div3A_157 = vector.broadcast %div3A_156 : f32 to vector<1024x1xf32>
    %div3A_158 = arith.divf %broadcast_in_dim3A_155, %div3A_157 : vector<1024x1xf32>
    %sub3A_159 = vector.broadcast %div3A_158 : vector<1024x1xf32> to vector<1024x128xf32>
    %sub3A_160 = arith.subf %add3A_153, %sub3A_159 : vector<1024x128xf32>
    %integer_pow3A = arith.mulf %sub3A_160, %sub3A_160 : vector<1024x128xf32>
    %reduce_sum3A_161 = arith.constant dense<0.000000e+00> : vector<1024xf32>
    %reduce_sum3A_162 = vector.multi_reduction <add>, %integer_pow3A, %reduce_sum3A_161 [1] : vector<1024x128xf32> to vector<1024xf32>
    %broadcast_in_dim3A_163 = vector.shape_cast %reduce_sum3A_162 : vector<1024xf32> to vector<1024x1xf32>
    %div3A_164 = arith.constant 1.280000e+02 : f32
    %div3A_165 = vector.broadcast %div3A_164 : f32 to vector<1024x1xf32>
    %div3A_166 = arith.divf %broadcast_in_dim3A_163, %div3A_165 : vector<1024x1xf32>
    %sub3A_167 = vector.broadcast %div3A_158 : vector<1024x1xf32> to vector<1024x128xf32>
    %sub3A_168 = arith.subf %add3A_153, %sub3A_167 : vector<1024x128xf32>
    %add3A_169 = arith.constant 9.99999974E-6 : f32
    %add3A_170 = vector.broadcast %add3A_169 : f32 to vector<1024x1xf32>
    %add3A_171 = arith.addf %div3A_166, %add3A_170 : vector<1024x1xf32>
    %rsqrt3A = math.rsqrt %add3A_171 : vector<1024x1xf32>
    %mul3A_172 = vector.broadcast %rsqrt3A : vector<1024x1xf32> to vector<1024x128xf32>
    %mul3A_173 = arith.mulf %sub3A_168, %mul3A_172 : vector<1024x128xf32>
    %get3A_174 = arith.constant 0 : index
    %get3A_175 = arith.constant 0 : index
    %get3A_176 = vector.load %arg11[%get3A_174, %get3A_175] : memref<1x128xf32, #tpu.memory_space<vmem>>, vector<1x128xf32>
    %mul3A_177 = vector.broadcast %get3A_176 : vector<1x128xf32> to vector<1024x128xf32>
    %mul3A_178 = arith.mulf %mul3A_173, %mul3A_177 : vector<1024x128xf32>
    %get3A_179 = arith.constant 0 : index
    %get3A_180 = arith.constant 0 : index
    %get3A_181 = vector.load %arg12[%get3A_179, %get3A_180] : memref<1x128xf32, #tpu.memory_space<vmem>>, vector<1x128xf32>
    %add3A_182 = vector.broadcast %get3A_181 : vector<1x128xf32> to vector<1024x128xf32>
    %add3A_183 = arith.addf %mul3A_178, %add3A_182 : vector<1024x128xf32>
    %swap3A = arith.constant 0 : index
    %swap3A_184 = arith.constant 0 : index
    %swap3A_185 = vector.load %arg13[%swap3A, %swap3A_184] : memref<1024x128xf32, #tpu.memory_space<vmem>>, vector<1024x128xf32>
    tpu.vector_store %arg13[%swap3A, %swap3A_184], %add3A_183 {strides = array<i32>} : memref<1024x128xf32, #tpu.memory_space<vmem>>, vector<1024x128xf32>,
    return
  }
  func.func @transform_0(%arg0: i32) -> (i32, i32) {
    %c0_i32 = arith.constant 0 : i32
    %c0_i32_0 = arith.constant 0 : i32
    return %arg0, %c0_i32 : i32, i32
  }
  func.func @transform_1(%arg0: i32) -> (i32, i32) {
    %c0_i32 = arith.constant 0 : i32
    %c0_i32_0 = arith.constant 0 : i32
    return %c0_i32, %arg0 : i32, i32
  }
  func.func @transform_2(%arg0: i32) -> (i32, i32) {
    %c0_i32 = arith.constant 0 : i32
    %c0_i32_0 = arith.constant 0 : i32
    %c0_i32_1 = arith.constant 0 : i32
    return %c0_i32, %c0_i32_0 : i32, i32
  }
  func.func @transform_3(%arg0: i32) -> (i32, i32) {
    %c0_i32 = arith.constant 0 : i32
    %c0_i32_0 = arith.constant 0 : i32
    %c0_i32_1 = arith.constant 0 : i32
    return %c0_i32, %c0_i32_0 : i32, i32
  }
  func.func @transform_4(%arg0: i32) -> (i32, i32) {
    %c0_i32 = arith.constant 0 : i32
    %c0_i32_0 = arith.constant 0 : i32
    %c0_i32_1 = arith.constant 0 : i32
    return %c0_i32, %c0_i32_0 : i32, i32
  }
  func.func @transform_5(%arg0: i32) -> (i32, i32, i32) {
    %c0_i32 = arith.constant 0 : i32
    %c0_i32_0 = arith.constant 0 : i32
    %c0_i32_1 = arith.constant 0 : i32
    %c0_i32_2 = arith.constant 0 : i32
    return %c0_i32, %c0_i32_0, %c0_i32_1 : i32, i32, i32
  }
  func.func @transform_6(%arg0: i32) -> (i32, i32) {
    %c0_i32 = arith.constant 0 : i32
    %c0_i32_0 = arith.constant 0 : i32
    %c0_i32_1 = arith.constant 0 : i32
    return %c0_i32, %c0_i32_0 : i32, i32
  }
  func.func @transform_7(%arg0: i32) -> (i32, i32) {
    %c0_i32 = arith.constant 0 : i32
    %c0_i32_0 = arith.constant 0 : i32
    %c0_i32_1 = arith.constant 0 : i32
    return %c0_i32, %c0_i32_0 : i32, i32
  }
  func.func @transform_8(%arg0: i32) -> (i32, i32) {
    %c0_i32 = arith.constant 0 : i32
    %c0_i32_0 = arith.constant 0 : i32
    %c0_i32_1 = arith.constant 0 : i32
    return %c0_i32, %c0_i32_0 : i32, i32
  }
  func.func @transform_9(%arg0: i32) -> (i32, i32) {
    %c0_i32 = arith.constant 0 : i32
    %c0_i32_0 = arith.constant 0 : i32
    %c0_i32_1 = arith.constant 0 : i32
    return %c0_i32, %c0_i32_0 : i32, i32
  }
  func.func @transform_10(%arg0: i32) -> (i32, i32) {
    %c0_i32 = arith.constant 0 : i32
    %c0_i32_0 = arith.constant 0 : i32
    %c0_i32_1 = arith.constant 0 : i32
    return %c0_i32, %c0_i32_0 : i32, i32
  }
  func.func @transform_11(%arg0: i32) -> (i32, i32) {
    %c0_i32 = arith.constant 0 : i32
    %c0_i32_0 = arith.constant 0 : i32
    %c0_i32_1 = arith.constant 0 : i32
    return %c0_i32, %c0_i32_0 : i32, i32
  }
  func.func @transform_12(%arg0: i32) -> (i32, i32) {
    %c0_i32 = arith.constant 0 : i32
    %c0_i32_0 = arith.constant 0 : i32
    return %arg0, %c0_i32 : i32, i32
  }
}

</mosaic_0001>

<sc_bundles>
// kernel: kernel.4.cloned.1.call-start
scs
__scs_entry_jumppad:
0x0: {  	(pc) =	sbr.rel $0x88, $3  }
0x1: {  	(tag) =	ssettag $0x0;
	lr =	simm.s32 $0x1  }
0x2: {  	[smem:$0x3F95] =	sst lr;
	_ =	strace $0xD0000000  }
0x3: {  	_ = 	snop  }
0x4: {  	_ = 	snop  }
0x5: {  	_ = 	snop  }
0x6: {  	_ = 	snop  }
0x7: {  	_ = 	snop  }
__scs_overlays_trampoline_lowered:
0x8: {  	[smem:$0x3FA4] =	sst s0  }
0x9: {  	[smem:$0x3FA5] =	sst s1  }
0xa: {  	[smem:$0x3FA6] =	sst s2  }
0xb: {  	[smem:$0x3FA7] =	sst s3  }
0xc: {  	[smem:$0x3FA8] =	sst s4  }
0xd: {  	[smem:$0x3FA9] =	sst s5  }
0xe: {  	[smem:$0x3FAA] =	sst s6  }
0xf: {  	[smem:$0x3FAB] =	sst s7  }
0x10: {  	[smem:$0x3FAC] =	sst s8  }
0x11: {  	[smem:$0x3FAD] =	sst s9;
	s0 =	simm.s32 @!p0 $0x0  }
0x12: {  	s1 =	sld [smem:$0x3F93];
	s0 =	simm.s32 @p0 $0x1  }
0x13: {  	[smem:$0x3FAE] =	sst s0;
	s0 =	simm.s32 @!p1 $0x0  }
0x14: {  	s2 =	sld [smem:$0x3F92];
	s0 =	simm.s32 @p1 $0x1  }
0x15: {  	[smem:$0x3FAF] =	sst s0;
	s0 =	simm.s32 @!p2 $0x0  }
0x16: {  	s3 =	sld [smem:$0x3FDB];
	s0 =	simm.s32 @p2 $0x1  }
0x17: {  	s4 =	simm.s32 $0x1BF5;
	[smem:$0x3FB1] =	sst s0  }
0x18: {  	s0 =	sld [smem:$0x3F94];
	_ =	swait.ge [sflag:s4], $0x0  }
0x19: {  	s7 =	sld [smem:$0x3F95]  }
0x1a: {  	s8 =	sadd.s32 $0xFFFFE003, lr  }
0x1b: {  	s9 =	sadd.s32 $0xFFFFFEF7, lr;
	s5 =	simm.s32 $0xFFFFFFFF;
	p2 =	slt.u32 s8, $0xFFFFF086  }
0x1c: {  	p1 =	slt.u32 s9, $0xF7A;
	s5 =	simm.s32 @!p2 $0x0  }
0x1d: {  	s5 =	simm.s32 @p1 $0x1;
	p0 =	seq.s32 s7, s2  }
0x1e: {  	s7 =	smul.u32 @!p0 $0xF7A, s2;
	p2 =	seq.s32 @!p0 s5, $0x0  }
0x1f: {  	s9 =	smul.u32 $0xF7A, s1;
	s8 =	simm.s32 @!p0 $0x1BF5;
	p2 =	por !p2, p0  }
0x20: {  	[sflag:s8] =	ssyncset.s32 @!p0 $0xFFFFF086;
	s6 =	sadd.s32 @!p0 s3, s7;
	s7 =	simm.s32 @!p0 $0x108  }
0x21: {  	s3 =	sadd.s32 s3, s9;
	s6 =	sadd.s32 @!p0 $0x88, s6;
	s7 =	simm.s32 @p2 $0x1082  }
0x22: {  	[simem:s7], [sflag:s8] =	dma.local @!p0 [hbm:s6], $0xF7A  }
0x23: {  	s9 =	sor.u32 $0xD0000000, s2;
	s6 =	simm.s32 $0x108;
	_ =	swait.ge @!p0 [sflag:s8], $0x0  }
0x24: {  	s3 =	sadd.s32 $0x88, s3;
	s6 =	simm.s32 @!p1 $0x1082;
	[sflag:s4] =	ssyncset.s32 $0xFFFFF086  }
0x25: {  	[simem:s6], [sflag:s4] =	dma.local [hbm:s3], $0xF7A  }
0x26: {  	[smem:$0x3F95] =	sst s1;
	(tag) =	ssettag s2;
	_ =	strace s9  }
0x27: {  	s1 =	sld [smem:$0x3FA5]  }
0x28: {  	s2 =	sld [smem:$0x3FA6]  }
0x29: {  	s4 =	sld [smem:$0x3FA8]  }
0x2a: {  	p0 =	seq.s32 s5, $0x0;
	s5 =	sld [smem:$0x3FA9]  }
0x2b: {  	s6 =	sld [smem:$0x3FAA]  }
0x2c: {  	s7 =	sld [smem:$0x3FAB]  }
0x2d: {  	s3 =	simm.s32 $0x108;
	s8 =	sld [smem:$0x3FAC]  }
0x2e: {  	s3 =	simm.s32 @!p0 $0x1082;
	s9 =	sld [smem:$0x3FAD]  }
0x2f: {  	lr =	sadd.s32 s0, s3;
	s0 =	sld [smem:$0x3FA4]  }
0x30: {  	s3 =	sld [smem:$0x3FA7]  }
0x31: {  	[smem:$0x3FB0] =	sst s10  }
0x32: {  	s10 =	sld [smem:$0x3FAE];
	_ =	sdelay $0x3  }
0x33: {  	p0 =	seq.s32 s10, $0x1;
	s10 =	sld [smem:$0x3FB0];
	_ =	sdelay $0x3  }
0x34: {  	[smem:$0x3FB0] =	sst s10  }
0x35: {  	s10 =	sld [smem:$0x3FAF];
	_ =	sdelay $0x3  }
0x36: {  	p1 =	seq.s32 s10, $0x1;
	s10 =	sld [smem:$0x3FB0];
	_ =	sdelay $0x3  }
0x37: {  	[smem:$0x3FB0] =	sst s10  }
0x38: {  	s10 =	sld [smem:$0x3FB1]  }
0x39: {  	_ = 	snop;
	(pc) =	sbr.ind lr, $3  }
0x3a: {  	_ = 	snop  }
0x3b: {  	_ = 	snop  }
0x3c: {  	p2 =	seq.s32 s10, $0x1;
	s10 =	sld [smem:$0x3FB0]  }
0x3d: {  	_ =	shalt  }
0x3e: {  	_ =	shalt  }
0x3f: {  	_ =	shalt  }
0x40: {  	_ =	shalt  }
0x41: {  	_ =	shalt  }
0x42: {  	_ =	shalt  }
0x43: {  	_ =	shalt  }
0x44: {  	_ =	shalt  }
0x45: {  	_ =	shalt  }
0x46: {  	_ =	shalt  }
0x47: {  	_ =	shalt  }
0x48: {  	_ =	shalt  }
0x49: {  	_ =	shalt  }
0x4a: {  	_ =	shalt  }
0x4b: {  	_ =	shalt  }
0x4c: {  	_ =	shalt  }
0x4d: {  	_ =	shalt  }
0x4e: {  	_ =	shalt  }
0x4f: {  	_ =	shalt  }
0x50: {  	_ =	shalt  }
0x51: {  	_ =	shalt  }
0x52: {  	_ =	shalt  }
0x53: {  	_ =	shalt  }
0x54: {  	_ =	shalt  }
0x55: {  	_ =	shalt  }
0x56: {  	_ =	shalt  }
0x57: {  	_ =	shalt  }
0x58: {  	_ =	shalt  }
0x59: {  	_ =	shalt  }
0x5a: {  	_ =	shalt  }
0x5b: {  	_ =	shalt  }
0x5c: {  	_ =	shalt  }
0x5d: {  	_ =	shalt  }
0x5e: {  	_ =	shalt  }
0x5f: {  	_ =	shalt  }
0x60: {  	_ =	shalt  }
0x61: {  	_ =	shalt  }
0x62: {  	_ =	shalt  }
0x63: {  	_ =	shalt  }
0x64: {  	_ =	shalt  }
0x65: {  	_ =	shalt  }
0x66: {  	_ =	shalt  }
0x67: {  	_ =	shalt  }
0x68: {  	_ =	shalt  }
0x69: {  	_ =	shalt  }
0x6a: {  	_ =	shalt  }
0x6b: {  	_ =	shalt  }
0x6c: {  	_ =	shalt  }
0x6d: {  	_ =	shalt  }
0x6e: {  	_ =	shalt  }
0x6f: {  	_ =	shalt  }
0x70: {  	_ =	shalt  }
0x71: {  	_ =	shalt  }
0x72: {  	_ =	shalt  }
0x73: {  	_ =	shalt  }
0x74: {  	_ =	shalt  }
0x75: {  	_ =	shalt  }
0x76: {  	_ =	shalt  }
0x77: {  	_ =	shalt  }
0x78: {  	_ =	shalt  }
0x79: {  	_ =	shalt  }
0x7a: {  	_ =	shalt  }
0x7b: {  	_ =	shalt  }
0x7c: {  	_ =	shalt  }
0x7d: {  	_ =	shalt  }
0x7e: {  	_ =	shalt  }
0x7f: {  	_ =	shalt  }
0x80: {  	_ =	shalt  }
0x81: {  	_ =	shalt  }
0x82: {  	_ =	shalt  }
0x83: {  	_ =	shalt  }
0x84: {  	_ =	shalt  }
0x85: {  	_ =	shalt  }
0x86: {  	_ =	shalt  }
0x87: {  	_ =	shalt  }
.Lfunc_end0:
.L_simem_size_0:
called_computation_lowered:
.L_overlay_start_0:
0x88: {  	s2 =	sld [smem:$0x3FD9]  }
0x89: {  	s3 =	sld [smem:$0x3FFE];
	_ =	sdelay $0x1  }
0x8a: {  	s1 =	srdreg.scid  }
0x8b: {  	s0 =	sand.u32 $0x1, s1  }
0x8c: {  	s17 =	sshll.u32 s0, $0xA;
	s2 =	sadd.s32 s3, s2  }
0x8d: {  	s2 =	sadd.s32 s2, s17  }
0x8e: {  	[smem:$0x3FBC] =	sst s2  }
0x8f: {  	_ = 	snop  }
0x90: {  	s2 =	sld [smem:$0x3FC8]  }
0x91: {  	s18 =	sld [smem:$0x3FD0];
	(tm) =	ssettm $0x1  }
0x92: {  	s4 =	sld [smem:$0x3FFB];
	_ =	sdelay $0x3  }
0x93: {  	_ =	strace s4  }
0x94: {  	s4 =	sld [smem:$0x3FFC];
	_ =	sdelay $0x3  }
0x95: {  	_ =	strace s4  }
0x96: {  	s4 =	sld [smem:$0x3FFD];
	_ =	sdelay $0x3  }
0x97: {  	_ =	strace s4  }
0x98: {  	_ =	strace $0x8FFFFFFF  }
0x99: {  	s19 =	sld [smem:$0x3FDB];
	_ =	sdelay $0x1  }
0x9a: {  	s5 =	simm.s32 $_scs_section_size  }
0x9b: {  	s6 =	simm.s32 $_size__tile_overlayer_lowered;
	s7 =	simm.s32 $_tile_overlayer_lowered  }
0x9c: {  	s22 =	simm.s32 $0x1BFF;
	s21 =	sshll.u32 s7, $0x1;
	s4 =	sadd.s32 s5, s19  }
0x9d: {  	s8 =	simm.s32 $0x0;
	s20 =	sshll.u32 s6, $0x1;
	s6 =	sadd.s32 s21, s4  }
0x9e: {  	[timem:s8], [sflag:s22] =	dma.local [hbm:s6], s20  }
0x9f: {  	_ =	swait.ge [sflag:s22], s20  }
0xa0: {  	s5 =	ssub.s32 $0x0, s20;
	[sflag:s22] =	ssyncset.done $0x0  }
0xa1: {  	[sflag:s22] =	ssyncadd.s32 s5;
	_ =	sdelay $0x1  }
0xa2: {  	s23 =	simm.s32 $0x1B8B  }
0xa3: {  	_ =	swait.ge [sflag:s23], $0x1  }
0xa4: {  	[sflag:s23] =	ssyncset.done $0x0  }
0xa5: {  	s25 =	simm.s32 $0x1B8E;
	s24 =	sld [smem:$0x3FFE];
	[sflag:s23] =	ssyncadd.s32 $0xFFFFFFFF  }
0xa6: {  	s26 =	simm.s32 $execute0_lowered;
	[smem:$0x3FD2] =	sst s25  }
0xa7: {  	s6 =	sshll.u32 s26, $0x1;
	_ =	strace $0x80000046;
	[dreg:$0x1] =	wrdreg $0xFFFFFFFF  }
0xa8: {  	s28 =	simm.s32 $_size_execute0_lowered;
	s4 =	sadd.s32 s4, s6;
	[dreg:$0x0] =	wrdreg $0x0  }
0xa9: {  	s6 =	sshll.u32 s28, $0x1;
	[dreg:$0x2] =	wrdreg s4  }
0xaa: {  	[dreg:$0x3] =	wrdreg s6  }
0xab: {  	[dreg:$0x4] =	wrdreg $0xC0  }
0xac: {  	_ =	task [dreg:s8], $0x5FFFF  }
0xad: {  	[dreg:$0x1] =	wrdreg $0xFFFFFFFF  }
0xae: {  	[dreg:$0x0] =	wrdreg $0x60  }
0xaf: {  	[dreg:$0x2] =	wrdreg s24  }
0xb0: {  	[dreg:$0x3] =	wrdreg s2  }
0xb1: {  	[dreg:$0x4] =	wrdreg s18  }
0xb2: {  	[dreg:$0x5] =	wrdreg $0xA9800  }
0xb3: {  	[dreg:$0x6] =	wrdreg $0x9  }
0xb4: {  	_ =	task.clear_ibuf [dreg:s8], $0x7FFFF;
	_ =	strace $0x90000046  }
0xb5: {  	s29 =	simm.s32 $0x9;
	_ =	strace $0x80000048  }
0xb6: {  	_ =	swait.ge [sflag:s29], $0x1  }
0xb7: {  	[sflag:s29] =	ssyncadd.s32 $0xFFFFFFFF  }
0xb8: {  	_ =	strace $0x90000048  }
0xb9: {  	_ =	sfence  }
0xba: {  	s30 =	sld [smem:$0x0];
	_ =	sdelay $0x2  }
0xbb: {  	s31 =	sshll.u32 s1, $0xD;
	s1 =	sshrl.u32 s1, $0x2  }
0xbc: {  	s3 =	sand.u32 $0x4000, s31;
	s1 =	sadd.s32 s1, s30  }
0xbd: {  	s0 =	sor.u32 s3, s0;
	s1 =	sshll.u32 s1, $0x11  }
0xbe: {  	s0 =	sor.u32 s1, s0  }
0xbf: {  	s0 =	sadd.s32 $0x8F2B, s0  }
0xc0: {  	[sflag:s0] =	ssyncadd.remote.s32 $0x1  }
0xc1: {  	_ =	sfence.sel $0xFFFF  }
0xc2: {  	[dreg:$0x0] =	wrdreg $0xFFFFFFFF;
	(pc) =	sbr.abs _section_cstart, $3  }
0xc3: {  	[dreg:$0x1] =	wrdreg $0xFFFFFFFF  }
0xc4: {  	_ =	task.clear_ibuf [dreg:s8], $0x2FFFF;
	_ =	strace $0x9FFFFFFF  }
0xc5: {  	(tm) =	ssettm $0x7FFFFFFF  }
tec
execute0_lowered:
.L_overlay_start_1:
0x0: {  	(tag) =	ssettag $0x1  }
0x1: {  	s1 =	rddreg [dreg:$0x0]  }
0x2: {  	s0 =	srdreg.scid;
	s7 =	rddreg [dreg:$0x1]  }
0x3: {  	s4 =	stileid.u32;
	s8 =	rddreg [dreg:$0x2]  }
0x4: {  	s11 =	simm.s32 $0x2;
	s13 =	simm.s32 $0x1;
	s14 =	simm.s32 $0x80  }
0x5: {  	s16 =	simm.s32 $0x7700;
	s28 =	simm.s32 $0x6F80;
	s29 =	simm.s32 $0x7000  }
0x6: {  	s30 =	simm.s32 $0x7080;
	s31 =	simm.s32 $0x7100;
	s12 =	simm.s32 $0x7280  }
0x7: {  	s15 =	simm.s32 $0x7300;
	s17 =	simm.s32 $0x7380;
	s18 =	simm.s32 $0x7400  }
0x8: {  	s19 =	simm.s32 $0x7480;
	s20 =	simm.s32 $0x7500;
	s21 =	simm.s32 $0x7580  }
0x9: {  	s22 =	simm.s32 $0x7600;
	s0 =	sand.u32 $0x1, s0;
	s5 =	smul.u32 $0x3200, s4  }
0xa: {  	s23 =	simm.s32 $0x0;
	s2 =	sshll.u32 s0, $0x4;
	s6 =	smul.u32 $0x32000, s0  }
0xb: {  	s0 =	ssub.s32 $0x2, s0;
	s3 =	sor.u32 s4, s2;
	s2 =	rddreg [dreg:$0x3]  }
0xc: {  	s4 =	sadd.s32 $0xB800, s1;
	s25 =	sshrl.u32 s0, $0x1;
	s9 =	smul.u32 $0x4E2, s3  }
0xd: {  	s3 =	simm.s32 $0x0;
	s6 =	sadd.s32 s5, s6;
	s0 =	ssub.s32 s0, s25  }
0xe: {  	s5 =	sadd.s32 s5, s2;
	[smem:$0x7FF] =	sst s3;
	s26 =	sshrl.u32 s6, $0x3  }
0xf: {  	_ =	strace $0x80000047;
	s10 =	sadd.s32 s9, s1;
	s7 =	sadd.s32 s7, s9  }
0x10: {  	s8 =	sadd.s32 s8, s26;
	s9 =	smax.u32 s0, $0x1;
	s1 =	simm.s32 $0x7180  }
0x11: {  	v0 =	vimm.f32 $1.000000000e+00;
	v1 =	vimm.s32 $0x2710;
	s0 =	simm.s32 $0x7200;
	s6 =	sadd.s32 $0x1A00, s10;
	s10 =	simm.s32 $0x7780  }
.LBB2_1:
0x12: {  	[tilespmem:s10], [sflag:$0x2] =	stream.linear.gather [hbm4b:s4+s3], $0x3200, $0x38;
	[tilespmem:$0xDB80] =	vst v63  }
0x13: {  	_ =	swait.ge [sflag:s11], $0x3200  }
0x14: {  	[sflag:s11] =	ssyncset.done $0x0  }
0x15: {  	[sflag:s11] =	ssyncadd.s32 $0xFFFFCE00  }
0x16: {  	[spmem:s5] =	stream.linear.scatter [tilespmem:s10], [sflag:$0x2], $0x3200, $0x38;
	[tilespmem:$0xDB80] =	vst v63  }
0x17: {  	_ =	swait.ge [sflag:s11], $0x3200  }
0x18: {  	[sflag:s11] =	ssyncset.done $0x0  }
0x19: {  	[sflag:s11] =	ssyncadd.s32 $0xFFFFCE00  }
0x1a: {  	[tilespmem:s3], [sflag:$0x1] =	stream.linear.gather [hbm4b:s6+s3], $0x2710, $0x38;
	[tilespmem:$0xDB80] =	vst v63  }
0x1b: {  	s24 =	simm.s32 $0x2780  }
0x1c: {  	[tilespmem:s24], [sflag:$0x1] =	stream.linear.gather [hbm4b:s7+s3], $0x2710, $0x38;
	[tilespmem:$0xDB80] =	vst v63  }
0x1d: {  	[tilespmem:$0x7700] =	vst v0  }
0x1e: {  	[tilespmem:$0x7710] =	vst v0  }
0x1f: {  	[tilespmem:$0x7720] =	vst v0  }
0x20: {  	[tilespmem:$0x7730] =	vst v0  }
0x21: {  	[tilespmem:$0x7740] =	vst v0  }
0x22: {  	[tilespmem:$0x7750] =	vst v0  }
0x23: {  	[tilespmem:$0x7760] =	vst v0  }
0x24: {  	[tilespmem:$0x7770] =	vst v0  }
0x25: {  	_ =	swait.ge [sflag:s13], $0x2710  }
0x26: {  	[sflag:s13] =	ssyncset.done $0x0  }
0x27: {  	[sflag:s13] =	ssyncadd.s32 $0xFFFFD8F0  }
0x28: {  	_ =	swait.ge [sflag:s13], $0x2710  }
0x29: {  	[sflag:s13] =	ssyncset.done $0x0  }
0x2a: {  	s24 =	simm.s32 $0x0;
	[sflag:s13] =	ssyncadd.s32 $0xFFFFD8F0  }
0x2b: {  	v2 =	vld [tilespmem:s24+$0x27F0]  }
0x2c: {  	v3 =	vld [tilespmem:s24+$0x2780]  }
0x2d: {  	v4 =	vld [tilespmem:s24+$0x70]  }
0x2e: {  	v5 =	vld [tilespmem:s24+$0x2790]  }
0x2f: {  	v6 =	vld [tilespmem:s24+$0x27A0]  }
0x30: {  	v8 =	vld [tilespmem:s24+$0x27B0]  }
0x31: {  	v11 =	vld [tilespmem:s24+$0x27C0];
	v2 =	vmul.u32 $0x2800, v2  }
0x32: {  	v12 =	vld [tilespmem:s24+$0x27D0]  }
0x33: {  	v13 =	vld [tilespmem:s24+$0x27E0];
	v2 =	vadd.s32 v4, v2  }
0x34: {  	[tilespmem:s24+$0x4F70] =	vst v2;
	v2 =	vld [tilespmem:s24+$0x0]  }
0x35: {  	v14 =	vld [tilespmem:s24+$0x10]  }
0x36: {  	v9 =	vld [tilespmem:s24+$0x20]  }
0x37: {  	v7 =	vld [tilespmem:s24+$0x30];
	v3 =	vmul.u32 $0x2800, v3  }
0x38: {  	v15 =	vmul.u32 $0x2800, v5;
	v10 =	vmul.u32 $0x2800, v6;
	v4 =	vld [tilespmem:s24+$0x40]  }
0x39: {  	v5 =	vld [tilespmem:s24+$0x50];
	v8 =	vmul.u32 $0x2800, v8;
	v6 =	vmul.u32 $0x2800, v11;
	v2 =	vadd.s32 v2, v3  }
0x3a: {  	s25 =	simm.s32 $0x80;
	s26 =	simm.s32 $0x400;
	v11 =	vld [tilespmem:s24+$0x60];
	v3 =	vmul.u32 $0x2800, v12;
	v12 =	vadd.s32 v14, v15;
	[tilespmem:s24+$0x4F00] =	vst v2;
	v2 =	vmul.u32 $0x2800, v13  }
.LBB2_2:
0x3b: {  	p0 =	sne.s32 s26, $0x9A00;
	v13 =	vld [tilespmem:s25+$0x27F0];
	[tilespmem:s24+$0x4F10] =	vst v12;
	v9 =	vadd.s32 v9, v10  }
0x3c: {  	v10 =	vld [tilespmem:s25+$0x2780];
	[tilespmem:s24+$0x4F20] =	vst v9;
	v7 =	vadd.s32 v7, v8  }
0x3d: {  	v8 =	vld [tilespmem:s25+$0x70];
	[tilespmem:s24+$0x4F30] =	vst v7;
	v4 =	vadd.s32 v4, v6  }
0x3e: {  	v6 =	vld [tilespmem:s25+$0x2790];
	[tilespmem:s24+$0x4F40] =	vst v4;
	v3 =	vadd.s32 v5, v3  }
0x3f: {  	v4 =	vld [tilespmem:s25+$0x27A0];
	[tilespmem:s24+$0x4F50] =	vst v3;
	v2 =	vadd.s32 v11, v2  }
0x40: {  	v3 =	vld [tilespmem:s25+$0x27B0];
	v5 =	vmul.u32 $0x2800, v13;
	[tilespmem:s24+$0x4F60] =	vst v2;
	s24 =	smov.u32 s25  }
0x41: {  	v11 =	vmul.u32 $0x2800, v10;
	v2 =	vld [tilespmem:s24+$0x27C0]  }
0x42: {  	v12 =	vld [tilespmem:s24+$0x27D0];
	v5 =	vadd.s32 v8, v5  }
0x43: {  	v13 =	vmul.u32 $0x2800, v6;
	v14 =	vld [tilespmem:s24+$0x27E0];
	[tilespmem:s24+$0x4F70] =	vst v5  }
0x44: {  	v5 =	vld [tilespmem:s24+$0x0];
	v10 =	vmul.u32 $0x2800, v4  }
0x45: {  	v15 =	vld [tilespmem:s24+$0x10];
	v8 =	vmul.u32 $0x2800, v3  }
.Ltmp0:
0x46: {  	v9 =	vld [tilespmem:s24+$0x20];
	v6 =	vmul.u32 $0x2800, v2;
	(pc) =	sbr.rel @p0 .LBB2_2-.Ltmp0, $4  }
0x47: {  	v7 =	vld [tilespmem:s24+$0x30];
	v3 =	vmul.u32 $0x2800, v12  }
0x48: {  	v4 =	vld [tilespmem:s24+$0x40];
	v2 =	vmul.u32 $0x2800, v14  }
0x49: {  	v11 =	vadd.s32 v5, v11;
	v5 =	vld [tilespmem:s24+$0x50]  }
0x4a: {  	s25 =	sshra.s32 s26, $0x2;
	s26 =	sadd.s32 $0x200, s26;
	[tilespmem:s24+$0x4F00] =	vst v11;
	v12 =	vadd.s32 v15, v13;
	v11 =	vld [tilespmem:s24+$0x60]  }
0x4b: {  	v13 =	vld [tilespmem:s25+$0x27F0];
	[tilespmem:s24+$0x4F10] =	vst v12;
	v9 =	vadd.s32 v9, v10  }
0x4c: {  	v54 =	vld [tilespmem:s25+$0x2780];
	[tilespmem:s24+$0x4F20] =	vst v9;
	v7 =	vadd.s32 v7, v8  }
0x4d: {  	v55 =	vld [tilespmem:s25+$0x70];
	[tilespmem:s24+$0x4F30] =	vst v7;
	v4 =	vadd.s32 v4, v6  }
0x4e: {  	v56 =	vld [tilespmem:s25+$0x2790];
	[tilespmem:s24+$0x4F40] =	vst v4;
	v3 =	vadd.s32 v5, v3  }
0x4f: {  	v4 =	vld [tilespmem:s25+$0x27A0];
	[tilespmem:s24+$0x4F50] =	vst v3;
	v2 =	vadd.s32 v11, v2  }
0x50: {  	v3 =	vld [tilespmem:s25+$0x27B0];
	[tilespmem:s24+$0x4F60] =	vst v2  }
0x51: {  	v2 =	vmul.u32 $0x2800, v13;
	v57 =	vld [tilespmem:s25+$0x27C0]  }
0x52: {  	v7 =	vld [tilespmem:s25+$0x27D0]  }
0x53: {  	v58 =	vld [tilespmem:s25+$0x27E0];
	v2 =	vadd.s32 v55, v2  }
0x54: {  	[tilespmem:s25+$0x4F70] =	vst v2;
	v2 =	vld [tilespmem:s25+$0x0]  }
0x55: {  	v9 =	vld [tilespmem:s25+$0x10]  }
0x56: {  	v59 =	vld [tilespmem:s25+$0x20]  }
0x57: {  	v10 =	vmul.u32 $0x2800, v54;
	v12 =	vld [tilespmem:s25+$0x30]  }
0x58: {  	v60 =	vld [tilespmem:s25+$0x40];
	v6 =	vmul.u32 $0x2800, v56  }
0x59: {  	v61 =	vld [tilespmem:s25+$0x50];
	v4 =	vmul.u32 $0x2800, v4;
	v2 =	vadd.s32 v2, v10  }
0x5a: {  	v62 =	vld [tilespmem:s25+$0x60];
	[tilespmem:s25+$0x4F00] =	vst v2;
	v2 =	vmul.u32 $0x2800, v3;
	v3 =	vadd.s32 v9, v6  }
0x5b: {  	v5 =	vmul.u32 $0x2800, v57;
	[tilespmem:s25+$0x4F10] =	vst v3;
	v3 =	vadd.s32 v59, v4  }
0x5c: {  	v63 =	vmul.u32 $0x2800, v7;
	[tilespmem:s25+$0x4F20] =	vst v3;
	v2 =	vadd.s32 v12, v2  }
0x5d: {  	v3 =	vmul.u32 $0x2800, v58;
	[tilespmem:s25+$0x4F30] =	vst v2;
	v2 =	vadd.s32 v60, v5  }
0x5e: {  	[tilespmem:s25+$0x4F40] =	vst v2;
	v2 =	vadd.s32 v61, v63  }
0x5f: {  	[tilespmem:s25+$0x4F50] =	vst v2;
	v2 =	vadd.s32 v62, v3  }
0x60: {  	[tilespmem:s25+$0x4F60] =	vst v2  }
0x61: {  	v2 =	vld [tilespmem:$0x4E80]  }
0x62: {  	[tilespmem:$0x7610] =	vst v1  }
0x63: {  	v3 =	vld [tilespmem:$0x2700];
	[tilespmem:$0x7620] =	vst v1  }
0x64: {  	[tilespmem:$0x7630] =	vst v1  }
0x65: {  	[tilespmem:$0x7640] =	vst v1  }
0x66: {  	[tilespmem:$0x7650] =	vst v1;
	v2 =	vmul.u32 $0x2800, v2  }
0x67: {  	[tilespmem:$0x7660] =	vst v1  }
0x68: {  	[tilespmem:$0x7670] =	vst v1;
	v2 =	vadd.s32 v3, v2  }
0x69: {  	[tilespmem:$0x7600] =	vst v2  }
0x6a: {  	s26 =	simm.s32 $0x4F00;
	[bflag:$0x0] =	sbarrier.arrive $0xFFFF  }
0x6b: {  	[spmem:s2] =	stream.indirect.scatter.add.f32 [tilespmem:s16], [sflag:$0x1], $0x1, s26, s14, $0xb8;
	[tilespmem:$0xDB80] =	vst v63  }
0x6c: {  	s25 =	simm.s32 $0x4F80  }
0x6d: {  	[spmem:s2] =	stream.indirect.scatter.add.f32 [tilespmem:s16], [sflag:$0x1], $0x1, s25, s14, $0xb8;
	[tilespmem:$0xDB80] =	vst v63  }
0x6e: {  	s26 =	simm.s32 $0x5000  }
0x6f: {  	[spmem:s2] =	stream.indirect.scatter.add.f32 [tilespmem:s16], [sflag:$0x1], $0x1, s26, s14, $0xb8;
	[tilespmem:$0xDB80] =	vst v63  }
0x70: {  	s25 =	simm.s32 $0x5080  }
0x71: {  	[spmem:s2] =	stream.indirect.scatter.add.f32 [tilespmem:s16], [sflag:$0x1], $0x1, s25, s14, $0xb8;
	[tilespmem:$0xDB80] =	vst v63  }
0x72: {  	s26 =	simm.s32 $0x5100  }
0x73: {  	[spmem:s2] =	stream.indirect.scatter.add.f32 [tilespmem:s16], [sflag:$0x1], $0x1, s26, s14, $0xb8;
	[tilespmem:$0xDB80] =	vst v63  }
0x74: {  	s25 =	simm.s32 $0x5180  }
0x75: {  	[spmem:s2] =	stream.indirect.scatter.add.f32 [tilespmem:s16], [sflag:$0x1], $0x1, s25, s14, $0xb8;
	[tilespmem:$0xDB80] =	vst v63  }
0x76: {  	s26 =	simm.s32 $0x5200  }
0x77: {  	[spmem:s2] =	stream.indirect.scatter.add.f32 [tilespmem:s16], [sflag:$0x1], $0x1, s26, s14, $0xb8;
	[tilespmem:$0xDB80] =	vst v63  }
0x78: {  	s25 =	simm.s32 $0x5280  }
0x79: {  	[spmem:s2] =	stream.indirect.scatter.add.f32 [tilespmem:s16], [sflag:$0x1], $0x1, s25, s14, $0xb8;
	[tilespmem:$0xDB80] =	vst v63  }
0x7a: {  	s26 =	simm.s32 $0x5300  }
0x7b: {  	[spmem:s2] =	stream.indirect.scatter.add.f32 [tilespmem:s16], [sflag:$0x1], $0x1, s26, s14, $0xb8;
	[tilespmem:$0xDB80] =	vst v63  }
0x7c: {  	s25 =	simm.s32 $0x5380  }
0x7d: {  	[spmem:s2] =	stream.indirect.scatter.add.f32 [tilespmem:s16], [sflag:$0x1], $0x1, s25, s14, $0xb8;
	[tilespmem:$0xDB80] =	vst v63  }
0x7e: {  	s26 =	simm.s32 $0x5400  }
0x7f: {  	[spmem:s2] =	stream.indirect.scatter.add.f32 [tilespmem:s16], [sflag:$0x1], $0x1, s26, s14, $0xb8;
	[tilespmem:$0xDB80] =	vst v63  }
0x80: {  	s25 =	simm.s32 $0x5480  }
0x81: {  	[spmem:s2] =	stream.indirect.scatter.add.f32 [tilespmem:s16], [sflag:$0x1], $0x1, s25, s14, $0xb8;
	[tilespmem:$0xDB80] =	vst v63  }
0x82: {  	s26 =	simm.s32 $0x5500  }
0x83: {  	[spmem:s2] =	stream.indirect.scatter.add.f32 [tilespmem:s16], [sflag:$0x1], $0x1, s26, s14, $0xb8;
	[tilespmem:$0xDB80] =	vst v63  }
0x84: {  	s25 =	simm.s32 $0x5580  }
0x85: {  	[spmem:s2] =	stream.indirect.scatter.add.f32 [tilespmem:s16], [sflag:$0x1], $0x1, s25, s14, $0xb8;
	[tilespmem:$0xDB80] =	vst v63  }
0x86: {  	s26 =	simm.s32 $0x5600  }
0x87: {  	[spmem:s2] =	stream.indirect.scatter.add.f32 [tilespmem:s16], [sflag:$0x1], $0x1, s26, s14, $0xb8;
	[tilespmem:$0xDB80] =	vst v63  }
0x88: {  	s25 =	simm.s32 $0x5680  }
0x89: {  	[spmem:s2] =	stream.indirect.scatter.add.f32 [tilespmem:s16], [sflag:$0x1], $0x1, s25, s14, $0xb8;
	[tilespmem:$0xDB80] =	vst v63  }
0x8a: {  	s26 =	simm.s32 $0x5700  }
0x8b: {  	[spmem:s2] =	stream.indirect.scatter.add.f32 [tilespmem:s16], [sflag:$0x1], $0x1, s26, s14, $0xb8;
	[tilespmem:$0xDB80] =	vst v63  }
0x8c: {  	s25 =	simm.s32 $0x5780  }
0x8d: {  	[spmem:s2] =	stream.indirect.scatter.add.f32 [tilespmem:s16], [sflag:$0x1], $0x1, s25, s14, $0xb8;
	[tilespmem:$0xDB80] =	vst v63  }
0x8e: {  	s26 =	simm.s32 $0x5800  }
0x8f: {  	[spmem:s2] =	stream.indirect.scatter.add.f32 [tilespmem:s16], [sflag:$0x1], $0x1, s26, s14, $0xb8;
	[tilespmem:$0xDB80] =	vst v63  }
0x90: {  	s25 =	simm.s32 $0x5880  }
0x91: {  	[spmem:s2] =	stream.indirect.scatter.add.f32 [tilespmem:s16], [sflag:$0x1], $0x1, s25, s14, $0xb8;
	[tilespmem:$0xDB80] =	vst v63  }
0x92: {  	s26 =	simm.s32 $0x5900  }
0x93: {  	[spmem:s2] =	stream.indirect.scatter.add.f32 [tilespmem:s16], [sflag:$0x1], $0x1, s26, s14, $0xb8;
	[tilespmem:$0xDB80] =	vst v63  }
0x94: {  	s25 =	simm.s32 $0x5980  }
0x95: {  	[spmem:s2] =	stream.indirect.scatter.add.f32 [tilespmem:s16], [sflag:$0x1], $0x1, s25, s14, $0xb8;
	[tilespmem:$0xDB80] =	vst v63  }
0x96: {  	s26 =	simm.s32 $0x5A00  }
0x97: {  	[spmem:s2] =	stream.indirect.scatter.add.f32 [tilespmem:s16], [sflag:$0x1], $0x1, s26, s14, $0xb8;
	[tilespmem:$0xDB80] =	vst v63  }
0x98: {  	s25 =	simm.s32 $0x5A80  }
0x99: {  	[spmem:s2] =	stream.indirect.scatter.add.f32 [tilespmem:s16], [sflag:$0x1], $0x1, s25, s14, $0xb8;
	[tilespmem:$0xDB80] =	vst v63  }
0x9a: {  	s26 =	simm.s32 $0x5B00  }
0x9b: {  	[spmem:s2] =	stream.indirect.scatter.add.f32 [tilespmem:s16], [sflag:$0x1], $0x1, s26, s14, $0xb8;
	[tilespmem:$0xDB80] =	vst v63  }
0x9c: {  	s25 =	simm.s32 $0x5B80  }
0x9d: {  	[spmem:s2] =	stream.indirect.scatter.add.f32 [tilespmem:s16], [sflag:$0x1], $0x1, s25, s14, $0xb8;
	[tilespmem:$0xDB80] =	vst v63  }
0x9e: {  	s26 =	simm.s32 $0x5C00  }
0x9f: {  	[spmem:s2] =	stream.indirect.scatter.add.f32 [tilespmem:s16], [sflag:$0x1], $0x1, s26, s14, $0xb8;
	[tilespmem:$0xDB80] =	vst v63  }
0xa0: {  	s25 =	simm.s32 $0x5C80  }
0xa1: {  	[spmem:s2] =	stream.indirect.scatter.add.f32 [tilespmem:s16], [sflag:$0x1], $0x1, s25, s14, $0xb8;
	[tilespmem:$0xDB80] =	vst v63  }
0xa2: {  	s26 =	simm.s32 $0x5D00  }
0xa3: {  	[spmem:s2] =	stream.indirect.scatter.add.f32 [tilespmem:s16], [sflag:$0x1], $0x1, s26, s14, $0xb8;
	[tilespmem:$0xDB80] =	vst v63  }
0xa4: {  	s25 =	simm.s32 $0x5D80  }
0xa5: {  	[spmem:s2] =	stream.indirect.scatter.add.f32 [tilespmem:s16], [sflag:$0x1], $0x1, s25, s14, $0xb8;
	[tilespmem:$0xDB80] =	vst v63  }
0xa6: {  	s26 =	simm.s32 $0x5E00  }
0xa7: {  	[spmem:s2] =	stream.indirect.scatter.add.f32 [tilespmem:s16], [sflag:$0x1], $0x1, s26, s14, $0xb8;
	[tilespmem:$0xDB80] =	vst v63  }
0xa8: {  	s25 =	simm.s32 $0x5E80  }
0xa9: {  	[spmem:s2] =	stream.indirect.scatter.add.f32 [tilespmem:s16], [sflag:$0x1], $0x1, s25, s14, $0xb8;
	[tilespmem:$0xDB80] =	vst v63  }
0xaa: {  	s26 =	simm.s32 $0x5F00  }
0xab: {  	[spmem:s2] =	stream.indirect.scatter.add.f32 [tilespmem:s16], [sflag:$0x1], $0x1, s26, s14, $0xb8;
	[tilespmem:$0xDB80] =	vst v63  }
0xac: {  	s25 =	simm.s32 $0x5F80  }
0xad: {  	[spmem:s2] =	stream.indirect.scatter.add.f32 [tilespmem:s16], [sflag:$0x1], $0x1, s25, s14, $0xb8;
	[tilespmem:$0xDB80] =	vst v63  }
0xae: {  	s26 =	simm.s32 $0x6000  }
0xaf: {  	[spmem:s2] =	stream.indirect.scatter.add.f32 [tilespmem:s16], [sflag:$0x1], $0x1, s26, s14, $0xb8;
	[tilespmem:$0xDB80] =	vst v63  }
0xb0: {  	s25 =	simm.s32 $0x6080  }
0xb1: {  	[spmem:s2] =	stream.indirect.scatter.add.f32 [tilespmem:s16], [sflag:$0x1], $0x1, s25, s14, $0xb8;
	[tilespmem:$0xDB80] =	vst v63  }
0xb2: {  	s26 =	simm.s32 $0x6100  }
0xb3: {  	[spmem:s2] =	stream.indirect.scatter.add.f32 [tilespmem:s16], [sflag:$0x1], $0x1, s26, s14, $0xb8;
	[tilespmem:$0xDB80] =	vst v63  }
0xb4: {  	s25 =	simm.s32 $0x6180  }
0xb5: {  	[spmem:s2] =	stream.indirect.scatter.add.f32 [tilespmem:s16], [sflag:$0x1], $0x1, s25, s14, $0xb8;
	[tilespmem:$0xDB80] =	vst v63  }
0xb6: {  	s26 =	simm.s32 $0x6200  }
0xb7: {  	[spmem:s2] =	stream.indirect.scatter.add.f32 [tilespmem:s16], [sflag:$0x1], $0x1, s26, s14, $0xb8;
	[tilespmem:$0xDB80] =	vst v63  }
0xb8: {  	s25 =	simm.s32 $0x6280  }
0xb9: {  	[spmem:s2] =	stream.indirect.scatter.add.f32 [tilespmem:s16], [sflag:$0x1], $0x1, s25, s14, $0xb8;
	[tilespmem:$0xDB80] =	vst v63  }
0xba: {  	s26 =	simm.s32 $0x6300  }
0xbb: {  	[spmem:s2] =	stream.indirect.scatter.add.f32 [tilespmem:s16], [sflag:$0x1], $0x1, s26, s14, $0xb8;
	[tilespmem:$0xDB80] =	vst v63  }
0xbc: {  	s25 =	simm.s32 $0x6380  }
0xbd: {  	[spmem:s2] =	stream.indirect.scatter.add.f32 [tilespmem:s16], [sflag:$0x1], $0x1, s25, s14, $0xb8;
	[tilespmem:$0xDB80] =	vst v63  }
0xbe: {  	s26 =	simm.s32 $0x6400  }
0xbf: {  	[spmem:s2] =	stream.indirect.scatter.add.f32 [tilespmem:s16], [sflag:$0x1], $0x1, s26, s14, $0xb8;
	[tilespmem:$0xDB80] =	vst v63  }
0xc0: {  	s25 =	simm.s32 $0x6480  }
0xc1: {  	[spmem:s2] =	stream.indirect.scatter.add.f32 [tilespmem:s16], [sflag:$0x1], $0x1, s25, s14, $0xb8;
	[tilespmem:$0xDB80] =	vst v63  }
0xc2: {  	s26 =	simm.s32 $0x6500  }
0xc3: {  	[spmem:s2] =	stream.indirect.scatter.add.f32 [tilespmem:s16], [sflag:$0x1], $0x1, s26, s14, $0xb8;
	[tilespmem:$0xDB80] =	vst v63  }
0xc4: {  	s25 =	simm.s32 $0x6580  }
0xc5: {  	[spmem:s2] =	stream.indirect.scatter.add.f32 [tilespmem:s16], [sflag:$0x1], $0x1, s25, s14, $0xb8;
	[tilespmem:$0xDB80] =	vst v63  }
0xc6: {  	s26 =	simm.s32 $0x6600  }
0xc7: {  	[spmem:s2] =	stream.indirect.scatter.add.f32 [tilespmem:s16], [sflag:$0x1], $0x1, s26, s14, $0xb8;
	[tilespmem:$0xDB80] =	vst v63  }
0xc8: {  	s25 =	simm.s32 $0x6680  }
0xc9: {  	[spmem:s2] =	stream.indirect.scatter.add.f32 [tilespmem:s16], [sflag:$0x1], $0x1, s25, s14, $0xb8;
	[tilespmem:$0xDB80] =	vst v63  }
0xca: {  	s26 =	simm.s32 $0x6700  }
0xcb: {  	[spmem:s2] =	stream.indirect.scatter.add.f32 [tilespmem:s16], [sflag:$0x1], $0x1, s26, s14, $0xb8;
	[tilespmem:$0xDB80] =	vst v63  }
0xcc: {  	s25 =	simm.s32 $0x6780  }
0xcd: {  	[spmem:s2] =	stream.indirect.scatter.add.f32 [tilespmem:s16], [sflag:$0x1], $0x1, s25, s14, $0xb8;
	[tilespmem:$0xDB80] =	vst v63  }
0xce: {  	s26 =	simm.s32 $0x6800  }
0xcf: {  	[spmem:s2] =	stream.indirect.scatter.add.f32 [tilespmem:s16], [sflag:$0x1], $0x1, s26, s14, $0xb8;
	[tilespmem:$0xDB80] =	vst v63  }
0xd0: {  	s25 =	simm.s32 $0x6880  }
0xd1: {  	[spmem:s2] =	stream.indirect.scatter.add.f32 [tilespmem:s16], [sflag:$0x1], $0x1, s25, s14, $0xb8;
	[tilespmem:$0xDB80] =	vst v63  }
0xd2: {  	s26 =	simm.s32 $0x6900  }
0xd3: {  	[spmem:s2] =	stream.indirect.scatter.add.f32 [tilespmem:s16], [sflag:$0x1], $0x1, s26, s14, $0xb8;
	[tilespmem:$0xDB80] =	vst v63  }
0xd4: {  	s25 =	simm.s32 $0x6980  }
0xd5: {  	[spmem:s2] =	stream.indirect.scatter.add.f32 [tilespmem:s16], [sflag:$0x1], $0x1, s25, s14, $0xb8;
	[tilespmem:$0xDB80] =	vst v63  }
0xd6: {  	s26 =	simm.s32 $0x6A00  }
0xd7: {  	[spmem:s2] =	stream.indirect.scatter.add.f32 [tilespmem:s16], [sflag:$0x1], $0x1, s26, s14, $0xb8;
	[tilespmem:$0xDB80] =	vst v63  }
0xd8: {  	s25 =	simm.s32 $0x6A80  }
0xd9: {  	[spmem:s2] =	stream.indirect.scatter.add.f32 [tilespmem:s16], [sflag:$0x1], $0x1, s25, s14, $0xb8;
	[tilespmem:$0xDB80] =	vst v63  }
0xda: {  	s26 =	simm.s32 $0x6B00  }
0xdb: {  	[spmem:s2] =	stream.indirect.scatter.add.f32 [tilespmem:s16], [sflag:$0x1], $0x1, s26, s14, $0xb8;
	[tilespmem:$0xDB80] =	vst v63  }
0xdc: {  	s25 =	simm.s32 $0x6B80  }
0xdd: {  	[spmem:s2] =	stream.indirect.scatter.add.f32 [tilespmem:s16], [sflag:$0x1], $0x1, s25, s14, $0xb8;
	[tilespmem:$0xDB80] =	vst v63  }
0xde: {  	s26 =	simm.s32 $0x6C00  }
0xdf: {  	[spmem:s2] =	stream.indirect.scatter.add.f32 [tilespmem:s16], [sflag:$0x1], $0x1, s26, s14, $0xb8;
	[tilespmem:$0xDB80] =	vst v63  }
0xe0: {  	s25 =	simm.s32 $0x6C80  }
0xe1: {  	[spmem:s2] =	stream.indirect.scatter.add.f32 [tilespmem:s16], [sflag:$0x1], $0x1, s25, s14, $0xb8;
	[tilespmem:$0xDB80] =	vst v63  }
0xe2: {  	s26 =	simm.s32 $0x6D00  }
0xe3: {  	[spmem:s2] =	stream.indirect.scatter.add.f32 [tilespmem:s16], [sflag:$0x1], $0x1, s26, s14, $0xb8;
	[tilespmem:$0xDB80] =	vst v63  }
0xe4: {  	s25 =	simm.s32 $0x6D80  }
0xe5: {  	[spmem:s2] =	stream.indirect.scatter.add.f32 [tilespmem:s16], [sflag:$0x1], $0x1, s25, s14, $0xb8;
	[tilespmem:$0xDB80] =	vst v63  }
0xe6: {  	s26 =	simm.s32 $0x6E00  }
0xe7: {  	[spmem:s2] =	stream.indirect.scatter.add.f32 [tilespmem:s16], [sflag:$0x1], $0x1, s26, s14, $0xb8;
	[tilespmem:$0xDB80] =	vst v63  }
0xe8: {  	s25 =	simm.s32 $0x6E80  }
0xe9: {  	[spmem:s2] =	stream.indirect.scatter.add.f32 [tilespmem:s16], [sflag:$0x1], $0x1, s25, s14, $0xb8;
	[tilespmem:$0xDB80] =	vst v63  }
0xea: {  	s26 =	simm.s32 $0x6F00  }
0xeb: {  	[spmem:s2] =	stream.indirect.scatter.add.f32 [tilespmem:s16], [sflag:$0x1], $0x1, s26, s14, $0xb8;
	[tilespmem:$0xDB80] =	vst v63  }
0xec: {  	_ = 	snop  }
0xed: {  	[spmem:s2] =	stream.indirect.scatter.add.f32 [tilespmem:s16], [sflag:$0x1], $0x1, s28, s14, $0xb8;
	[tilespmem:$0xDB80] =	vst v63  }
0xee: {  	_ = 	snop  }
0xef: {  	[spmem:s2] =	stream.indirect.scatter.add.f32 [tilespmem:s16], [sflag:$0x1], $0x1, s29, s14, $0xb8;
	[tilespmem:$0xDB80] =	vst v63  }
0xf0: {  	_ = 	snop  }
0xf1: {  	[spmem:s2] =	stream.indirect.scatter.add.f32 [tilespmem:s16], [sflag:$0x1], $0x1, s30, s14, $0xb8;
	[tilespmem:$0xDB80] =	vst v63  }
0xf2: {  	_ = 	snop  }
0xf3: {  	[spmem:s2] =	stream.indirect.scatter.add.f32 [tilespmem:s16], [sflag:$0x1], $0x1, s31, s14, $0xb8;
	[tilespmem:$0xDB80] =	vst v63  }
0xf4: {  	_ = 	snop  }
0xf5: {  	[spmem:s2] =	stream.indirect.scatter.add.f32 [tilespmem:s16], [sflag:$0x1], $0x1, s1, s14, $0xb8;
	[tilespmem:$0xDB80] =	vst v63  }
0xf6: {  	_ = 	snop  }
0xf7: {  	[spmem:s2] =	stream.indirect.scatter.add.f32 [tilespmem:s16], [sflag:$0x1], $0x1, s0, s14, $0xb8;
	[tilespmem:$0xDB80] =	vst v63  }
0xf8: {  	_ = 	snop  }
0xf9: {  	[spmem:s2] =	stream.indirect.scatter.add.f32 [tilespmem:s16], [sflag:$0x1], $0x1, s12, s14, $0xb8;
	[tilespmem:$0xDB80] =	vst v63  }
0xfa: {  	_ = 	snop  }
0xfb: {  	[spmem:s2] =	stream.indirect.scatter.add.f32 [tilespmem:s16], [sflag:$0x1], $0x1, s15, s14, $0xb8;
	[tilespmem:$0xDB80] =	vst v63  }
0xfc: {  	_ = 	snop  }
0xfd: {  	[spmem:s2] =	stream.indirect.scatter.add.f32 [tilespmem:s16], [sflag:$0x1], $0x1, s17, s14, $0xb8;
	[tilespmem:$0xDB80] =	vst v63  }
0xfe: {  	_ = 	snop  }
0xff: {  	[spmem:s2] =	stream.indirect.scatter.add.f32 [tilespmem:s16], [sflag:$0x1], $0x1, s18, s14, $0xb8;
	[tilespmem:$0xDB80] =	vst v63  }
0x100: {  	_ = 	snop  }
0x101: {  	[spmem:s2] =	stream.indirect.scatter.add.f32 [tilespmem:s16], [sflag:$0x1], $0x1, s19, s14, $0xb8;
	[tilespmem:$0xDB80] =	vst v63  }
0x102: {  	_ = 	snop  }
0x103: {  	[spmem:s2] =	stream.indirect.scatter.add.f32 [tilespmem:s16], [sflag:$0x1], $0x1, s20, s14, $0xb8;
	[tilespmem:$0xDB80] =	vst v63  }
0x104: {  	_ = 	snop  }
0x105: {  	[spmem:s2] =	stream.indirect.scatter.add.f32 [tilespmem:s16], [sflag:$0x1], $0x1, s21, s14, $0xb8;
	[tilespmem:$0xDB80] =	vst v63  }
0x106: {  	_ = 	snop  }
0x107: {  	[spmem:s2] =	stream.indirect.scatter.add.f32 [tilespmem:s16], [sflag:$0x1], $0x1, s22, s14, $0xb8;
	[tilespmem:$0xDB80] =	vst v63  }
0x108: {  	_ =	swait.ge [sflag:s13], $0x80  }
0x109: {  	[sflag:s13] =	ssyncset.done $0x0  }
0x10a: {  	[sflag:s13] =	ssyncadd.s32 $0xFFFFFF80  }
0x10b: {  	_ =	swait.ge [sflag:s13], $0x80  }
0x10c: {  	[sflag:s13] =	ssyncset.done $0x0  }
0x10d: {  	[sflag:s13] =	ssyncadd.s32 $0xFFFFFF80  }
0x10e: {  	_ =	swait.ge [sflag:s13], $0x80  }
0x10f: {  	[sflag:s13] =	ssyncset.done $0x0  }
0x110: {  	[sflag:s13] =	ssyncadd.s32 $0xFFFFFF80  }
0x111: {  	_ =	swait.ge [sflag:s13], $0x80  }
0x112: {  	[sflag:s13] =	ssyncset.done $0x0  }
0x113: {  	[sflag:s13] =	ssyncadd.s32 $0xFFFFFF80  }
0x114: {  	_ =	swait.ge [sflag:s13], $0x80  }
0x115: {  	[sflag:s13] =	ssyncset.done $0x0  }
0x116: {  	[sflag:s13] =	ssyncadd.s32 $0xFFFFFF80  }
0x117: {  	_ =	swait.ge [sflag:s13], $0x80  }
0x118: {  	[sflag:s13] =	ssyncset.done $0x0  }
0x119: {  	[sflag:s13] =	ssyncadd.s32 $0xFFFFFF80  }
0x11a: {  	_ =	swait.ge [sflag:s13], $0x80  }
0x11b: {  	[sflag:s13] =	ssyncset.done $0x0  }
0x11c: {  	[sflag:s13] =	ssyncadd.s32 $0xFFFFFF80  }
0x11d: {  	_ =	swait.ge [sflag:s13], $0x80  }
0x11e: {  	[sflag:s13] =	ssyncset.done $0x0  }
0x11f: {  	[sflag:s13] =	ssyncadd.s32 $0xFFFFFF80  }
0x120: {  	_ =	swait.ge [sflag:s13], $0x80  }
0x121: {  	[sflag:s13] =	ssyncset.done $0x0  }
0x122: {  	[sflag:s13] =	ssyncadd.s32 $0xFFFFFF80  }
0x123: {  	_ =	swait.ge [sflag:s13], $0x80  }
0x124: {  	[sflag:s13] =	ssyncset.done $0x0  }
0x125: {  	[sflag:s13] =	ssyncadd.s32 $0xFFFFFF80  }
0x126: {  	_ =	swait.ge [sflag:s13], $0x80  }
0x127: {  	[sflag:s13] =	ssyncset.done $0x0  }
0x128: {  	[sflag:s13] =	ssyncadd.s32 $0xFFFFFF80  }
0x129: {  	_ =	swait.ge [sflag:s13], $0x80  }
0x12a: {  	[sflag:s13] =	ssyncset.done $0x0  }
0x12b: {  	[sflag:s13] =	ssyncadd.s32 $0xFFFFFF80  }
0x12c: {  	_ =	swait.ge [sflag:s13], $0x80  }
0x12d: {  	[sflag:s13] =	ssyncset.done $0x0  }
0x12e: {  	[sflag:s13] =	ssyncadd.s32 $0xFFFFFF80  }
0x12f: {  	_ =	swait.ge [sflag:s13], $0x80  }
0x130: {  	[sflag:s13] =	ssyncset.done $0x0  }
0x131: {  	[sflag:s13] =	ssyncadd.s32 $0xFFFFFF80  }
0x132: {  	_ =	swait.ge [sflag:s13], $0x80  }
0x133: {  	[sflag:s13] =	ssyncset.done $0x0  }
0x134: {  	[sflag:s13] =	ssyncadd.s32 $0xFFFFFF80  }
0x135: {  	_ =	swait.ge [sflag:s13], $0x80  }
0x136: {  	[sflag:s13] =	ssyncset.done $0x0  }
0x137: {  	[sflag:s13] =	ssyncadd.s32 $0xFFFFFF80  }
0x138: {  	_ =	swait.ge [sflag:s13], $0x80  }
0x139: {  	[sflag:s13] =	ssyncset.done $0x0  }
0x13a: {  	[sflag:s13] =	ssyncadd.s32 $0xFFFFFF80  }
0x13b: {  	_ =	swait.ge [sflag:s13], $0x80  }
0x13c: {  	[sflag:s13] =	ssyncset.done $0x0  }
0x13d: {  	[sflag:s13] =	ssyncadd.s32 $0xFFFFFF80  }
0x13e: {  	_ =	swait.ge [sflag:s13], $0x80  }
0x13f: {  	[sflag:s13] =	ssyncset.done $0x0  }
0x140: {  	[sflag:s13] =	ssyncadd.s32 $0xFFFFFF80  }
0x141: {  	_ =	swait.ge [sflag:s13], $0x80  }
0x142: {  	[sflag:s13] =	ssyncset.done $0x0  }
0x143: {  	[sflag:s13] =	ssyncadd.s32 $0xFFFFFF80  }
0x144: {  	_ =	swait.ge [sflag:s13], $0x80  }
0x145: {  	[sflag:s13] =	ssyncset.done $0x0  }
0x146: {  	[sflag:s13] =	ssyncadd.s32 $0xFFFFFF80  }
0x147: {  	_ =	swait.ge [sflag:s13], $0x80  }
0x148: {  	[sflag:s13] =	ssyncset.done $0x0  }
0x149: {  	[sflag:s13] =	ssyncadd.s32 $0xFFFFFF80  }
0x14a: {  	_ =	swait.ge [sflag:s13], $0x80  }
0x14b: {  	[sflag:s13] =	ssyncset.done $0x0  }
0x14c: {  	[sflag:s13] =	ssyncadd.s32 $0xFFFFFF80  }
0x14d: {  	_ =	swait.ge [sflag:s13], $0x80  }
0x14e: {  	[sflag:s13] =	ssyncset.done $0x0  }
0x14f: {  	[sflag:s13] =	ssyncadd.s32 $0xFFFFFF80  }
0x150: {  	_ =	swait.ge [sflag:s13], $0x80  }
0x151: {  	[sflag:s13] =	ssyncset.done $0x0  }
0x152: {  	[sflag:s13] =	ssyncadd.s32 $0xFFFFFF80  }
0x153: {  	_ =	swait.ge [sflag:s13], $0x80  }
0x154: {  	[sflag:s13] =	ssyncset.done $0x0  }
0x155: {  	[sflag:s13] =	ssyncadd.s32 $0xFFFFFF80  }
0x156: {  	_ =	swait.ge [sflag:s13], $0x80  }
0x157: {  	[sflag:s13] =	ssyncset.done $0x0  }
0x158: {  	[sflag:s13] =	ssyncadd.s32 $0xFFFFFF80  }
0x159: {  	_ =	swait.ge [sflag:s13], $0x80  }
0x15a: {  	[sflag:s13] =	ssyncset.done $0x0  }
0x15b: {  	[sflag:s13] =	ssyncadd.s32 $0xFFFFFF80  }
0x15c: {  	_ =	swait.ge [sflag:s13], $0x80  }
0x15d: {  	[sflag:s13] =	ssyncset.done $0x0  }
0x15e: {  	[sflag:s13] =	ssyncadd.s32 $0xFFFFFF80  }
0x15f: {  	_ =	swait.ge [sflag:s13], $0x80  }
0x160: {  	[sflag:s13] =	ssyncset.done $0x0  }
0x161: {  	[sflag:s13] =	ssyncadd.s32 $0xFFFFFF80  }
0x162: {  	_ =	swait.ge [sflag:s13], $0x80  }
0x163: {  	[sflag:s13] =	ssyncset.done $0x0  }
0x164: {  	[sflag:s13] =	ssyncadd.s32 $0xFFFFFF80  }
0x165: {  	_ =	swait.ge [sflag:s13], $0x80  }
0x166: {  	[sflag:s13] =	ssyncset.done $0x0  }
0x167: {  	[sflag:s13] =	ssyncadd.s32 $0xFFFFFF80  }
0x168: {  	_ =	swait.ge [sflag:s13], $0x80  }
0x169: {  	[sflag:s13] =	ssyncset.done $0x0  }
0x16a: {  	[sflag:s13] =	ssyncadd.s32 $0xFFFFFF80  }
0x16b: {  	_ =	swait.ge [sflag:s13], $0x80  }
0x16c: {  	[sflag:s13] =	ssyncset.done $0x0  }
0x16d: {  	[sflag:s13] =	ssyncadd.s32 $0xFFFFFF80  }
0x16e: {  	_ =	swait.ge [sflag:s13], $0x80  }
0x16f: {  	[sflag:s13] =	ssyncset.done $0x0  }
0x170: {  	[sflag:s13] =	ssyncadd.s32 $0xFFFFFF80  }
0x171: {  	_ =	swait.ge [sflag:s13], $0x80  }
0x172: {  	[sflag:s13] =	ssyncset.done $0x0  }
0x173: {  	[sflag:s13] =	ssyncadd.s32 $0xFFFFFF80  }
0x174: {  	_ =	swait.ge [sflag:s13], $0x80  }
0x175: {  	[sflag:s13] =	ssyncset.done $0x0  }
0x176: {  	[sflag:s13] =	ssyncadd.s32 $0xFFFFFF80  }
0x177: {  	_ =	swait.ge [sflag:s13], $0x80  }
0x178: {  	[sflag:s13] =	ssyncset.done $0x0  }
0x179: {  	[sflag:s13] =	ssyncadd.s32 $0xFFFFFF80  }
0x17a: {  	_ =	swait.ge [sflag:s13], $0x80  }
0x17b: {  	[sflag:s13] =	ssyncset.done $0x0  }
0x17c: {  	[sflag:s13] =	ssyncadd.s32 $0xFFFFFF80  }
0x17d: {  	_ =	swait.ge [sflag:s13], $0x80  }
0x17e: {  	[sflag:s13] =	ssyncset.done $0x0  }
0x17f: {  	[sflag:s13] =	ssyncadd.s32 $0xFFFFFF80  }
0x180: {  	_ =	swait.ge [sflag:s13], $0x80  }
0x181: {  	[sflag:s13] =	ssyncset.done $0x0  }
0x182: {  	[sflag:s13] =	ssyncadd.s32 $0xFFFFFF80  }
0x183: {  	_ =	swait.ge [sflag:s13], $0x80  }
0x184: {  	[sflag:s13] =	ssyncset.done $0x0  }
0x185: {  	[sflag:s13] =	ssyncadd.s32 $0xFFFFFF80  }
0x186: {  	_ =	swait.ge [sflag:s13], $0x80  }
0x187: {  	[sflag:s13] =	ssyncset.done $0x0  }
0x188: {  	[sflag:s13] =	ssyncadd.s32 $0xFFFFFF80  }
0x189: {  	_ =	swait.ge [sflag:s13], $0x80  }
0x18a: {  	[sflag:s13] =	ssyncset.done $0x0  }
0x18b: {  	[sflag:s13] =	ssyncadd.s32 $0xFFFFFF80  }
0x18c: {  	_ =	swait.ge [sflag:s13], $0x80  }
0x18d: {  	[sflag:s13] =	ssyncset.done $0x0  }
0x18e: {  	[sflag:s13] =	ssyncadd.s32 $0xFFFFFF80  }
0x18f: {  	_ =	swait.ge [sflag:s13], $0x80  }
0x190: {  	[sflag:s13] =	ssyncset.done $0x0  }
0x191: {  	[sflag:s13] =	ssyncadd.s32 $0xFFFFFF80  }
0x192: {  	_ =	swait.ge [sflag:s13], $0x80  }
0x193: {  	[sflag:s13] =	ssyncset.done $0x0  }
0x194: {  	[sflag:s13] =	ssyncadd.s32 $0xFFFFFF80  }
0x195: {  	_ =	swait.ge [sflag:s13], $0x80  }
0x196: {  	[sflag:s13] =	ssyncset.done $0x0  }
0x197: {  	[sflag:s13] =	ssyncadd.s32 $0xFFFFFF80  }
0x198: {  	_ =	swait.ge [sflag:s13], $0x80  }
0x199: {  	[sflag:s13] =	ssyncset.done $0x0  }
0x19a: {  	[sflag:s13] =	ssyncadd.s32 $0xFFFFFF80  }
0x19b: {  	_ =	swait.ge [sflag:s13], $0x80  }
0x19c: {  	[sflag:s13] =	ssyncset.done $0x0  }
0x19d: {  	[sflag:s13] =	ssyncadd.s32 $0xFFFFFF80  }
0x19e: {  	_ =	swait.ge [sflag:s13], $0x80  }
0x19f: {  	[sflag:s13] =	ssyncset.done $0x0  }
0x1a0: {  	[sflag:s13] =	ssyncadd.s32 $0xFFFFFF80  }
0x1a1: {  	_ =	swait.ge [sflag:s13], $0x80  }
0x1a2: {  	[sflag:s13] =	ssyncset.done $0x0  }
0x1a3: {  	[sflag:s13] =	ssyncadd.s32 $0xFFFFFF80  }
0x1a4: {  	_ =	swait.ge [sflag:s13], $0x80  }
0x1a5: {  	[sflag:s13] =	ssyncset.done $0x0  }
0x1a6: {  	[sflag:s13] =	ssyncadd.s32 $0xFFFFFF80  }
0x1a7: {  	_ =	swait.ge [sflag:s13], $0x80  }
0x1a8: {  	[sflag:s13] =	ssyncset.done $0x0  }
0x1a9: {  	[sflag:s13] =	ssyncadd.s32 $0xFFFFFF80  }
0x1aa: {  	_ =	swait.ge [sflag:s13], $0x80  }
0x1ab: {  	[sflag:s13] =	ssyncset.done $0x0  }
0x1ac: {  	[sflag:s13] =	ssyncadd.s32 $0xFFFFFF80  }
0x1ad: {  	_ =	swait.ge [sflag:s13], $0x80  }
0x1ae: {  	[sflag:s13] =	ssyncset.done $0x0  }
0x1af: {  	[sflag:s13] =	ssyncadd.s32 $0xFFFFFF80  }
0x1b0: {  	_ =	swait.ge [sflag:s13], $0x80  }
0x1b1: {  	[sflag:s13] =	ssyncset.done $0x0  }
0x1b2: {  	[sflag:s13] =	ssyncadd.s32 $0xFFFFFF80  }
0x1b3: {  	_ =	swait.ge [sflag:s13], $0x80  }
0x1b4: {  	[sflag:s13] =	ssyncset.done $0x0  }
0x1b5: {  	[sflag:s13] =	ssyncadd.s32 $0xFFFFFF80  }
0x1b6: {  	_ =	swait.ge [sflag:s13], $0x80  }
0x1b7: {  	[sflag:s13] =	ssyncset.done $0x0  }
0x1b8: {  	[sflag:s13] =	ssyncadd.s32 $0xFFFFFF80  }
0x1b9: {  	_ =	swait.ge [sflag:s13], $0x80  }
0x1ba: {  	[sflag:s13] =	ssyncset.done $0x0  }
0x1bb: {  	[sflag:s13] =	ssyncadd.s32 $0xFFFFFF80  }
0x1bc: {  	_ =	swait.ge [sflag:s13], $0x80  }
0x1bd: {  	[sflag:s13] =	ssyncset.done $0x0  }
0x1be: {  	[sflag:s13] =	ssyncadd.s32 $0xFFFFFF80  }
0x1bf: {  	_ =	swait.ge [sflag:s13], $0x80  }
0x1c0: {  	[sflag:s13] =	ssyncset.done $0x0  }
0x1c1: {  	[sflag:s13] =	ssyncadd.s32 $0xFFFFFF80  }
0x1c2: {  	_ =	swait.ge [sflag:s13], $0x80  }
0x1c3: {  	[sflag:s13] =	ssyncset.done $0x0  }
0x1c4: {  	[sflag:s13] =	ssyncadd.s32 $0xFFFFFF80  }
0x1c5: {  	_ =	swait.ge [sflag:s13], $0x80  }
0x1c6: {  	[sflag:s13] =	ssyncset.done $0x0  }
0x1c7: {  	[sflag:s13] =	ssyncadd.s32 $0xFFFFFF80  }
0x1c8: {  	_ =	swait.ge [sflag:s13], $0x80  }
0x1c9: {  	[sflag:s13] =	ssyncset.done $0x0  }
0x1ca: {  	[sflag:s13] =	ssyncadd.s32 $0xFFFFFF80  }
0x1cb: {  	_ =	swait.ge [sflag:s13], $0x80  }
0x1cc: {  	[sflag:s13] =	ssyncset.done $0x0  }
0x1cd: {  	[sflag:s13] =	ssyncadd.s32 $0xFFFFFF80  }
0x1ce: {  	_ =	swait.ge [sflag:s13], $0x80  }
0x1cf: {  	[sflag:s13] =	ssyncset.done $0x0  }
0x1d0: {  	[sflag:s13] =	ssyncadd.s32 $0xFFFFFF80  }
0x1d1: {  	_ =	swait.ge [sflag:s13], $0x80  }
0x1d2: {  	[sflag:s13] =	ssyncset.done $0x0  }
0x1d3: {  	[sflag:s13] =	ssyncadd.s32 $0xFFFFFF80  }
0x1d4: {  	_ =	swait.ge [sflag:s13], $0x80  }
0x1d5: {  	[sflag:s13] =	ssyncset.done $0x0  }
0x1d6: {  	[sflag:s13] =	ssyncadd.s32 $0xFFFFFF80  }
0x1d7: {  	_ =	swait.ge [sflag:s13], $0x80  }
0x1d8: {  	[sflag:s13] =	ssyncset.done $0x0  }
0x1d9: {  	[sflag:s13] =	ssyncadd.s32 $0xFFFFFF80  }
0x1da: {  	_ =	swait.ge [sflag:s13], $0x80  }
0x1db: {  	[sflag:s13] =	ssyncset.done $0x0  }
0x1dc: {  	[sflag:s13] =	ssyncadd.s32 $0xFFFFFF80  }
0x1dd: {  	_ =	swait.ge [sflag:s13], $0x80  }
0x1de: {  	[sflag:s13] =	ssyncset.done $0x0  }
0x1df: {  	[sflag:s13] =	ssyncadd.s32 $0xFFFFFF80  }
0x1e0: {  	_ =	swait.ge [sflag:s13], $0x80  }
0x1e1: {  	[sflag:s13] =	ssyncset.done $0x0  }
0x1e2: {  	[sflag:s13] =	ssyncadd.s32 $0xFFFFFF80  }
0x1e3: {  	_ =	swait.ge [sflag:s13], $0x80  }
0x1e4: {  	[sflag:s13] =	ssyncset.done $0x0  }
0x1e5: {  	[sflag:s13] =	ssyncadd.s32 $0xFFFFFF80  }
0x1e6: {  	_ =	swait.ge [sflag:s13], $0x80  }
0x1e7: {  	[sflag:s13] =	ssyncset.done $0x0  }
0x1e8: {  	[sflag:s13] =	ssyncadd.s32 $0xFFFFFF80  }
0x1e9: {  	_ =	swait.ge [sflag:s13], $0x80  }
0x1ea: {  	[sflag:s13] =	ssyncset.done $0x0  }
0x1eb: {  	[sflag:s13] =	ssyncadd.s32 $0xFFFFFF80  }
0x1ec: {  	_ =	swait.ge [sflag:s13], $0x80  }
0x1ed: {  	[sflag:s13] =	ssyncset.done $0x0  }
0x1ee: {  	[sflag:s13] =	ssyncadd.s32 $0xFFFFFF80  }
0x1ef: {  	_ =	swait.ge [sflag:s13], $0x80  }
0x1f0: {  	[sflag:s13] =	ssyncset.done $0x0  }
0x1f1: {  	[sflag:s13] =	ssyncadd.s32 $0xFFFFFF80  }
0x1f2: {  	_ =	swait.ge [sflag:s13], $0x80  }
0x1f3: {  	[sflag:s13] =	ssyncset.done $0x0  }
0x1f4: {  	[sflag:s13] =	ssyncadd.s32 $0xFFFFFF80  }
0x1f5: {  	[bflag:$0x0] =	sbarrier.arrive $0xFFFF  }
0x1f6: {  	[tilespmem:s10], [sflag:$0x2] =	stream.linear.gather [spmem:s5], $0x3200, $0x38;
	[tilespmem:$0xDB80] =	vst v63  }
0x1f7: {  	s23 =	sadd.s32 $0x1, s23;
	_ =	swait.ge [sflag:s11], $0x3200  }
0x1f8: {  	p0 =	sne.s32 s23, s9;
	[sflag:s11] =	ssyncset.done $0x0  }
.Ltmp1:
0x1f9: {  	[sflag:s11] =	ssyncadd.s32 $0xFFFFCE00;
	(pc) =	sbr.rel @p0 .LBB2_1-.Ltmp1, $4  }
0x1fa: {  	[hbm4b:s8+s3] =	stream.linear.scatter [tilespmem:s10], [sflag:$0x2], $0x3200, $0x38;
	[tilespmem:$0xDB80] =	vst v63  }
0x1fb: {  	_ =	swait.ge [sflag:s11], $0x3200  }
0x1fc: {  	[sflag:s11] =	ssyncset.done $0x0  }
0x1fd: {  	[sflag:s11] =	ssyncadd.s32 $0xFFFFCE00  }
0x1fe: {  	_ =	sfence.sel $0x180000  }
0x1ff: {  	[bflag:$0x0] =	sbarrier.arrive $0xFFFF  }
0x200: {  	_ =	strace $0x90000047  }
0x201: {  	s0 =	stileid.u32;
	[bflag:$0x2] =	sbarrier.arrive $0xFFFF  }
0x202: {  	p0 =	sne.s32 s0, $0x0;
	s0 =	rddreg [dreg:$0x4]  }
0x203: {  	s0 =	sadd.s32 @!p0 $0x100000, s0  }
0x204: {  	[sflag:s0] =	ssyncadd.tile.s32 @!p0 $0x1;
	_ =	shalt  }
.Lfunc_end2:
_tile_overlayer_lowered:
.L_overlay_start_2:
0x205: {  	(tag) =	ssettag $0x2  }
0x206: {  	s0 =	rddreg [dreg:$0x0];
	s2 =	stileid.u32  }
0x207: {  	s1 =	rddreg [dreg:$0x1];
	p0 =	sne.s32 s2, $0x0  }
0x208: {  	s3 =	rddreg [dreg:$0x2];
	[bflag:$0x3] =	sbarrier.arrive $0xFFFF;
	s2 =	simm.s32 @!p0 $0x1C02  }
0x209: {  	[timem:s3], [sflag:s2] =	dma.local @!p0 [hbm:s0], s1  }
0x20a: {  	s0 =	simm.s32 @!p0 $0x2  }
0x20b: {  	_ =	swait.ge @!p0 [sflag:s0], s1  }
0x20c: {  	s1 =	ssub.s32 @!p0 $0x0, s1;
	[sflag:s0] =	ssyncset.done @!p0 $0x0  }
0x20d: {  	[sflag:s0] =	ssyncadd.s32 @!p0 s1  }
0x20e: {  	[bflag:$0x3] =	sbarrier.arrive $0xFFFF  }
0x20f: {  	_ =	shalt  }

</sc_bundles>
